<compile_context>
chip_gen: v7x
topology: tpu7x:2x2x1
jax: 0.10.2.dev20260603
libtpu: 0.0.44.dev20260713+nightly
codegen_flags: <defaults>
</compile_context>

<pallas_src>
import jax
import jax.numpy as jnp
import numpy as np
from jax import lax
from jax.experimental import pallas as pl
from jax.experimental.pallas import tpu as pltpu
from jax.experimental.pallas import tpu_sc as plsc

_N = 10000
_E = 320000
_IN = 128
_H = 8
_D = 16
_HD = _H * _D

_NC = 2
_NS = 16
_EPC = _E // _NC
_EPW = _EPC // _NS
_CB = 40
_NCH = _EPW // _CB
_NRC = _N // _CB
_RCPS = -(-_NRC // _NS)
_DCH = 200
_NDC = _N // _DCH
_DCPS = -(-_NDC // _NS)

_BLK = 1000


def _proj_body(x_ref, qw_ref, kw_ref, vw_ref, qb_ref, kb_ref, vb_ref,
               q_ref, kv_ref):
    xb = x_ref[...]
    q_ref[...] = jnp.dot(xb, qw_ref[...], preferred_element_type=jnp.float32) + qb_ref[...]
    kv_ref[:, :_HD] = jnp.dot(xb, kw_ref[...], preferred_element_type=jnp.float32) + kb_ref[...]
    kv_ref[:, _HD:] = jnp.dot(xb, vw_ref[...], preferred_element_type=jnp.float32) + vb_ref[...]


_proj = pl.pallas_call(
    _proj_body,
    grid=(_N // _BLK,),
    in_specs=[
        pl.BlockSpec((_BLK, _IN), lambda i: (i, 0)),
        pl.BlockSpec((_IN, _HD), lambda i: (0, 0)),
        pl.BlockSpec((_IN, _HD), lambda i: (0, 0)),
        pl.BlockSpec((_IN, _HD), lambda i: (0, 0)),
        pl.BlockSpec((1, _HD), lambda i: (0, 0)),
        pl.BlockSpec((1, _HD), lambda i: (0, 0)),
        pl.BlockSpec((1, _HD), lambda i: (0, 0)),
    ],
    out_specs=[pl.BlockSpec((_BLK, _HD), lambda i: (i, 0)),
               pl.BlockSpec((_BLK, 2 * _HD), lambda i: (i, 0))],
    out_shape=[jax.ShapeDtypeStruct((_N, _HD), jnp.float32),
               jax.ShapeDtypeStruct((_N, 2 * _HD), jnp.float32)],
)


def _sum_body(p_ref, o_ref):
    o_ref[...] = p_ref[0] + p_ref[1]


_sum2 = pl.pallas_call(
    _sum_body,
    grid=(_N // _BLK,),
    in_specs=[pl.BlockSpec((_NC, _BLK, _HD), lambda i: (0, i, 0))],
    out_specs=pl.BlockSpec((_BLK, _HD), lambda i: (i, 0)),
    out_shape=jax.ShapeDtypeStruct((_N, _HD), jnp.float32),
)


def _dyn_gather(x, idx):
    return lax.gather(
        x, idx[:, None],
        lax.GatherDimensionNumbers(offset_dims=(), collapsed_slice_dims=(0,),
                                   start_index_map=(0,)),
        slice_sizes=(1,), mode=lax.GatherScatterMode.PROMISE_IN_BOUNDS)


def _edge_body(qh, kvh, src, dst, out,
               wv, srcv0, dstv0, sdst0, kvrows0, qrows0, msg0,
               srcv1, dstv1, sdst1, kvrows1, qrows1, msg1,
               isem0, gsem0, ssem0, isem1, gsem1, ssem1):
    cid = lax.axis_index("c")
    sid = lax.axis_index("s")
    bufs = ((srcv0, dstv0, sdst0, kvrows0, qrows0, msg0, isem0, gsem0, ssem0),
            (srcv1, dstv1, sdst1, kvrows1, qrows1, msg1, isem1, gsem1, ssem1))
    zero16 = jnp.zeros((_D,), jnp.float32)
    iot = lax.iota(jnp.int32, _D)
    fold_idx = iot ^ _H

    ebase = cid * _EPC + sid * _EPW

    def _start_idx(g, bi):
        srcv, dstv = bufs[bi][0], bufs[bi][1]
        isem = bufs[bi][6]
        base = ebase + g * _CB
        pltpu.async_copy(src.at[pl.ds(base, _CB)], srcv, isem)
        pltpu.async_copy(dst.at[pl.ds(base, _CB)], dstv, isem)

    def _wait_idx(g, bi):
        srcv, dstv = bufs[bi][0], bufs[bi][1]
        isem = bufs[bi][6]
        base = ebase + g * _CB
        pltpu.make_async_copy(src.at[pl.ds(base, _CB)], srcv, isem).wait()
        pltpu.make_async_copy(dst.at[pl.ds(base, _CB)], dstv, isem).wait()

    def _start_gathers(bi):
        srcv, dstv, _, kvrows, qrows, _, _, gsem, _ = bufs[bi]
        pltpu.async_copy(kvh.at[srcv], kvrows, gsem)
        pltpu.async_copy(qh.at[dstv], qrows, gsem)

    def _wait_gathers(bi):
        srcv, dstv, _, kvrows, qrows, _, _, gsem, _ = bufs[bi]
        pltpu.make_async_copy(kvh.at[srcv], kvrows, gsem).wait()
        pltpu.make_async_copy(qh.at[dstv], qrows, gsem).wait()

    def _wait_scatter(bi):
        sdst, msg, ssem = bufs[bi][2], bufs[bi][5], bufs[bi][8]
        pltpu.make_async_copy(msg, wv.at[sdst], ssem).wait()

    def _compute(bi):
        _, _, _, kvrows, qrows, msg, _, _, _ = bufs[bi]

        @plsc.parallel_loop(0, _CB, unroll=4)
        def _edge(r):
            acc = jnp.zeros((_D,), jnp.float32)
            for c in range(_H):
                kc = kvrows[r, pl.ds(c * _D, _D)]
                qc = qrows[r, pl.ds(c * _D, _D)]
                acc = acc + kc * qc
            s = acc + _dyn_gather(acc, fold_idx)
            s = jnp.exp(lax.clamp(-5.0, s * 0.25, 5.0))
            for c in range(_H):
                vc = kvrows[r, pl.ds(_HD + c * _D, _D)]
                msg[r, pl.ds(c * _D, _D)] = vc * s

    def _slot(g, bi):
        dstv, sdst, msg, ssem = (bufs[bi][1], bufs[bi][2], bufs[bi][5],
                                 bufs[bi][8])
        nb = 1 - bi

        @pl.when(g + 1 < _NCH)
        def _():
            _wait_idx(g + 1, nb)
            _start_gathers(nb)

        _wait_gathers(bi)

        @pl.when(g >= 2)
        def _():
            _wait_scatter(bi)

        for t in (0, 16, 24):
            sdst[pl.ds(t, _D)] = dstv[pl.ds(t, _D)]

        @pl.when(g + 2 < _NCH)
        def _():
            _start_idx(g + 2, bi)

        _compute(bi)
        pltpu.async_copy(msg, wv.at[sdst], ssem, add=True)

    _start_idx(0, 0)
    _start_idx(1, 1)
    _wait_idx(0, 0)
    _start_gathers(0)

    def _zmsg(i, carry):
        r = i // (_HD // _D)
        c = i % (_HD // _D)
        msg1[r, pl.ds(c * _D, _D)] = zero16
        return carry

    lax.fori_loop(0, _CB * (_HD // _D), _zmsg, 0)

    def _zchunk(j, carry):
        ridx = sid + j * _NS

        @pl.when(ridx < _NRC)
        def _():
            pltpu.sync_copy(msg1, wv.at[pl.ds(ridx * _CB, _CB)])

        return carry

    lax.fori_loop(0, _RCPS, _zchunk, 0)
    plsc.subcore_barrier()

    def _pair(p, carry):
        _slot(2 * p, 0)
        _slot(2 * p + 1, 1)
        return carry

    lax.fori_loop(0, _NCH // 2, _pair, 0)

    _wait_scatter(0)
    _wait_scatter(1)

    plsc.subcore_barrier()

    def _dchunk(j, carry):
        ridx = sid + j * _NS

        @pl.when(ridx < _NDC)
        def _():
            pltpu.sync_copy(wv.at[pl.ds(ridx * _DCH, _DCH)],
                            out.at[cid, pl.ds(ridx * _DCH, _DCH)])

        return carry

    lax.fori_loop(0, _DCPS, _dchunk, 0)


_edge_kernel = pl.kernel(
    _edge_body,
    out_type=jax.ShapeDtypeStruct((_NC, _N, _HD), jnp.float32),
    mesh=plsc.VectorSubcoreMesh(core_axis_name="c", subcore_axis_name="s"),
    compiler_params=pltpu.CompilerParams(needs_layout_passes=False),
    scratch_types=[
        pltpu.VMEM_SHARED((_N, _HD), jnp.float32),
        pltpu.VMEM((_CB,), jnp.int32),
        pltpu.VMEM((_CB,), jnp.int32),
        pltpu.VMEM((_CB,), jnp.int32),
        pltpu.VMEM((_CB, 2 * _HD), jnp.float32),
        pltpu.VMEM((_CB, _HD), jnp.float32),
        pltpu.VMEM((_CB, _HD), jnp.float32),
        pltpu.VMEM((_CB,), jnp.int32),
        pltpu.VMEM((_CB,), jnp.int32),
        pltpu.VMEM((_CB,), jnp.int32),
        pltpu.VMEM((_CB, 2 * _HD), jnp.float32),
        pltpu.VMEM((_CB, _HD), jnp.float32),
        pltpu.VMEM((_CB, _HD), jnp.float32),
        pltpu.SemaphoreType.DMA,
        pltpu.SemaphoreType.DMA,
        pltpu.SemaphoreType.DMA,
        pltpu.SemaphoreType.DMA,
        pltpu.SemaphoreType.DMA,
        pltpu.SemaphoreType.DMA,
    ],
)

_PERM = np.array([(j % _H) * _D + (j // _H) for j in range(_HD)],
                 dtype=np.int32)


def kernel(x, edge_index, Qw, Qb, Kw, Kb, Vw, Vb):
    qw = jnp.take(Qw, _PERM, axis=1)
    kw = jnp.take(Kw, _PERM, axis=1)
    qb = jnp.take(Qb, _PERM).reshape(1, _HD)
    kb = jnp.take(Kb, _PERM).reshape(1, _HD)
    vw = jnp.take(Vw, _PERM, axis=1)
    vb = jnp.take(Vb, _PERM).reshape(1, _HD)
    q, kv = _proj(x, qw, kw, vw, qb, kb, vb)
    src = edge_index[0].astype(jnp.int32)
    dst = edge_index[1].astype(jnp.int32)
    parts = _edge_kernel(q, kv, src, dst)
    wv = _sum2(parts)
    return wv.reshape(_N, _D, _H).transpose(0, 2, 1)

# --- scband reference (transcript-rebuilt; emitter-appended) ---
"""Pipeline reference for scband-multi-head-attention-30906584662328 (READ-ONLY COPY).

The authoritative reference and input builder live on the scoring server;
editing this copy changes nothing except your own understanding.
"""

import jax, jax.numpy as jnp
import numpy as np

N_NODES = 10000
N_EDGES = 320000
IN_DIM = 128
OUT_DIM = 16
NUM_HEADS = 8


def setup_inputs(seed: int = 0) -> dict:
    key = jax.random.key(seed)
    ks = jax.random.split(key, 8)
    x = jax.random.normal(ks[0], (N_NODES, IN_DIM), dtype=jnp.float32)
    edge_index = jax.random.randint(ks[1], (2, N_EDGES), 0, N_NODES, dtype=jnp.int64 if jax.config.jax_enable_x64 else jnp.int32)
    scale = 1.0 / np.sqrt(IN_DIM)
    Qw = jax.random.uniform(ks[2], (IN_DIM, OUT_DIM * NUM_HEADS), dtype=jnp.float32, minval=-scale, maxval=scale)
    Qb = jax.random.uniform(ks[3], (OUT_DIM * NUM_HEADS,), dtype=jnp.float32, minval=-scale, maxval=scale)
    Kw = jax.random.uniform(ks[4], (IN_DIM, OUT_DIM * NUM_HEADS), dtype=jnp.float32, minval=-scale, maxval=scale)
    Kb = jax.random.uniform(ks[5], (OUT_DIM * NUM_HEADS,), dtype=jnp.float32, minval=-scale, maxval=scale)
    Vw = jax.random.uniform(ks[6], (IN_DIM, OUT_DIM * NUM_HEADS), dtype=jnp.float32, minval=-scale, maxval=scale)
    Vb = jax.random.uniform(ks[7], (OUT_DIM * NUM_HEADS,), dtype=jnp.float32, minval=-scale, maxval=scale)
    return {"x": x, "edge_index": edge_index, "Qw": Qw, "Qb": Qb, "Kw": Kw, "Kb": Kb, "Vw": Vw, "Vb": Vb}


def reference(x, edge_index, Qw, Qb, Kw, Kb, Vw, Vb):
    N = x.shape[0]
    Q_h = (x @ Qw + Qb).reshape(-1, NUM_HEADS, OUT_DIM)
    K_h = (x @ Kw + Kb).reshape(-1, NUM_HEADS, OUT_DIM)
    V_h = (x @ Vw + Vb).reshape(-1, NUM_HEADS, OUT_DIM)
    src = edge_index[0]
    dst = edge_index[1]
    # apply_edges(src_dot_dst('K_h','Q_h','score'))
    score = (K_h[src] * Q_h[dst]).sum(-1, keepdims=True)  # [E, H, 1]
    # apply_edges(scaled_exp('score', sqrt(out_dim)))
    score = jnp.exp(jnp.clip(score / np.sqrt(OUT_DIM), -5.0, 5.0))
    # send_and_recv: src_mul_edge('V_h','score') then sum over dst -> 'wV'
    msg = V_h[src] * score  # [E, H, D]
    wV = jax.ops.segment_sum(msg, dst, num_segments=N)  # [N, H, D]
    # z = segment_sum(score) is computed but not returned by forward
    return wV

if __name__ == "__main__":
    import jax
    _d = setup_inputs()
    print(jax.jit(kernel)(*tuple(_d.values())))

</pallas_src>

<mosaic_0001>
#map = affine_map<(d0, d1) -> (0, 0)>
#map1 = affine_map<(d0, d1) -> (0)>
#map2 = affine_map<(d0, d1) -> (0, 0, 0)>
module attributes {stable_mosaic.version = 14 : i64} {
  func.func @_edge_body(%arg0: i32, %arg1: i32, %arg2: memref<10000x128xf32, #tpu.memory_space<hbm>>, %arg3: memref<10000x256xf32, #tpu.memory_space<hbm>>, %arg4: memref<320000xi32, #tpu.memory_space<hbm>>, %arg5: memref<320000xi32, #tpu.memory_space<hbm>>, %arg6: memref<2x10000x128xf32, #tpu.memory_space<hbm>>, %arg7: memref<10000x128xf32, #tpu.memory_space<vmem_shared>>, %arg8: memref<40xi32, #tpu.memory_space<vmem>>, %arg9: memref<40xi32, #tpu.memory_space<vmem>>, %arg10: memref<40xi32, #tpu.memory_space<vmem>>, %arg11: memref<40x256xf32, #tpu.memory_space<vmem>>, %arg12: memref<40x128xf32, #tpu.memory_space<vmem>>, %arg13: memref<40x128xf32, #tpu.memory_space<vmem>>, %arg14: memref<40xi32, #tpu.memory_space<vmem>>, %arg15: memref<40xi32, #tpu.memory_space<vmem>>, %arg16: memref<40xi32, #tpu.memory_space<vmem>>, %arg17: memref<40x256xf32, #tpu.memory_space<vmem>>, %arg18: memref<40x128xf32, #tpu.memory_space<vmem>>, %arg19: memref<40x128xf32, #tpu.memory_space<vmem>>, %arg20: memref<!tpu.dma_semaphore, #tpu.memory_space<semaphore_mem>>, %arg21: memref<!tpu.dma_semaphore, #tpu.memory_space<semaphore_mem>>, %arg22: memref<!tpu.dma_semaphore, #tpu.memory_space<semaphore_mem>>, %arg23: memref<!tpu.dma_semaphore, #tpu.memory_space<semaphore_mem>>, %arg24: memref<!tpu.dma_semaphore, #tpu.memory_space<semaphore_mem>>, %arg25: memref<!tpu.dma_semaphore, #tpu.memory_space<semaphore_mem>>) attributes {dimension_semantics = [#tpu.dimension_semantics<core_parallel>, #tpu.dimension_semantics<subcore_parallel>], iteration_bounds = array<i64: 2, 16>, scalar_prefetch = 0 : i64, scratch_operands = 19 : i64, tpu.core_type = #tpu.core_type<sc_vector_subcore>, window_params = [{transform_indices = #map}, {transform_indices = #map}, {transform_indices = #map1}, {transform_indices = #map1}, {transform_indices = #map2}]} {
    %broadcast_in_dim3A = arith.constant 0.000000e+00 : f32
    %broadcast_in_dim3A_0 = vector.broadcast %broadcast_in_dim3A : f32 to vector<16xf32>
    %iota3A = tpu.iota {dimensions = array<i32: 0>} : vector<16xi32>
    %xor3A = arith.constant 8 : i32
    %xor3A_1 = vector.broadcast %xor3A : i32 to vector<16xi32>
    %xor3A_2 = arith.xori %iota3A, %xor3A_1 : vector<16xi32>
    %mul3A = arith.constant 160000 : i32
    %mul3A_3 = arith.muli %arg0, %mul3A : i32
    %mul3A_4 = arith.constant 10000 : i32
    %mul3A_5 = arith.muli %arg1, %mul3A_4 : i32
    %add3A = arith.addi %mul3A_3, %mul3A_5 : i32
    %add3A_6 = arith.constant 0 : i32
    %add3A_7 = arith.addi %add3A, %add3A_6 : i32
    %dma_start3A = tpu.memref_slice %arg4[%add3A_7] : memref<320000xi32, #tpu.memory_space<hbm>> -> memref<40xi32, #tpu.memory_space<hbm>>
    %dma_start3A_8 = tpu.memref_slice %arg4[%add3A_7] : memref<320000xi32, #tpu.memory_space<hbm>> -> memref<40xi32, #tpu.memory_space<hbm>>
    tpu.enqueue_dma source(%dma_start3A_8 : memref<40xi32, #tpu.memory_space<hbm>>) target(%arg8 : memref<40xi32, #tpu.memory_space<vmem>>) target_semaphore(%arg20 : memref<!tpu.dma_semaphore, #tpu.memory_space<semaphore_mem>>)
    %dma_start3A_9 = tpu.memref_slice %arg5[%add3A_7] : memref<320000xi32, #tpu.memory_space<hbm>> -> memref<40xi32, #tpu.memory_space<hbm>>
    %dma_start3A_10 = tpu.memref_slice %arg5[%add3A_7] : memref<320000xi32, #tpu.memory_space<hbm>> -> memref<40xi32, #tpu.memory_space<hbm>>
    tpu.enqueue_dma source(%dma_start3A_10 : memref<40xi32, #tpu.memory_space<hbm>>) target(%arg9 : memref<40xi32, #tpu.memory_space<vmem>>) target_semaphore(%arg20 : memref<!tpu.dma_semaphore, #tpu.memory_space<semaphore_mem>>)
    %add3A_11 = arith.constant 40 : i32
    %add3A_12 = arith.addi %add3A, %add3A_11 : i32
    %dma_start3A_13 = tpu.memref_slice %arg4[%add3A_12] : memref<320000xi32, #tpu.memory_space<hbm>> -> memref<40xi32, #tpu.memory_space<hbm>>
    %dma_start3A_14 = tpu.memref_slice %arg4[%add3A_12] : memref<320000xi32, #tpu.memory_space<hbm>> -> memref<40xi32, #tpu.memory_space<hbm>>
    tpu.enqueue_dma source(%dma_start3A_14 : memref<40xi32, #tpu.memory_space<hbm>>) target(%arg14 : memref<40xi32, #tpu.memory_space<vmem>>) target_semaphore(%arg23 : memref<!tpu.dma_semaphore, #tpu.memory_space<semaphore_mem>>)
    %dma_start3A_15 = tpu.memref_slice %arg5[%add3A_12] : memref<320000xi32, #tpu.memory_space<hbm>> -> memref<40xi32, #tpu.memory_space<hbm>>
    %dma_start3A_16 = tpu.memref_slice %arg5[%add3A_12] : memref<320000xi32, #tpu.memory_space<hbm>> -> memref<40xi32, #tpu.memory_space<hbm>>
    tpu.enqueue_dma source(%dma_start3A_16 : memref<40xi32, #tpu.memory_space<hbm>>) target(%arg15 : memref<40xi32, #tpu.memory_space<vmem>>) target_semaphore(%arg23 : memref<!tpu.dma_semaphore, #tpu.memory_space<semaphore_mem>>)
    %add3A_17 = arith.constant 0 : i32
    %add3A_18 = arith.addi %add3A, %add3A_17 : i32
    %dma_wait3A = tpu.memref_slice %arg4[%add3A_18] : memref<320000xi32, #tpu.memory_space<hbm>> -> memref<40xi32, #tpu.memory_space<hbm>>
    %dma_wait3A_19 = tpu.memref_slice %arg4[%add3A_18] : memref<320000xi32, #tpu.memory_space<hbm>> -> memref<40xi32, #tpu.memory_space<hbm>>
    tpu.wait_dma2 semaphore(%arg20 : memref<!tpu.dma_semaphore, #tpu.memory_space<semaphore_mem>>) src(%dma_wait3A_19 : memref<40xi32, #tpu.memory_space<hbm>>) dst(%arg8 : memref<40xi32, #tpu.memory_space<vmem>>)
    %dma_wait3A_20 = tpu.memref_slice %arg5[%add3A_18] : memref<320000xi32, #tpu.memory_space<hbm>> -> memref<40xi32, #tpu.memory_space<hbm>>
    %dma_wait3A_21 = tpu.memref_slice %arg5[%add3A_18] : memref<320000xi32, #tpu.memory_space<hbm>> -> memref<40xi32, #tpu.memory_space<hbm>>
    tpu.wait_dma2 semaphore(%arg20 : memref<!tpu.dma_semaphore, #tpu.memory_space<semaphore_mem>>) src(%dma_wait3A_21 : memref<40xi32, #tpu.memory_space<hbm>>) dst(%arg9 : memref<40xi32, #tpu.memory_space<vmem>>)
    %dma_start3A_22 = arith.constant 0 : i32
    %dma_start3A_23 = arith.constant 0 : i32
    %dma_start3A_24 = tpu.memref_slice %arg3[%dma_start3A_22, %dma_start3A_23] : memref<10000x256xf32, #tpu.memory_space<hbm>> -> memref<10000x256xf32, #tpu.memory_space<hbm>>
    tpu.enqueue_indirect_dma source(%dma_start3A_24 : memref<10000x256xf32, #tpu.memory_space<hbm>>) target(%arg11 : memref<40x256xf32, #tpu.memory_space<vmem>>) offsets(%arg8 : memref<40xi32, #tpu.memory_space<vmem>>) semaphore(%arg21 : memref<!tpu.dma_semaphore, #tpu.memory_space<semaphore_mem>>)
    %dma_start3A_25 = arith.constant 0 : i32
    %dma_start3A_26 = arith.constant 0 : i32
    %dma_start3A_27 = tpu.memref_slice %arg2[%dma_start3A_25, %dma_start3A_26] : memref<10000x128xf32, #tpu.memory_space<hbm>> -> memref<10000x128xf32, #tpu.memory_space<hbm>>
    tpu.enqueue_indirect_dma source(%dma_start3A_27 : memref<10000x128xf32, #tpu.memory_space<hbm>>) target(%arg12 : memref<40x128xf32, #tpu.memory_space<vmem>>) offsets(%arg9 : memref<40xi32, #tpu.memory_space<vmem>>) semaphore(%arg21 : memref<!tpu.dma_semaphore, #tpu.memory_space<semaphore_mem>>)
    %scan3A = arith.constant 0 : i32
    %scan3A_28 = arith.constant 0 : i32
    %scan3A_29 = arith.constant 320 : i32
    %scan3A_30 = arith.addi %scan3A_28, %scan3A_29 : i32
    %scan3A_31 = arith.constant 1 : i32
    scf.for %scan3A_58 = %scan3A_28 to %scan3A_30 step %scan3A_31  : i32 {
      %jit3A = arith.constant 8 : i32
      %div3A = arith.divsi %scan3A_58, %jit3A : i32
      %sign3A = arith.constant 0 : i32
      %sign3A_59 = arith.cmpi sgt, %scan3A_58, %sign3A : i32
      %sign3A_60 = arith.extui %sign3A_59 : i1 to i32
      %sign3A_61 = arith.constant 0 : i32
      %sign3A_62 = arith.cmpi slt, %scan3A_58, %sign3A_61 : i32
      %sign3A_63 = arith.extui %sign3A_62 : i1 to i32
      %sign3A_64 = arith.subi %sign3A_60, %sign3A_63 : i32
      %sign3A_65 = arith.constant 0 : i32
      %sign3A_66 = arith.cmpi sgt, %jit3A, %sign3A_65 : i32
      %sign3A_67 = arith.extui %sign3A_66 : i1 to i32
      %sign3A_68 = arith.constant 0 : i32
      %sign3A_69 = arith.cmpi slt, %jit3A, %sign3A_68 : i32
      %sign3A_70 = arith.extui %sign3A_69 : i1 to i32
      %sign3A_71 = arith.subi %sign3A_67, %sign3A_70 : i32
      %ne3A = arith.cmpi ne, %sign3A_64, %sign3A_71 : i32
      %rem3A = arith.remsi %scan3A_58, %jit3A : i32
      %ne3A_72 = arith.constant 0 : i32
      %ne3A_73 = arith.cmpi ne, %rem3A, %ne3A_72 : i32
      %and3A = arith.andi %ne3A, %ne3A_73 : i1
      %sub3A = arith.constant 1 : i32
      %sub3A_74 = arith.subi %div3A, %sub3A : i32
      %select_n3A = arith.select %and3A, %sub3A_74, %div3A : i32
      %jit3A_75 = arith.constant 8 : i32
      %eq3A = arith.constant 0 : i32
      %eq3A_76 = arith.cmpi eq, %jit3A_75, %eq3A : i32
      %jit3A_77 = arith.constant 1 : i32
      %select_n3A_78 = arith.select %eq3A_76, %jit3A_77, %jit3A_75 : i32
      %rem3A_79 = arith.remsi %scan3A_58, %select_n3A_78 : i32
      %ne3A_80 = arith.constant 0 : i32
      %ne3A_81 = arith.cmpi ne, %rem3A_79, %ne3A_80 : i32
      %lt3A = arith.constant 0 : i32
      %lt3A_82 = arith.cmpi slt, %rem3A_79, %lt3A : i32
      %lt3A_83 = arith.constant 0 : i32
      %lt3A_84 = arith.cmpi slt, %select_n3A_78, %lt3A_83 : i32
      %ne3A_85 = arith.xori %lt3A_82, %lt3A_84 : i1
      %and3A_86 = arith.andi %ne3A_85, %ne3A_81 : i1
      %add3A_87 = arith.addi %rem3A_79, %select_n3A_78 : i32
      %select_n3A_88 = arith.select %and3A_86, %add3A_87, %rem3A_79 : i32
      %mul3A_89 = arith.constant 16 : i32
      %mul3A_90 = arith.muli %select_n3A_88, %mul3A_89 : i32
      %swap3A = arith.index_cast %select_n3A : i32 to index
      %swap3A_91 = arith.index_cast %mul3A_90 : i32 to index
      %swap3A_92 = tpu.vector_load %arg19[%swap3A, %swap3A_91] {strides = array<i32>} : memref<40x128xf32, #tpu.memory_space<vmem>>, vector<16xf32>,
      tpu.vector_store %arg19[%swap3A, %swap3A_91], %broadcast_in_dim3A_0 {strides = array<i32>} : memref<40x128xf32, #tpu.memory_space<vmem>>, vector<16xf32>,
    }
    %scan3A_32 = arith.constant 320 : i32
    %scan3A_33 = arith.constant 0 : i32
    %scan3A_34 = arith.constant 0 : i32
    %scan3A_35 = arith.constant 16 : i32
    %scan3A_36 = arith.addi %scan3A_34, %scan3A_35 : i32
    %scan3A_37 = arith.constant 1 : i32
    scf.for %scan3A_58 = %scan3A_34 to %scan3A_36 step %scan3A_37  : i32 {
      %mul3A_59 = arith.constant 16 : i32
      %mul3A_60 = arith.muli %scan3A_58, %mul3A_59 : i32
      %add3A_61 = arith.addi %arg1, %mul3A_60 : i32
      %lt3A = arith.constant 250 : i32
      %lt3A_62 = arith.cmpi slt, %add3A_61, %lt3A : i32
      %convert_element_type3A = arith.extui %lt3A_62 : i1 to i32
      %cond3A = arith.constant 0 : i32
      %cond3A_63 = arith.cmpi ne, %convert_element_type3A, %cond3A : i32
      scf.if %cond3A_63 {
        %mul3A_64 = arith.constant 40 : i32
        %mul3A_65 = arith.muli %add3A_61, %mul3A_64 : i32
        "tpu.region"() ({
          %run_scoped3A = tpu.sem_alloc : memref<!tpu.dma_semaphore, #tpu.memory_space<semaphore_mem>>
          %dma_start3A_66 = arith.constant 0 : i32
          %dma_start3A_67 = tpu.memref_slice %arg7[%mul3A_65, %dma_start3A_66] : memref<10000x128xf32, #tpu.memory_space<vmem_shared>> -> memref<40x128xf32, #tpu.memory_space<vmem_shared>>
          %dma_start3A_68 = arith.constant 0 : i32
          %dma_start3A_69 = tpu.memref_slice %arg7[%mul3A_65, %dma_start3A_68] : memref<10000x128xf32, #tpu.memory_space<vmem_shared>> -> memref<40x128xf32, #tpu.memory_space<vmem_shared>>
          tpu.enqueue_dma source(%arg19 : memref<40x128xf32, #tpu.memory_space<vmem>>) target(%dma_start3A_69 : memref<40x128xf32, #tpu.memory_space<vmem_shared>>) target_semaphore(%run_scoped3A : memref<!tpu.dma_semaphore, #tpu.memory_space<semaphore_mem>>)
          %dma_wait3A_70 = arith.constant 0 : i32
          %dma_wait3A_71 = tpu.memref_slice %arg7[%mul3A_65, %dma_wait3A_70] : memref<10000x128xf32, #tpu.memory_space<vmem_shared>> -> memref<40x128xf32, #tpu.memory_space<vmem_shared>>
          %dma_wait3A_72 = arith.constant 0 : i32
          %dma_wait3A_73 = tpu.memref_slice %arg7[%mul3A_65, %dma_wait3A_72] : memref<10000x128xf32, #tpu.memory_space<vmem_shared>> -> memref<40x128xf32, #tpu.memory_space<vmem_shared>>
          tpu.wait_dma2 semaphore(%run_scoped3A : memref<!tpu.dma_semaphore, #tpu.memory_space<semaphore_mem>>) src(%arg19 : memref<40x128xf32, #tpu.memory_space<vmem>>) dst(%dma_wait3A_73 : memref<40x128xf32, #tpu.memory_space<vmem_shared>>)
          tpu.yield
        }) : () -> ()
      } else {
      }
    }
    %scan3A_38 = arith.constant 16 : i32
    %barrier3A = arith.constant 0 : index
    tpu.barrier barrier_id(%barrier3A)
    %scan3A_39 = arith.constant 0 : i32
    %scan3A_40 = arith.constant 0 : i32
    %scan3A_41 = arith.constant 125 : i32
    %scan3A_42 = arith.addi %scan3A_40, %scan3A_41 : i32
    %scan3A_43 = arith.constant 1 : i32
    scf.for %scan3A_58 = %scan3A_40 to %scan3A_42 step %scan3A_43  : i32 {
      %mul3A_59 = arith.constant 2 : i32
      %mul3A_60 = arith.muli %mul3A_59, %scan3A_58 : i32
      %add3A_61 = arith.constant 1 : i32
      %add3A_62 = arith.addi %mul3A_60, %add3A_61 : i32
      %lt3A = arith.constant 250 : i32
      %lt3A_63 = arith.cmpi slt, %add3A_62, %lt3A : i32
      %convert_element_type3A = arith.extui %lt3A_63 : i1 to i32
      %cond3A = arith.constant 0 : i32
      %cond3A_64 = arith.cmpi ne, %convert_element_type3A, %cond3A : i32
      scf.if %cond3A_64 {
        %add3A_144 = arith.constant 1 : i32
        %add3A_145 = arith.addi %mul3A_60, %add3A_144 : i32
        %mul3A_146 = arith.constant 40 : i32
        %mul3A_147 = arith.muli %add3A_145, %mul3A_146 : i32
        %add3A_148 = arith.addi %add3A, %mul3A_147 : i32
        %dma_wait3A_149 = tpu.memref_slice %arg4[%add3A_148] : memref<320000xi32, #tpu.memory_space<hbm>> -> memref<40xi32, #tpu.memory_space<hbm>>
        %dma_wait3A_150 = tpu.memref_slice %arg4[%add3A_148] : memref<320000xi32, #tpu.memory_space<hbm>> -> memref<40xi32, #tpu.memory_space<hbm>>
        tpu.wait_dma2 semaphore(%arg23 : memref<!tpu.dma_semaphore, #tpu.memory_space<semaphore_mem>>) src(%dma_wait3A_150 : memref<40xi32, #tpu.memory_space<hbm>>) dst(%arg14 : memref<40xi32, #tpu.memory_space<vmem>>)
        %dma_wait3A_151 = tpu.memref_slice %arg5[%add3A_148] : memref<320000xi32, #tpu.memory_space<hbm>> -> memref<40xi32, #tpu.memory_space<hbm>>
        %dma_wait3A_152 = tpu.memref_slice %arg5[%add3A_148] : memref<320000xi32, #tpu.memory_space<hbm>> -> memref<40xi32, #tpu.memory_space<hbm>>
        tpu.wait_dma2 semaphore(%arg23 : memref<!tpu.dma_semaphore, #tpu.memory_space<semaphore_mem>>) src(%dma_wait3A_152 : memref<40xi32, #tpu.memory_space<hbm>>) dst(%arg15 : memref<40xi32, #tpu.memory_space<vmem>>)
        %dma_start3A_153 = arith.constant 0 : i32
        %dma_start3A_154 = arith.constant 0 : i32
        %dma_start3A_155 = tpu.memref_slice %arg3[%dma_start3A_153, %dma_start3A_154] : memref<10000x256xf32, #tpu.memory_space<hbm>> -> memref<10000x256xf32, #tpu.memory_space<hbm>>
        tpu.enqueue_indirect_dma source(%dma_start3A_155 : memref<10000x256xf32, #tpu.memory_space<hbm>>) target(%arg17 : memref<40x256xf32, #tpu.memory_space<vmem>>) offsets(%arg14 : memref<40xi32, #tpu.memory_space<vmem>>) semaphore(%arg24 : memref<!tpu.dma_semaphore, #tpu.memory_space<semaphore_mem>>)
        %dma_start3A_156 = arith.constant 0 : i32
        %dma_start3A_157 = arith.constant 0 : i32
        %dma_start3A_158 = tpu.memref_slice %arg2[%dma_start3A_156, %dma_start3A_157] : memref<10000x128xf32, #tpu.memory_space<hbm>> -> memref<10000x128xf32, #tpu.memory_space<hbm>>
        tpu.enqueue_indirect_dma source(%dma_start3A_158 : memref<10000x128xf32, #tpu.memory_space<hbm>>) target(%arg18 : memref<40x128xf32, #tpu.memory_space<vmem>>) offsets(%arg15 : memref<40xi32, #tpu.memory_space<vmem>>) semaphore(%arg24 : memref<!tpu.dma_semaphore, #tpu.memory_space<semaphore_mem>>)
      } else {
      }
      %dma_wait3A_65 = arith.constant 0 : i32
      %dma_wait3A_66 = arith.constant 0 : i32
      %dma_wait3A_67 = tpu.memref_slice %arg3[%dma_wait3A_65, %dma_wait3A_66] : memref<10000x256xf32, #tpu.memory_space<hbm>> -> memref<10000x256xf32, #tpu.memory_space<hbm>>
      tpu.wait_indirect_dma semaphore(%arg21 : memref<!tpu.dma_semaphore, #tpu.memory_space<semaphore_mem>>) src(%dma_wait3A_67 : memref<10000x256xf32, #tpu.memory_space<hbm>>) dst(%arg11 : memref<40x256xf32, #tpu.memory_space<vmem>>)
      %dma_wait3A_68 = arith.constant 0 : i32
      %dma_wait3A_69 = arith.constant 0 : i32
      %dma_wait3A_70 = tpu.memref_slice %arg2[%dma_wait3A_68, %dma_wait3A_69] : memref<10000x128xf32, #tpu.memory_space<hbm>> -> memref<10000x128xf32, #tpu.memory_space<hbm>>
      tpu.wait_indirect_dma semaphore(%arg21 : memref<!tpu.dma_semaphore, #tpu.memory_space<semaphore_mem>>) src(%dma_wait3A_70 : memref<10000x128xf32, #tpu.memory_space<hbm>>) dst(%arg12 : memref<40x128xf32, #tpu.memory_space<vmem>>)
      %ge3A = arith.constant 2 : i32
      %ge3A_71 = arith.cmpi sge, %mul3A_60, %ge3A : i32
      %convert_element_type3A_72 = arith.extui %ge3A_71 : i1 to i32
      %cond3A_73 = arith.constant 0 : i32
      %cond3A_74 = arith.cmpi ne, %convert_element_type3A_72, %cond3A_73 : i32
      scf.if %cond3A_74 {
        %dma_wait3A_144 = arith.constant 0 : i32
        %dma_wait3A_145 = arith.constant 0 : i32
        %dma_wait3A_146 = tpu.memref_slice %arg7[%dma_wait3A_144, %dma_wait3A_145] : memref<10000x128xf32, #tpu.memory_space<vmem_shared>> -> memref<10000x128xf32, #tpu.memory_space<vmem_shared>>
        tpu.wait_indirect_dma semaphore(%arg22 : memref<!tpu.dma_semaphore, #tpu.memory_space<semaphore_mem>>) src(%arg13 : memref<40x128xf32, #tpu.memory_space<vmem>>) dst(%dma_wait3A_146 : memref<10000x128xf32, #tpu.memory_space<vmem_shared>>)
      } else {
      }
      %get3A = arith.constant 0 : index
      %get3A_75 = tpu.vector_load %arg9[%get3A] {strides = array<i32>} : memref<40xi32, #tpu.memory_space<vmem>>, vector<16xi32>,
      %swap3A = arith.constant 0 : index
      %swap3A_76 = tpu.vector_load %arg10[%swap3A] {strides = array<i32>} : memref<40xi32, #tpu.memory_space<vmem>>, vector<16xi32>,
      tpu.vector_store %arg10[%swap3A], %get3A_75 {strides = array<i32>} : memref<40xi32, #tpu.memory_space<vmem>>, vector<16xi32>,
      %get3A_77 = arith.constant 16 : index
      %get3A_78 = tpu.vector_load %arg9[%get3A_77] {strides = array<i32>} : memref<40xi32, #tpu.memory_space<vmem>>, vector<16xi32>,
      %swap3A_79 = arith.constant 16 : index
      %swap3A_80 = tpu.vector_load %arg10[%swap3A_79] {strides = array<i32>} : memref<40xi32, #tpu.memory_space<vmem>>, vector<16xi32>,
      tpu.vector_store %arg10[%swap3A_79], %get3A_78 {strides = array<i32>} : memref<40xi32, #tpu.memory_space<vmem>>, vector<16xi32>,
      %get3A_81 = arith.constant 24 : index
      %get3A_82 = tpu.vector_load %arg9[%get3A_81] {strides = array<i32>} : memref<40xi32, #tpu.memory_space<vmem>>, vector<16xi32>,
      %swap3A_83 = arith.constant 24 : index
      %swap3A_84 = tpu.vector_load %arg10[%swap3A_83] {strides = array<i32>} : memref<40xi32, #tpu.memory_space<vmem>>, vector<16xi32>,
      tpu.vector_store %arg10[%swap3A_83], %get3A_82 {strides = array<i32>} : memref<40xi32, #tpu.memory_space<vmem>>, vector<16xi32>,
      %add3A_85 = arith.constant 2 : i32
      %add3A_86 = arith.addi %mul3A_60, %add3A_85 : i32
      %lt3A_87 = arith.constant 250 : i32
      %lt3A_88 = arith.cmpi slt, %add3A_86, %lt3A_87 : i32
      %convert_element_type3A_89 = arith.extui %lt3A_88 : i1 to i32
      %cond3A_90 = arith.constant 0 : i32
      %cond3A_91 = arith.cmpi ne, %convert_element_type3A_89, %cond3A_90 : i32
      scf.if %cond3A_91 {
        %add3A_144 = arith.constant 2 : i32
        %add3A_145 = arith.addi %mul3A_60, %add3A_144 : i32
        %mul3A_146 = arith.constant 40 : i32
        %mul3A_147 = arith.muli %add3A_145, %mul3A_146 : i32
        %add3A_148 = arith.addi %add3A, %mul3A_147 : i32
        %dma_start3A_149 = tpu.memref_slice %arg4[%add3A_148] : memref<320000xi32, #tpu.memory_space<hbm>> -> memref<40xi32, #tpu.memory_space<hbm>>
        %dma_start3A_150 = tpu.memref_slice %arg4[%add3A_148] : memref<320000xi32, #tpu.memory_space<hbm>> -> memref<40xi32, #tpu.memory_space<hbm>>
        tpu.enqueue_dma source(%dma_start3A_150 : memref<40xi32, #tpu.memory_space<hbm>>) target(%arg8 : memref<40xi32, #tpu.memory_space<vmem>>) target_semaphore(%arg20 : memref<!tpu.dma_semaphore, #tpu.memory_space<semaphore_mem>>)
        %dma_start3A_151 = tpu.memref_slice %arg5[%add3A_148] : memref<320000xi32, #tpu.memory_space<hbm>> -> memref<40xi32, #tpu.memory_space<hbm>>
        %dma_start3A_152 = tpu.memref_slice %arg5[%add3A_148] : memref<320000xi32, #tpu.memory_space<hbm>> -> memref<40xi32, #tpu.memory_space<hbm>>
        tpu.enqueue_dma source(%dma_start3A_152 : memref<40xi32, #tpu.memory_space<hbm>>) target(%arg9 : memref<40xi32, #tpu.memory_space<vmem>>) target_semaphore(%arg20 : memref<!tpu.dma_semaphore, #tpu.memory_space<semaphore_mem>>)
      } else {
      }
      %parallel_loop3A = arith.constant 0 : i32
      %parallel_loop3A_92 = arith.constant 40 : i32
      %parallel_loop3A_93 = arith.constant 1 : i32
      scf.for %parallel_loop3A_144 = %parallel_loop3A to %parallel_loop3A_92 step %parallel_loop3A_93  : i32 {
        %parallel_loop3A_145 = arith.constant 0.000000e+00 : f32
        %parallel_loop3A_146 = vector.broadcast %parallel_loop3A_145 : f32 to vector<16xf32>
        %parallel_loop3A_147 = arith.index_cast %parallel_loop3A_144 : i32 to index
        %parallel_loop3A_148 = arith.constant 0 : index
        %parallel_loop3A_149 = tpu.vector_load %arg11[%parallel_loop3A_147, %parallel_loop3A_148] {strides = array<i32>} : memref<40x256xf32, #tpu.memory_space<vmem>>, vector<16xf32>,
        %parallel_loop3A_150 = arith.index_cast %parallel_loop3A_144 : i32 to index
        %parallel_loop3A_151 = arith.constant 0 : index
        %parallel_loop3A_152 = tpu.vector_load %arg12[%parallel_loop3A_150, %parallel_loop3A_151] {strides = array<i32>} : memref<40x128xf32, #tpu.memory_space<vmem>>, vector<16xf32>,
        %parallel_loop3A_153 = arith.mulf %parallel_loop3A_149, %parallel_loop3A_152 : vector<16xf32>
        %parallel_loop3A_154 = arith.addf %parallel_loop3A_146, %parallel_loop3A_153 : vector<16xf32>
        %parallel_loop3A_155 = arith.index_cast %parallel_loop3A_144 : i32 to index
        %parallel_loop3A_156 = arith.constant 16 : index
        %parallel_loop3A_157 = tpu.vector_load %arg11[%parallel_loop3A_155, %parallel_loop3A_156] {strides = array<i32>} : memref<40x256xf32, #tpu.memory_space<vmem>>, vector<16xf32>,
        %parallel_loop3A_158 = arith.index_cast %parallel_loop3A_144 : i32 to index
        %parallel_loop3A_159 = arith.constant 16 : index
        %parallel_loop3A_160 = tpu.vector_load %arg12[%parallel_loop3A_158, %parallel_loop3A_159] {strides = array<i32>} : memref<40x128xf32, #tpu.memory_space<vmem>>, vector<16xf32>,
        %parallel_loop3A_161 = arith.mulf %parallel_loop3A_157, %parallel_loop3A_160 : vector<16xf32>
        %parallel_loop3A_162 = arith.addf %parallel_loop3A_154, %parallel_loop3A_161 : vector<16xf32>
        %parallel_loop3A_163 = arith.index_cast %parallel_loop3A_144 : i32 to index
        %parallel_loop3A_164 = arith.constant 32 : index
        %parallel_loop3A_165 = tpu.vector_load %arg11[%parallel_loop3A_163, %parallel_loop3A_164] {strides = array<i32>} : memref<40x256xf32, #tpu.memory_space<vmem>>, vector<16xf32>,
        %parallel_loop3A_166 = arith.index_cast %parallel_loop3A_144 : i32 to index
        %parallel_loop3A_167 = arith.constant 32 : index
        %parallel_loop3A_168 = tpu.vector_load %arg12[%parallel_loop3A_166, %parallel_loop3A_167] {strides = array<i32>} : memref<40x128xf32, #tpu.memory_space<vmem>>, vector<16xf32>,
        %parallel_loop3A_169 = arith.mulf %parallel_loop3A_165, %parallel_loop3A_168 : vector<16xf32>
        %parallel_loop3A_170 = arith.addf %parallel_loop3A_162, %parallel_loop3A_169 : vector<16xf32>
        %parallel_loop3A_171 = arith.index_cast %parallel_loop3A_144 : i32 to index
        %parallel_loop3A_172 = arith.constant 48 : index
        %parallel_loop3A_173 = tpu.vector_load %arg11[%parallel_loop3A_171, %parallel_loop3A_172] {strides = array<i32>} : memref<40x256xf32, #tpu.memory_space<vmem>>, vector<16xf32>,
        %parallel_loop3A_174 = arith.index_cast %parallel_loop3A_144 : i32 to index
        %parallel_loop3A_175 = arith.constant 48 : index
        %parallel_loop3A_176 = tpu.vector_load %arg12[%parallel_loop3A_174, %parallel_loop3A_175] {strides = array<i32>} : memref<40x128xf32, #tpu.memory_space<vmem>>, vector<16xf32>,
        %parallel_loop3A_177 = arith.mulf %parallel_loop3A_173, %parallel_loop3A_176 : vector<16xf32>
        %parallel_loop3A_178 = arith.addf %parallel_loop3A_170, %parallel_loop3A_177 : vector<16xf32>
        %parallel_loop3A_179 = arith.index_cast %parallel_loop3A_144 : i32 to index
        %parallel_loop3A_180 = arith.constant 64 : index
        %parallel_loop3A_181 = tpu.vector_load %arg11[%parallel_loop3A_179, %parallel_loop3A_180] {strides = array<i32>} : memref<40x256xf32, #tpu.memory_space<vmem>>, vector<16xf32>,
        %parallel_loop3A_182 = arith.index_cast %parallel_loop3A_144 : i32 to index
        %parallel_loop3A_183 = arith.constant 64 : index
        %parallel_loop3A_184 = tpu.vector_load %arg12[%parallel_loop3A_182, %parallel_loop3A_183] {strides = array<i32>} : memref<40x128xf32, #tpu.memory_space<vmem>>, vector<16xf32>,
        %parallel_loop3A_185 = arith.mulf %parallel_loop3A_181, %parallel_loop3A_184 : vector<16xf32>
        %parallel_loop3A_186 = arith.addf %parallel_loop3A_178, %parallel_loop3A_185 : vector<16xf32>
        %parallel_loop3A_187 = arith.index_cast %parallel_loop3A_144 : i32 to index
        %parallel_loop3A_188 = arith.constant 80 : index
        %parallel_loop3A_189 = tpu.vector_load %arg11[%parallel_loop3A_187, %parallel_loop3A_188] {strides = array<i32>} : memref<40x256xf32, #tpu.memory_space<vmem>>, vector<16xf32>,
        %parallel_loop3A_190 = arith.index_cast %parallel_loop3A_144 : i32 to index
        %parallel_loop3A_191 = arith.constant 80 : index
        %parallel_loop3A_192 = tpu.vector_load %arg12[%parallel_loop3A_190, %parallel_loop3A_191] {strides = array<i32>} : memref<40x128xf32, #tpu.memory_space<vmem>>, vector<16xf32>,
        %parallel_loop3A_193 = arith.mulf %parallel_loop3A_189, %parallel_loop3A_192 : vector<16xf32>
        %parallel_loop3A_194 = arith.addf %parallel_loop3A_186, %parallel_loop3A_193 : vector<16xf32>
        %parallel_loop3A_195 = arith.index_cast %parallel_loop3A_144 : i32 to index
        %parallel_loop3A_196 = arith.constant 96 : index
        %parallel_loop3A_197 = tpu.vector_load %arg11[%parallel_loop3A_195, %parallel_loop3A_196] {strides = array<i32>} : memref<40x256xf32, #tpu.memory_space<vmem>>, vector<16xf32>,
        %parallel_loop3A_198 = arith.index_cast %parallel_loop3A_144 : i32 to index
        %parallel_loop3A_199 = arith.constant 96 : index
        %parallel_loop3A_200 = tpu.vector_load %arg12[%parallel_loop3A_198, %parallel_loop3A_199] {strides = array<i32>} : memref<40x128xf32, #tpu.memory_space<vmem>>, vector<16xf32>,
        %parallel_loop3A_201 = arith.mulf %parallel_loop3A_197, %parallel_loop3A_200 : vector<16xf32>
        %parallel_loop3A_202 = arith.addf %parallel_loop3A_194, %parallel_loop3A_201 : vector<16xf32>
        %parallel_loop3A_203 = arith.index_cast %parallel_loop3A_144 : i32 to index
        %parallel_loop3A_204 = arith.constant 112 : index
        %parallel_loop3A_205 = tpu.vector_load %arg11[%parallel_loop3A_203, %parallel_loop3A_204] {strides = array<i32>} : memref<40x256xf32, #tpu.memory_space<vmem>>, vector<16xf32>,
        %parallel_loop3A_206 = arith.index_cast %parallel_loop3A_144 : i32 to index
        %parallel_loop3A_207 = arith.constant 112 : index
        %parallel_loop3A_208 = tpu.vector_load %arg12[%parallel_loop3A_206, %parallel_loop3A_207] {strides = array<i32>} : memref<40x128xf32, #tpu.memory_space<vmem>>, vector<16xf32>,
        %parallel_loop3A_209 = arith.mulf %parallel_loop3A_205, %parallel_loop3A_208 : vector<16xf32>
        %parallel_loop3A_210 = arith.addf %parallel_loop3A_202, %parallel_loop3A_209 : vector<16xf32>
        %parallel_loop3A_211 = vector.shape_cast %xor3A_2 : vector<16xi32> to vector<16x1xi32>
        %parallel_loop3A_212 = vector.shape_cast %parallel_loop3A_211 : vector<16x1xi32> to vector<16xi32>
        %parallel_loop3A_213 = tpu.dynamic_gather %parallel_loop3A_210[%parallel_loop3A_212] in [0] : vector<16xf32>, vector<16xi32> -> vector<16xf32>
        %parallel_loop3A_214 = arith.addf %parallel_loop3A_210, %parallel_loop3A_213 : vector<16xf32>
        %parallel_loop3A_215 = arith.constant 2.500000e-01 : f32
        %parallel_loop3A_216 = vector.broadcast %parallel_loop3A_215 : f32 to vector<16xf32>
        %parallel_loop3A_217 = arith.mulf %parallel_loop3A_214, %parallel_loop3A_216 : vector<16xf32>
        %parallel_loop3A_218 = arith.constant -5.000000e+00 : f32
        %parallel_loop3A_219 = arith.constant 5.000000e+00 : f32
        %parallel_loop3A_220 = vector.broadcast %parallel_loop3A_218 : f32 to vector<16xf32>
        %parallel_loop3A_221 = arith.maximumf %parallel_loop3A_217, %parallel_loop3A_220 : vector<16xf32>
        %parallel_loop3A_222 = vector.broadcast %parallel_loop3A_219 : f32 to vector<16xf32>
        %parallel_loop3A_223 = arith.minimumf %parallel_loop3A_221, %parallel_loop3A_222 : vector<16xf32>
        %parallel_loop3A_224 = math.exp %parallel_loop3A_223 : vector<16xf32>
        %parallel_loop3A_225 = arith.index_cast %parallel_loop3A_144 : i32 to index
        %parallel_loop3A_226 = arith.constant 128 : index
        %parallel_loop3A_227 = tpu.vector_load %arg11[%parallel_loop3A_225, %parallel_loop3A_226] {strides = array<i32>} : memref<40x256xf32, #tpu.memory_space<vmem>>, vector<16xf32>,
        %parallel_loop3A_228 = arith.mulf %parallel_loop3A_227, %parallel_loop3A_224 : vector<16xf32>
        %parallel_loop3A_229 = arith.index_cast %parallel_loop3A_144 : i32 to index
        %parallel_loop3A_230 = arith.constant 0 : index
        %parallel_loop3A_231 = tpu.vector_load %arg13[%parallel_loop3A_229, %parallel_loop3A_230] {strides = array<i32>} : memref<40x128xf32, #tpu.memory_space<vmem>>, vector<16xf32>,
        tpu.vector_store %arg13[%parallel_loop3A_229, %parallel_loop3A_230], %parallel_loop3A_228 {strides = array<i32>} : memref<40x128xf32, #tpu.memory_space<vmem>>, vector<16xf32>,
        %parallel_loop3A_232 = arith.index_cast %parallel_loop3A_144 : i32 to index
        %parallel_loop3A_233 = arith.constant 144 : index
        %parallel_loop3A_234 = tpu.vector_load %arg11[%parallel_loop3A_232, %parallel_loop3A_233] {strides = array<i32>} : memref<40x256xf32, #tpu.memory_space<vmem>>, vector<16xf32>,
        %parallel_loop3A_235 = arith.mulf %parallel_loop3A_234, %parallel_loop3A_224 : vector<16xf32>
        %parallel_loop3A_236 = arith.index_cast %parallel_loop3A_144 : i32 to index
        %parallel_loop3A_237 = arith.constant 16 : index
        %parallel_loop3A_238 = tpu.vector_load %arg13[%parallel_loop3A_236, %parallel_loop3A_237] {strides = array<i32>} : memref<40x128xf32, #tpu.memory_space<vmem>>, vector<16xf32>,
        tpu.vector_store %arg13[%parallel_loop3A_236, %parallel_loop3A_237], %parallel_loop3A_235 {strides = array<i32>} : memref<40x128xf32, #tpu.memory_space<vmem>>, vector<16xf32>,
        %parallel_loop3A_239 = arith.index_cast %parallel_loop3A_144 : i32 to index
        %parallel_loop3A_240 = arith.constant 160 : index
        %parallel_loop3A_241 = tpu.vector_load %arg11[%parallel_loop3A_239, %parallel_loop3A_240] {strides = array<i32>} : memref<40x256xf32, #tpu.memory_space<vmem>>, vector<16xf32>,
        %parallel_loop3A_242 = arith.mulf %parallel_loop3A_241, %parallel_loop3A_224 : vector<16xf32>
        %parallel_loop3A_243 = arith.index_cast %parallel_loop3A_144 : i32 to index
        %parallel_loop3A_244 = arith.constant 32 : index
        %parallel_loop3A_245 = tpu.vector_load %arg13[%parallel_loop3A_243, %parallel_loop3A_244] {strides = array<i32>} : memref<40x128xf32, #tpu.memory_space<vmem>>, vector<16xf32>,
        tpu.vector_store %arg13[%parallel_loop3A_243, %parallel_loop3A_244], %parallel_loop3A_242 {strides = array<i32>} : memref<40x128xf32, #tpu.memory_space<vmem>>, vector<16xf32>,
        %parallel_loop3A_246 = arith.index_cast %parallel_loop3A_144 : i32 to index
        %parallel_loop3A_247 = arith.constant 176 : index
        %parallel_loop3A_248 = tpu.vector_load %arg11[%parallel_loop3A_246, %parallel_loop3A_247] {strides = array<i32>} : memref<40x256xf32, #tpu.memory_space<vmem>>, vector<16xf32>,
        %parallel_loop3A_249 = arith.mulf %parallel_loop3A_248, %parallel_loop3A_224 : vector<16xf32>
        %parallel_loop3A_250 = arith.index_cast %parallel_loop3A_144 : i32 to index
        %parallel_loop3A_251 = arith.constant 48 : index
        %parallel_loop3A_252 = tpu.vector_load %arg13[%parallel_loop3A_250, %parallel_loop3A_251] {strides = array<i32>} : memref<40x128xf32, #tpu.memory_space<vmem>>, vector<16xf32>,
        tpu.vector_store %arg13[%parallel_loop3A_250, %parallel_loop3A_251], %parallel_loop3A_249 {strides = array<i32>} : memref<40x128xf32, #tpu.memory_space<vmem>>, vector<16xf32>,
        %parallel_loop3A_253 = arith.index_cast %parallel_loop3A_144 : i32 to index
        %parallel_loop3A_254 = arith.constant 192 : index
        %parallel_loop3A_255 = tpu.vector_load %arg11[%parallel_loop3A_253, %parallel_loop3A_254] {strides = array<i32>} : memref<40x256xf32, #tpu.memory_space<vmem>>, vector<16xf32>,
        %parallel_loop3A_256 = arith.mulf %parallel_loop3A_255, %parallel_loop3A_224 : vector<16xf32>
        %parallel_loop3A_257 = arith.index_cast %parallel_loop3A_144 : i32 to index
        %parallel_loop3A_258 = arith.constant 64 : index
        %parallel_loop3A_259 = tpu.vector_load %arg13[%parallel_loop3A_257, %parallel_loop3A_258] {strides = array<i32>} : memref<40x128xf32, #tpu.memory_space<vmem>>, vector<16xf32>,
        tpu.vector_store %arg13[%parallel_loop3A_257, %parallel_loop3A_258], %parallel_loop3A_256 {strides = array<i32>} : memref<40x128xf32, #tpu.memory_space<vmem>>, vector<16xf32>,
        %parallel_loop3A_260 = arith.index_cast %parallel_loop3A_144 : i32 to index
        %parallel_loop3A_261 = arith.constant 208 : index
        %parallel_loop3A_262 = tpu.vector_load %arg11[%parallel_loop3A_260, %parallel_loop3A_261] {strides = array<i32>} : memref<40x256xf32, #tpu.memory_space<vmem>>, vector<16xf32>,
        %parallel_loop3A_263 = arith.mulf %parallel_loop3A_262, %parallel_loop3A_224 : vector<16xf32>
        %parallel_loop3A_264 = arith.index_cast %parallel_loop3A_144 : i32 to index
        %parallel_loop3A_265 = arith.constant 80 : index
        %parallel_loop3A_266 = tpu.vector_load %arg13[%parallel_loop3A_264, %parallel_loop3A_265] {strides = array<i32>} : memref<40x128xf32, #tpu.memory_space<vmem>>, vector<16xf32>,
        tpu.vector_store %arg13[%parallel_loop3A_264, %parallel_loop3A_265], %parallel_loop3A_263 {strides = array<i32>} : memref<40x128xf32, #tpu.memory_space<vmem>>, vector<16xf32>,
        %parallel_loop3A_267 = arith.index_cast %parallel_loop3A_144 : i32 to index
        %parallel_loop3A_268 = arith.constant 224 : index
        %parallel_loop3A_269 = tpu.vector_load %arg11[%parallel_loop3A_267, %parallel_loop3A_268] {strides = array<i32>} : memref<40x256xf32, #tpu.memory_space<vmem>>, vector<16xf32>,
        %parallel_loop3A_270 = arith.mulf %parallel_loop3A_269, %parallel_loop3A_224 : vector<16xf32>
        %parallel_loop3A_271 = arith.index_cast %parallel_loop3A_144 : i32 to index
        %parallel_loop3A_272 = arith.constant 96 : index
        %parallel_loop3A_273 = tpu.vector_load %arg13[%parallel_loop3A_271, %parallel_loop3A_272] {strides = array<i32>} : memref<40x128xf32, #tpu.memory_space<vmem>>, vector<16xf32>,
        tpu.vector_store %arg13[%parallel_loop3A_271, %parallel_loop3A_272], %parallel_loop3A_270 {strides = array<i32>} : memref<40x128xf32, #tpu.memory_space<vmem>>, vector<16xf32>,
        %parallel_loop3A_274 = arith.index_cast %parallel_loop3A_144 : i32 to index
        %parallel_loop3A_275 = arith.constant 240 : index
        %parallel_loop3A_276 = tpu.vector_load %arg11[%parallel_loop3A_274, %parallel_loop3A_275] {strides = array<i32>} : memref<40x256xf32, #tpu.memory_space<vmem>>, vector<16xf32>,
        %parallel_loop3A_277 = arith.mulf %parallel_loop3A_276, %parallel_loop3A_224 : vector<16xf32>
        %parallel_loop3A_278 = arith.index_cast %parallel_loop3A_144 : i32 to index
        %parallel_loop3A_279 = arith.constant 112 : index
        %parallel_loop3A_280 = tpu.vector_load %arg13[%parallel_loop3A_278, %parallel_loop3A_279] {strides = array<i32>} : memref<40x128xf32, #tpu.memory_space<vmem>>, vector<16xf32>,
        tpu.vector_store %arg13[%parallel_loop3A_278, %parallel_loop3A_279], %parallel_loop3A_277 {strides = array<i32>} : memref<40x128xf32, #tpu.memory_space<vmem>>, vector<16xf32>,
      } {sc.loop_unroll_factor = 4 : i64, sc.parallel_access}
      %dma_start3A_94 = arith.constant 0 : i32
      %dma_start3A_95 = arith.constant 0 : i32
      %dma_start3A_96 = tpu.memref_slice %arg7[%dma_start3A_94, %dma_start3A_95] : memref<10000x128xf32, #tpu.memory_space<vmem_shared>> -> memref<10000x128xf32, #tpu.memory_space<vmem_shared>>
      tpu.enqueue_indirect_dma source(%arg13 : memref<40x128xf32, #tpu.memory_space<vmem>>) target(%dma_start3A_96 : memref<10000x128xf32, #tpu.memory_space<vmem_shared>>) offsets(%arg10 : memref<40xi32, #tpu.memory_space<vmem>>) semaphore(%arg22 : memref<!tpu.dma_semaphore, #tpu.memory_space<semaphore_mem>>) {add = true}
      %mul3A_97 = arith.constant 2 : i32
      %mul3A_98 = arith.muli %mul3A_97, %scan3A_58 : i32
      %add3A_99 = arith.constant 1 : i32
      %add3A_100 = arith.addi %mul3A_98, %add3A_99 : i32
      %add3A_101 = arith.constant 1 : i32
      %add3A_102 = arith.addi %add3A_100, %add3A_101 : i32
      %lt3A_103 = arith.constant 250 : i32
      %lt3A_104 = arith.cmpi slt, %add3A_102, %lt3A_103 : i32
      %convert_element_type3A_105 = arith.extui %lt3A_104 : i1 to i32
      %cond3A_106 = arith.constant 0 : i32
      %cond3A_107 = arith.cmpi ne, %convert_element_type3A_105, %cond3A_106 : i32
      scf.if %cond3A_107 {
        %add3A_144 = arith.constant 1 : i32
        %add3A_145 = arith.addi %add3A_100, %add3A_144 : i32
        %mul3A_146 = arith.constant 40 : i32
        %mul3A_147 = arith.muli %add3A_145, %mul3A_146 : i32
        %add3A_148 = arith.addi %add3A, %mul3A_147 : i32
        %dma_wait3A_149 = tpu.memref_slice %arg4[%add3A_148] : memref<320000xi32, #tpu.memory_space<hbm>> -> memref<40xi32, #tpu.memory_space<hbm>>
        %dma_wait3A_150 = tpu.memref_slice %arg4[%add3A_148] : memref<320000xi32, #tpu.memory_space<hbm>> -> memref<40xi32, #tpu.memory_space<hbm>>
        tpu.wait_dma2 semaphore(%arg20 : memref<!tpu.dma_semaphore, #tpu.memory_space<semaphore_mem>>) src(%dma_wait3A_150 : memref<40xi32, #tpu.memory_space<hbm>>) dst(%arg8 : memref<40xi32, #tpu.memory_space<vmem>>)
        %dma_wait3A_151 = tpu.memref_slice %arg5[%add3A_148] : memref<320000xi32, #tpu.memory_space<hbm>> -> memref<40xi32, #tpu.memory_space<hbm>>
        %dma_wait3A_152 = tpu.memref_slice %arg5[%add3A_148] : memref<320000xi32, #tpu.memory_space<hbm>> -> memref<40xi32, #tpu.memory_space<hbm>>
        tpu.wait_dma2 semaphore(%arg20 : memref<!tpu.dma_semaphore, #tpu.memory_space<semaphore_mem>>) src(%dma_wait3A_152 : memref<40xi32, #tpu.memory_space<hbm>>) dst(%arg9 : memref<40xi32, #tpu.memory_space<vmem>>)
        %dma_start3A_153 = arith.constant 0 : i32
        %dma_start3A_154 = arith.constant 0 : i32
        %dma_start3A_155 = tpu.memref_slice %arg3[%dma_start3A_153, %dma_start3A_154] : memref<10000x256xf32, #tpu.memory_space<hbm>> -> memref<10000x256xf32, #tpu.memory_space<hbm>>
        tpu.enqueue_indirect_dma source(%dma_start3A_155 : memref<10000x256xf32, #tpu.memory_space<hbm>>) target(%arg11 : memref<40x256xf32, #tpu.memory_space<vmem>>) offsets(%arg8 : memref<40xi32, #tpu.memory_space<vmem>>) semaphore(%arg21 : memref<!tpu.dma_semaphore, #tpu.memory_space<semaphore_mem>>)
        %dma_start3A_156 = arith.constant 0 : i32
        %dma_start3A_157 = arith.constant 0 : i32
        %dma_start3A_158 = tpu.memref_slice %arg2[%dma_start3A_156, %dma_start3A_157] : memref<10000x128xf32, #tpu.memory_space<hbm>> -> memref<10000x128xf32, #tpu.memory_space<hbm>>
        tpu.enqueue_indirect_dma source(%dma_start3A_158 : memref<10000x128xf32, #tpu.memory_space<hbm>>) target(%arg12 : memref<40x128xf32, #tpu.memory_space<vmem>>) offsets(%arg9 : memref<40xi32, #tpu.memory_space<vmem>>) semaphore(%arg21 : memref<!tpu.dma_semaphore, #tpu.memory_space<semaphore_mem>>)
      } else {
      }
      %dma_wait3A_108 = arith.constant 0 : i32
      %dma_wait3A_109 = arith.constant 0 : i32
      %dma_wait3A_110 = tpu.memref_slice %arg3[%dma_wait3A_108, %dma_wait3A_109] : memref<10000x256xf32, #tpu.memory_space<hbm>> -> memref<10000x256xf32, #tpu.memory_space<hbm>>
      tpu.wait_indirect_dma semaphore(%arg24 : memref<!tpu.dma_semaphore, #tpu.memory_space<semaphore_mem>>) src(%dma_wait3A_110 : memref<10000x256xf32, #tpu.memory_space<hbm>>) dst(%arg17 : memref<40x256xf32, #tpu.memory_space<vmem>>)
      %dma_wait3A_111 = arith.constant 0 : i32
      %dma_wait3A_112 = arith.constant 0 : i32
      %dma_wait3A_113 = tpu.memref_slice %arg2[%dma_wait3A_111, %dma_wait3A_112] : memref<10000x128xf32, #tpu.memory_space<hbm>> -> memref<10000x128xf32, #tpu.memory_space<hbm>>
      tpu.wait_indirect_dma semaphore(%arg24 : memref<!tpu.dma_semaphore, #tpu.memory_space<semaphore_mem>>) src(%dma_wait3A_113 : memref<10000x128xf32, #tpu.memory_space<hbm>>) dst(%arg18 : memref<40x128xf32, #tpu.memory_space<vmem>>)
      %ge3A_114 = arith.constant 2 : i32
      %ge3A_115 = arith.cmpi sge, %add3A_100, %ge3A_114 : i32
      %convert_element_type3A_116 = arith.extui %ge3A_115 : i1 to i32
      %cond3A_117 = arith.constant 0 : i32
      %cond3A_118 = arith.cmpi ne, %convert_element_type3A_116, %cond3A_117 : i32
      scf.if %cond3A_118 {
        %dma_wait3A_144 = arith.constant 0 : i32
        %dma_wait3A_145 = arith.constant 0 : i32
        %dma_wait3A_146 = tpu.memref_slice %arg7[%dma_wait3A_144, %dma_wait3A_145] : memref<10000x128xf32, #tpu.memory_space<vmem_shared>> -> memref<10000x128xf32, #tpu.memory_space<vmem_shared>>
        tpu.wait_indirect_dma semaphore(%arg25 : memref<!tpu.dma_semaphore, #tpu.memory_space<semaphore_mem>>) src(%arg19 : memref<40x128xf32, #tpu.memory_space<vmem>>) dst(%dma_wait3A_146 : memref<10000x128xf32, #tpu.memory_space<vmem_shared>>)
      } else {
      }
      %get3A_119 = arith.constant 0 : index
      %get3A_120 = tpu.vector_load %arg15[%get3A_119] {strides = array<i32>} : memref<40xi32, #tpu.memory_space<vmem>>, vector<16xi32>,
      %swap3A_121 = arith.constant 0 : index
      %swap3A_122 = tpu.vector_load %arg16[%swap3A_121] {strides = array<i32>} : memref<40xi32, #tpu.memory_space<vmem>>, vector<16xi32>,
      tpu.vector_store %arg16[%swap3A_121], %get3A_120 {strides = array<i32>} : memref<40xi32, #tpu.memory_space<vmem>>, vector<16xi32>,
      %get3A_123 = arith.constant 16 : index
      %get3A_124 = tpu.vector_load %arg15[%get3A_123] {strides = array<i32>} : memref<40xi32, #tpu.memory_space<vmem>>, vector<16xi32>,
      %swap3A_125 = arith.constant 16 : index
      %swap3A_126 = tpu.vector_load %arg16[%swap3A_125] {strides = array<i32>} : memref<40xi32, #tpu.memory_space<vmem>>, vector<16xi32>,
      tpu.vector_store %arg16[%swap3A_125], %get3A_124 {strides = array<i32>} : memref<40xi32, #tpu.memory_space<vmem>>, vector<16xi32>,
      %get3A_127 = arith.constant 24 : index
      %get3A_128 = tpu.vector_load %arg15[%get3A_127] {strides = array<i32>} : memref<40xi32, #tpu.memory_space<vmem>>, vector<16xi32>,
      %swap3A_129 = arith.constant 24 : index
      %swap3A_130 = tpu.vector_load %arg16[%swap3A_129] {strides = array<i32>} : memref<40xi32, #tpu.memory_space<vmem>>, vector<16xi32>,
      tpu.vector_store %arg16[%swap3A_129], %get3A_128 {strides = array<i32>} : memref<40xi32, #tpu.memory_space<vmem>>, vector<16xi32>,
      %add3A_131 = arith.constant 2 : i32
      %add3A_132 = arith.addi %add3A_100, %add3A_131 : i32
      %lt3A_133 = arith.constant 250 : i32
      %lt3A_134 = arith.cmpi slt, %add3A_132, %lt3A_133 : i32
      %convert_element_type3A_135 = arith.extui %lt3A_134 : i1 to i32
      %cond3A_136 = arith.constant 0 : i32
      %cond3A_137 = arith.cmpi ne, %convert_element_type3A_135, %cond3A_136 : i32
      scf.if %cond3A_137 {
        %add3A_144 = arith.constant 2 : i32
        %add3A_145 = arith.addi %add3A_100, %add3A_144 : i32
        %mul3A_146 = arith.constant 40 : i32
        %mul3A_147 = arith.muli %add3A_145, %mul3A_146 : i32
        %add3A_148 = arith.addi %add3A, %mul3A_147 : i32
        %dma_start3A_149 = tpu.memref_slice %arg4[%add3A_148] : memref<320000xi32, #tpu.memory_space<hbm>> -> memref<40xi32, #tpu.memory_space<hbm>>
        %dma_start3A_150 = tpu.memref_slice %arg4[%add3A_148] : memref<320000xi32, #tpu.memory_space<hbm>> -> memref<40xi32, #tpu.memory_space<hbm>>
        tpu.enqueue_dma source(%dma_start3A_150 : memref<40xi32, #tpu.memory_space<hbm>>) target(%arg14 : memref<40xi32, #tpu.memory_space<vmem>>) target_semaphore(%arg23 : memref<!tpu.dma_semaphore, #tpu.memory_space<semaphore_mem>>)
        %dma_start3A_151 = tpu.memref_slice %arg5[%add3A_148] : memref<320000xi32, #tpu.memory_space<hbm>> -> memref<40xi32, #tpu.memory_space<hbm>>
        %dma_start3A_152 = tpu.memref_slice %arg5[%add3A_148] : memref<320000xi32, #tpu.memory_space<hbm>> -> memref<40xi32, #tpu.memory_space<hbm>>
        tpu.enqueue_dma source(%dma_start3A_152 : memref<40xi32, #tpu.memory_space<hbm>>) target(%arg15 : memref<40xi32, #tpu.memory_space<vmem>>) target_semaphore(%arg23 : memref<!tpu.dma_semaphore, #tpu.memory_space<semaphore_mem>>)
      } else {
      }
      %parallel_loop3A_138 = arith.constant 0 : i32
      %parallel_loop3A_139 = arith.constant 40 : i32
      %parallel_loop3A_140 = arith.constant 1 : i32
      scf.for %parallel_loop3A_144 = %parallel_loop3A_138 to %parallel_loop3A_139 step %parallel_loop3A_140  : i32 {
        %parallel_loop3A_145 = arith.constant 0.000000e+00 : f32
        %parallel_loop3A_146 = vector.broadcast %parallel_loop3A_145 : f32 to vector<16xf32>
        %parallel_loop3A_147 = arith.index_cast %parallel_loop3A_144 : i32 to index
        %parallel_loop3A_148 = arith.constant 0 : index
        %parallel_loop3A_149 = tpu.vector_load %arg17[%parallel_loop3A_147, %parallel_loop3A_148] {strides = array<i32>} : memref<40x256xf32, #tpu.memory_space<vmem>>, vector<16xf32>,
        %parallel_loop3A_150 = arith.index_cast %parallel_loop3A_144 : i32 to index
        %parallel_loop3A_151 = arith.constant 0 : index
        %parallel_loop3A_152 = tpu.vector_load %arg18[%parallel_loop3A_150, %parallel_loop3A_151] {strides = array<i32>} : memref<40x128xf32, #tpu.memory_space<vmem>>, vector<16xf32>,
        %parallel_loop3A_153 = arith.mulf %parallel_loop3A_149, %parallel_loop3A_152 : vector<16xf32>
        %parallel_loop3A_154 = arith.addf %parallel_loop3A_146, %parallel_loop3A_153 : vector<16xf32>
        %parallel_loop3A_155 = arith.index_cast %parallel_loop3A_144 : i32 to index
        %parallel_loop3A_156 = arith.constant 16 : index
        %parallel_loop3A_157 = tpu.vector_load %arg17[%parallel_loop3A_155, %parallel_loop3A_156] {strides = array<i32>} : memref<40x256xf32, #tpu.memory_space<vmem>>, vector<16xf32>,
        %parallel_loop3A_158 = arith.index_cast %parallel_loop3A_144 : i32 to index
        %parallel_loop3A_159 = arith.constant 16 : index
        %parallel_loop3A_160 = tpu.vector_load %arg18[%parallel_loop3A_158, %parallel_loop3A_159] {strides = array<i32>} : memref<40x128xf32, #tpu.memory_space<vmem>>, vector<16xf32>,
        %parallel_loop3A_161 = arith.mulf %parallel_loop3A_157, %parallel_loop3A_160 : vector<16xf32>
        %parallel_loop3A_162 = arith.addf %parallel_loop3A_154, %parallel_loop3A_161 : vector<16xf32>
        %parallel_loop3A_163 = arith.index_cast %parallel_loop3A_144 : i32 to index
        %parallel_loop3A_164 = arith.constant 32 : index
        %parallel_loop3A_165 = tpu.vector_load %arg17[%parallel_loop3A_163, %parallel_loop3A_164] {strides = array<i32>} : memref<40x256xf32, #tpu.memory_space<vmem>>, vector<16xf32>,
        %parallel_loop3A_166 = arith.index_cast %parallel_loop3A_144 : i32 to index
        %parallel_loop3A_167 = arith.constant 32 : index
        %parallel_loop3A_168 = tpu.vector_load %arg18[%parallel_loop3A_166, %parallel_loop3A_167] {strides = array<i32>} : memref<40x128xf32, #tpu.memory_space<vmem>>, vector<16xf32>,
        %parallel_loop3A_169 = arith.mulf %parallel_loop3A_165, %parallel_loop3A_168 : vector<16xf32>
        %parallel_loop3A_170 = arith.addf %parallel_loop3A_162, %parallel_loop3A_169 : vector<16xf32>
        %parallel_loop3A_171 = arith.index_cast %parallel_loop3A_144 : i32 to index
        %parallel_loop3A_172 = arith.constant 48 : index
        %parallel_loop3A_173 = tpu.vector_load %arg17[%parallel_loop3A_171, %parallel_loop3A_172] {strides = array<i32>} : memref<40x256xf32, #tpu.memory_space<vmem>>, vector<16xf32>,
        %parallel_loop3A_174 = arith.index_cast %parallel_loop3A_144 : i32 to index
        %parallel_loop3A_175 = arith.constant 48 : index
        %parallel_loop3A_176 = tpu.vector_load %arg18[%parallel_loop3A_174, %parallel_loop3A_175] {strides = array<i32>} : memref<40x128xf32, #tpu.memory_space<vmem>>, vector<16xf32>,
        %parallel_loop3A_177 = arith.mulf %parallel_loop3A_173, %parallel_loop3A_176 : vector<16xf32>
        %parallel_loop3A_178 = arith.addf %parallel_loop3A_170, %parallel_loop3A_177 : vector<16xf32>
        %parallel_loop3A_179 = arith.index_cast %parallel_loop3A_144 : i32 to index
        %parallel_loop3A_180 = arith.constant 64 : index
        %parallel_loop3A_181 = tpu.vector_load %arg17[%parallel_loop3A_179, %parallel_loop3A_180] {strides = array<i32>} : memref<40x256xf32, #tpu.memory_space<vmem>>, vector<16xf32>,
        %parallel_loop3A_182 = arith.index_cast %parallel_loop3A_144 : i32 to index
        %parallel_loop3A_183 = arith.constant 64 : index
        %parallel_loop3A_184 = tpu.vector_load %arg18[%parallel_loop3A_182, %parallel_loop3A_183] {strides = array<i32>} : memref<40x128xf32, #tpu.memory_space<vmem>>, vector<16xf32>,
        %parallel_loop3A_185 = arith.mulf %parallel_loop3A_181, %parallel_loop3A_184 : vector<16xf32>
        %parallel_loop3A_186 = arith.addf %parallel_loop3A_178, %parallel_loop3A_185 : vector<16xf32>
        %parallel_loop3A_187 = arith.index_cast %parallel_loop3A_144 : i32 to index
        %parallel_loop3A_188 = arith.constant 80 : index
        %parallel_loop3A_189 = tpu.vector_load %arg17[%parallel_loop3A_187, %parallel_loop3A_188] {strides = array<i32>} : memref<40x256xf32, #tpu.memory_space<vmem>>, vector<16xf32>,
        %parallel_loop3A_190 = arith.index_cast %parallel_loop3A_144 : i32 to index
        %parallel_loop3A_191 = arith.constant 80 : index
        %parallel_loop3A_192 = tpu.vector_load %arg18[%parallel_loop3A_190, %parallel_loop3A_191] {strides = array<i32>} : memref<40x128xf32, #tpu.memory_space<vmem>>, vector<16xf32>,
        %parallel_loop3A_193 = arith.mulf %parallel_loop3A_189, %parallel_loop3A_192 : vector<16xf32>
        %parallel_loop3A_194 = arith.addf %parallel_loop3A_186, %parallel_loop3A_193 : vector<16xf32>
        %parallel_loop3A_195 = arith.index_cast %parallel_loop3A_144 : i32 to index
        %parallel_loop3A_196 = arith.constant 96 : index
        %parallel_loop3A_197 = tpu.vector_load %arg17[%parallel_loop3A_195, %parallel_loop3A_196] {strides = array<i32>} : memref<40x256xf32, #tpu.memory_space<vmem>>, vector<16xf32>,
        %parallel_loop3A_198 = arith.index_cast %parallel_loop3A_144 : i32 to index
        %parallel_loop3A_199 = arith.constant 96 : index
        %parallel_loop3A_200 = tpu.vector_load %arg18[%parallel_loop3A_198, %parallel_loop3A_199] {strides = array<i32>} : memref<40x128xf32, #tpu.memory_space<vmem>>, vector<16xf32>,
        %parallel_loop3A_201 = arith.mulf %parallel_loop3A_197, %parallel_loop3A_200 : vector<16xf32>
        %parallel_loop3A_202 = arith.addf %parallel_loop3A_194, %parallel_loop3A_201 : vector<16xf32>
        %parallel_loop3A_203 = arith.index_cast %parallel_loop3A_144 : i32 to index
        %parallel_loop3A_204 = arith.constant 112 : index
        %parallel_loop3A_205 = tpu.vector_load %arg17[%parallel_loop3A_203, %parallel_loop3A_204] {strides = array<i32>} : memref<40x256xf32, #tpu.memory_space<vmem>>, vector<16xf32>,
        %parallel_loop3A_206 = arith.index_cast %parallel_loop3A_144 : i32 to index
        %parallel_loop3A_207 = arith.constant 112 : index
        %parallel_loop3A_208 = tpu.vector_load %arg18[%parallel_loop3A_206, %parallel_loop3A_207] {strides = array<i32>} : memref<40x128xf32, #tpu.memory_space<vmem>>, vector<16xf32>,
        %parallel_loop3A_209 = arith.mulf %parallel_loop3A_205, %parallel_loop3A_208 : vector<16xf32>
        %parallel_loop3A_210 = arith.addf %parallel_loop3A_202, %parallel_loop3A_209 : vector<16xf32>
        %parallel_loop3A_211 = vector.shape_cast %xor3A_2 : vector<16xi32> to vector<16x1xi32>
        %parallel_loop3A_212 = vector.shape_cast %parallel_loop3A_211 : vector<16x1xi32> to vector<16xi32>
        %parallel_loop3A_213 = tpu.dynamic_gather %parallel_loop3A_210[%parallel_loop3A_212] in [0] : vector<16xf32>, vector<16xi32> -> vector<16xf32>
        %parallel_loop3A_214 = arith.addf %parallel_loop3A_210, %parallel_loop3A_213 : vector<16xf32>
        %parallel_loop3A_215 = arith.constant 2.500000e-01 : f32
        %parallel_loop3A_216 = vector.broadcast %parallel_loop3A_215 : f32 to vector<16xf32>
        %parallel_loop3A_217 = arith.mulf %parallel_loop3A_214, %parallel_loop3A_216 : vector<16xf32>
        %parallel_loop3A_218 = arith.constant -5.000000e+00 : f32
        %parallel_loop3A_219 = arith.constant 5.000000e+00 : f32
        %parallel_loop3A_220 = vector.broadcast %parallel_loop3A_218 : f32 to vector<16xf32>
        %parallel_loop3A_221 = arith.maximumf %parallel_loop3A_217, %parallel_loop3A_220 : vector<16xf32>
        %parallel_loop3A_222 = vector.broadcast %parallel_loop3A_219 : f32 to vector<16xf32>
        %parallel_loop3A_223 = arith.minimumf %parallel_loop3A_221, %parallel_loop3A_222 : vector<16xf32>
        %parallel_loop3A_224 = math.exp %parallel_loop3A_223 : vector<16xf32>
        %parallel_loop3A_225 = arith.index_cast %parallel_loop3A_144 : i32 to index
        %parallel_loop3A_226 = arith.constant 128 : index
        %parallel_loop3A_227 = tpu.vector_load %arg17[%parallel_loop3A_225, %parallel_loop3A_226] {strides = array<i32>} : memref<40x256xf32, #tpu.memory_space<vmem>>, vector<16xf32>,
        %parallel_loop3A_228 = arith.mulf %parallel_loop3A_227, %parallel_loop3A_224 : vector<16xf32>
        %parallel_loop3A_229 = arith.index_cast %parallel_loop3A_144 : i32 to index
        %parallel_loop3A_230 = arith.constant 0 : index
        %parallel_loop3A_231 = tpu.vector_load %arg19[%parallel_loop3A_229, %parallel_loop3A_230] {strides = array<i32>} : memref<40x128xf32, #tpu.memory_space<vmem>>, vector<16xf32>,
        tpu.vector_store %arg19[%parallel_loop3A_229, %parallel_loop3A_230], %parallel_loop3A_228 {strides = array<i32>} : memref<40x128xf32, #tpu.memory_space<vmem>>, vector<16xf32>,
        %parallel_loop3A_232 = arith.index_cast %parallel_loop3A_144 : i32 to index
        %parallel_loop3A_233 = arith.constant 144 : index
        %parallel_loop3A_234 = tpu.vector_load %arg17[%parallel_loop3A_232, %parallel_loop3A_233] {strides = array<i32>} : memref<40x256xf32, #tpu.memory_space<vmem>>, vector<16xf32>,
        %parallel_loop3A_235 = arith.mulf %parallel_loop3A_234, %parallel_loop3A_224 : vector<16xf32>
        %parallel_loop3A_236 = arith.index_cast %parallel_loop3A_144 : i32 to index
        %parallel_loop3A_237 = arith.constant 16 : index
        %parallel_loop3A_238 = tpu.vector_load %arg19[%parallel_loop3A_236, %parallel_loop3A_237] {strides = array<i32>} : memref<40x128xf32, #tpu.memory_space<vmem>>, vector<16xf32>,
        tpu.vector_store %arg19[%parallel_loop3A_236, %parallel_loop3A_237], %parallel_loop3A_235 {strides = array<i32>} : memref<40x128xf32, #tpu.memory_space<vmem>>, vector<16xf32>,
        %parallel_loop3A_239 = arith.index_cast %parallel_loop3A_144 : i32 to index
        %parallel_loop3A_240 = arith.constant 160 : index
        %parallel_loop3A_241 = tpu.vector_load %arg17[%parallel_loop3A_239, %parallel_loop3A_240] {strides = array<i32>} : memref<40x256xf32, #tpu.memory_space<vmem>>, vector<16xf32>,
        %parallel_loop3A_242 = arith.mulf %parallel_loop3A_241, %parallel_loop3A_224 : vector<16xf32>
        %parallel_loop3A_243 = arith.index_cast %parallel_loop3A_144 : i32 to index
        %parallel_loop3A_244 = arith.constant 32 : index
        %parallel_loop3A_245 = tpu.vector_load %arg19[%parallel_loop3A_243, %parallel_loop3A_244] {strides = array<i32>} : memref<40x128xf32, #tpu.memory_space<vmem>>, vector<16xf32>,
        tpu.vector_store %arg19[%parallel_loop3A_243, %parallel_loop3A_244], %parallel_loop3A_242 {strides = array<i32>} : memref<40x128xf32, #tpu.memory_space<vmem>>, vector<16xf32>,
        %parallel_loop3A_246 = arith.index_cast %parallel_loop3A_144 : i32 to index
        %parallel_loop3A_247 = arith.constant 176 : index
        %parallel_loop3A_248 = tpu.vector_load %arg17[%parallel_loop3A_246, %parallel_loop3A_247] {strides = array<i32>} : memref<40x256xf32, #tpu.memory_space<vmem>>, vector<16xf32>,
        %parallel_loop3A_249 = arith.mulf %parallel_loop3A_248, %parallel_loop3A_224 : vector<16xf32>
        %parallel_loop3A_250 = arith.index_cast %parallel_loop3A_144 : i32 to index
        %parallel_loop3A_251 = arith.constant 48 : index
        %parallel_loop3A_252 = tpu.vector_load %arg19[%parallel_loop3A_250, %parallel_loop3A_251] {strides = array<i32>} : memref<40x128xf32, #tpu.memory_space<vmem>>, vector<16xf32>,
        tpu.vector_store %arg19[%parallel_loop3A_250, %parallel_loop3A_251], %parallel_loop3A_249 {strides = array<i32>} : memref<40x128xf32, #tpu.memory_space<vmem>>, vector<16xf32>,
        %parallel_loop3A_253 = arith.index_cast %parallel_loop3A_144 : i32 to index
        %parallel_loop3A_254 = arith.constant 192 : index
        %parallel_loop3A_255 = tpu.vector_load %arg17[%parallel_loop3A_253, %parallel_loop3A_254] {strides = array<i32>} : memref<40x256xf32, #tpu.memory_space<vmem>>, vector<16xf32>,
        %parallel_loop3A_256 = arith.mulf %parallel_loop3A_255, %parallel_loop3A_224 : vector<16xf32>
        %parallel_loop3A_257 = arith.index_cast %parallel_loop3A_144 : i32 to index
        %parallel_loop3A_258 = arith.constant 64 : index
        %parallel_loop3A_259 = tpu.vector_load %arg19[%parallel_loop3A_257, %parallel_loop3A_258] {strides = array<i32>} : memref<40x128xf32, #tpu.memory_space<vmem>>, vector<16xf32>,
        tpu.vector_store %arg19[%parallel_loop3A_257, %parallel_loop3A_258], %parallel_loop3A_256 {strides = array<i32>} : memref<40x128xf32, #tpu.memory_space<vmem>>, vector<16xf32>,
        %parallel_loop3A_260 = arith.index_cast %parallel_loop3A_144 : i32 to index
        %parallel_loop3A_261 = arith.constant 208 : index
        %parallel_loop3A_262 = tpu.vector_load %arg17[%parallel_loop3A_260, %parallel_loop3A_261] {strides = array<i32>} : memref<40x256xf32, #tpu.memory_space<vmem>>, vector<16xf32>,
        %parallel_loop3A_263 = arith.mulf %parallel_loop3A_262, %parallel_loop3A_224 : vector<16xf32>
        %parallel_loop3A_264 = arith.index_cast %parallel_loop3A_144 : i32 to index
        %parallel_loop3A_265 = arith.constant 80 : index
        %parallel_loop3A_266 = tpu.vector_load %arg19[%parallel_loop3A_264, %parallel_loop3A_265] {strides = array<i32>} : memref<40x128xf32, #tpu.memory_space<vmem>>, vector<16xf32>,
        tpu.vector_store %arg19[%parallel_loop3A_264, %parallel_loop3A_265], %parallel_loop3A_263 {strides = array<i32>} : memref<40x128xf32, #tpu.memory_space<vmem>>, vector<16xf32>,
        %parallel_loop3A_267 = arith.index_cast %parallel_loop3A_144 : i32 to index
        %parallel_loop3A_268 = arith.constant 224 : index
        %parallel_loop3A_269 = tpu.vector_load %arg17[%parallel_loop3A_267, %parallel_loop3A_268] {strides = array<i32>} : memref<40x256xf32, #tpu.memory_space<vmem>>, vector<16xf32>,
        %parallel_loop3A_270 = arith.mulf %parallel_loop3A_269, %parallel_loop3A_224 : vector<16xf32>
        %parallel_loop3A_271 = arith.index_cast %parallel_loop3A_144 : i32 to index
        %parallel_loop3A_272 = arith.constant 96 : index
        %parallel_loop3A_273 = tpu.vector_load %arg19[%parallel_loop3A_271, %parallel_loop3A_272] {strides = array<i32>} : memref<40x128xf32, #tpu.memory_space<vmem>>, vector<16xf32>,
        tpu.vector_store %arg19[%parallel_loop3A_271, %parallel_loop3A_272], %parallel_loop3A_270 {strides = array<i32>} : memref<40x128xf32, #tpu.memory_space<vmem>>, vector<16xf32>,
        %parallel_loop3A_274 = arith.index_cast %parallel_loop3A_144 : i32 to index
        %parallel_loop3A_275 = arith.constant 240 : index
        %parallel_loop3A_276 = tpu.vector_load %arg17[%parallel_loop3A_274, %parallel_loop3A_275] {strides = array<i32>} : memref<40x256xf32, #tpu.memory_space<vmem>>, vector<16xf32>,
        %parallel_loop3A_277 = arith.mulf %parallel_loop3A_276, %parallel_loop3A_224 : vector<16xf32>
        %parallel_loop3A_278 = arith.index_cast %parallel_loop3A_144 : i32 to index
        %parallel_loop3A_279 = arith.constant 112 : index
        %parallel_loop3A_280 = tpu.vector_load %arg19[%parallel_loop3A_278, %parallel_loop3A_279] {strides = array<i32>} : memref<40x128xf32, #tpu.memory_space<vmem>>, vector<16xf32>,
        tpu.vector_store %arg19[%parallel_loop3A_278, %parallel_loop3A_279], %parallel_loop3A_277 {strides = array<i32>} : memref<40x128xf32, #tpu.memory_space<vmem>>, vector<16xf32>,
      } {sc.loop_unroll_factor = 4 : i64, sc.parallel_access}
      %dma_start3A_141 = arith.constant 0 : i32
      %dma_start3A_142 = arith.constant 0 : i32
      %dma_start3A_143 = tpu.memref_slice %arg7[%dma_start3A_141, %dma_start3A_142] : memref<10000x128xf32, #tpu.memory_space<vmem_shared>> -> memref<10000x128xf32, #tpu.memory_space<vmem_shared>>
      tpu.enqueue_indirect_dma source(%arg19 : memref<40x128xf32, #tpu.memory_space<vmem>>) target(%dma_start3A_143 : memref<10000x128xf32, #tpu.memory_space<vmem_shared>>) offsets(%arg16 : memref<40xi32, #tpu.memory_space<vmem>>) semaphore(%arg25 : memref<!tpu.dma_semaphore, #tpu.memory_space<semaphore_mem>>) {add = true}
    }
    %scan3A_44 = arith.constant 125 : i32
    %dma_wait3A_45 = arith.constant 0 : i32
    %dma_wait3A_46 = arith.constant 0 : i32
    %dma_wait3A_47 = tpu.memref_slice %arg7[%dma_wait3A_45, %dma_wait3A_46] : memref<10000x128xf32, #tpu.memory_space<vmem_shared>> -> memref<10000x128xf32, #tpu.memory_space<vmem_shared>>
    tpu.wait_indirect_dma semaphore(%arg22 : memref<!tpu.dma_semaphore, #tpu.memory_space<semaphore_mem>>) src(%arg13 : memref<40x128xf32, #tpu.memory_space<vmem>>) dst(%dma_wait3A_47 : memref<10000x128xf32, #tpu.memory_space<vmem_shared>>)
    %dma_wait3A_48 = arith.constant 0 : i32
    %dma_wait3A_49 = arith.constant 0 : i32
    %dma_wait3A_50 = tpu.memref_slice %arg7[%dma_wait3A_48, %dma_wait3A_49] : memref<10000x128xf32, #tpu.memory_space<vmem_shared>> -> memref<10000x128xf32, #tpu.memory_space<vmem_shared>>
    tpu.wait_indirect_dma semaphore(%arg25 : memref<!tpu.dma_semaphore, #tpu.memory_space<semaphore_mem>>) src(%arg19 : memref<40x128xf32, #tpu.memory_space<vmem>>) dst(%dma_wait3A_50 : memref<10000x128xf32, #tpu.memory_space<vmem_shared>>)
    %barrier3A_51 = arith.constant 0 : index
    tpu.barrier barrier_id(%barrier3A_51)
    %scan3A_52 = arith.constant 0 : i32
    %scan3A_53 = arith.constant 0 : i32
    %scan3A_54 = arith.constant 4 : i32
    %scan3A_55 = arith.addi %scan3A_53, %scan3A_54 : i32
    %scan3A_56 = arith.constant 1 : i32
    scf.for %scan3A_58 = %scan3A_53 to %scan3A_55 step %scan3A_56  : i32 {
      %mul3A_59 = arith.constant 16 : i32
      %mul3A_60 = arith.muli %scan3A_58, %mul3A_59 : i32
      %add3A_61 = arith.addi %arg1, %mul3A_60 : i32
      %lt3A = arith.constant 50 : i32
      %lt3A_62 = arith.cmpi slt, %add3A_61, %lt3A : i32
      %convert_element_type3A = arith.extui %lt3A_62 : i1 to i32
      %cond3A = arith.constant 0 : i32
      %cond3A_63 = arith.cmpi ne, %convert_element_type3A, %cond3A : i32
      scf.if %cond3A_63 {
        %mul3A_64 = arith.constant 200 : i32
        %mul3A_65 = arith.muli %add3A_61, %mul3A_64 : i32
        %mul3A_66 = arith.constant 200 : i32
        %mul3A_67 = arith.muli %add3A_61, %mul3A_66 : i32
        "tpu.region"() ({
          %run_scoped3A = tpu.sem_alloc : memref<!tpu.dma_semaphore, #tpu.memory_space<semaphore_mem>>
          %dma_start3A_68 = arith.constant 0 : i32
          %dma_start3A_69 = tpu.memref_slice %arg6[%arg0, %mul3A_67, %dma_start3A_68] : memref<2x10000x128xf32, #tpu.memory_space<hbm>> -> memref<1x200x128xf32, #tpu.memory_space<hbm>>
          %dma_start3A_70 = tpu.memref_squeeze %dma_start3A_69 : memref<1x200x128xf32, #tpu.memory_space<hbm>> -> memref<200x128xf32, #tpu.memory_space<hbm>>
          %dma_start3A_71 = arith.constant 0 : i32
          %dma_start3A_72 = tpu.memref_slice %arg7[%mul3A_65, %dma_start3A_71] : memref<10000x128xf32, #tpu.memory_space<vmem_shared>> -> memref<200x128xf32, #tpu.memory_space<vmem_shared>>
          tpu.enqueue_dma source(%dma_start3A_72 : memref<200x128xf32, #tpu.memory_space<vmem_shared>>) target(%dma_start3A_70 : memref<200x128xf32, #tpu.memory_space<hbm>>) target_semaphore(%run_scoped3A : memref<!tpu.dma_semaphore, #tpu.memory_space<semaphore_mem>>)
          %dma_wait3A_73 = arith.constant 0 : i32
          %dma_wait3A_74 = tpu.memref_slice %arg6[%arg0, %mul3A_67, %dma_wait3A_73] : memref<2x10000x128xf32, #tpu.memory_space<hbm>> -> memref<1x200x128xf32, #tpu.memory_space<hbm>>
          %dma_wait3A_75 = tpu.memref_squeeze %dma_wait3A_74 : memref<1x200x128xf32, #tpu.memory_space<hbm>> -> memref<200x128xf32, #tpu.memory_space<hbm>>
          %dma_wait3A_76 = arith.constant 0 : i32
          %dma_wait3A_77 = tpu.memref_slice %arg7[%mul3A_65, %dma_wait3A_76] : memref<10000x128xf32, #tpu.memory_space<vmem_shared>> -> memref<200x128xf32, #tpu.memory_space<vmem_shared>>
          tpu.wait_dma2 semaphore(%run_scoped3A : memref<!tpu.dma_semaphore, #tpu.memory_space<semaphore_mem>>) src(%dma_wait3A_77 : memref<200x128xf32, #tpu.memory_space<vmem_shared>>) dst(%dma_wait3A_75 : memref<200x128xf32, #tpu.memory_space<hbm>>)
          tpu.yield
        }) : () -> ()
      } else {
      }
    }
    %scan3A_57 = arith.constant 4 : i32
    return
  }
}

module attributes {stable_mosaic.version = 14 : i64} {
  func.func @_proj_body(%arg0: i32, %arg1: memref<1000x128xf32, #tpu.memory_space<vmem>>, %arg2: memref<128x128xf32, #tpu.memory_space<vmem>>, %arg3: memref<128x128xf32, #tpu.memory_space<vmem>>, %arg4: memref<128x128xf32, #tpu.memory_space<vmem>>, %arg5: memref<1x128xf32, #tpu.memory_space<vmem>>, %arg6: memref<1x128xf32, #tpu.memory_space<vmem>>, %arg7: memref<1x128xf32, #tpu.memory_space<vmem>>, %arg8: memref<1000x128xf32, #tpu.memory_space<vmem>>, %arg9: memref<1000x256xf32, #tpu.memory_space<vmem>>) attributes {dimension_semantics = [#tpu.dimension_semantics<arbitrary>], iteration_bounds = array<i64: 10>, scalar_prefetch = 0 : i64, scratch_operands = 0 : i64, tpu.core_type = #tpu.core_type<tc>, window_params = [{transform_indices = @transform_0, window_bounds = array<i64: 1000, 128>}, {pipeline_mode = #tpu.pipeline_mode<synchronous>, transform_indices = @transform_1, window_bounds = array<i64: 128, 128>}, {pipeline_mode = #tpu.pipeline_mode<synchronous>, transform_indices = @transform_2, window_bounds = array<i64: 128, 128>}, {pipeline_mode = #tpu.pipeline_mode<synchronous>, transform_indices = @transform_3, window_bounds = array<i64: 128, 128>}, {pipeline_mode = #tpu.pipeline_mode<synchronous>, transform_indices = @transform_4, window_bounds = array<i64: 1, 128>}, {pipeline_mode = #tpu.pipeline_mode<synchronous>, transform_indices = @transform_5, window_bounds = array<i64: 1, 128>}, {pipeline_mode = #tpu.pipeline_mode<synchronous>, transform_indices = @transform_6, window_bounds = array<i64: 1, 128>}, {transform_indices = @transform_7, window_bounds = array<i64: 1000, 128>}, {transform_indices = @transform_8, window_bounds = array<i64: 1000, 256>}]} {
    %get3A = arith.constant 0 : index
    %get3A_0 = arith.constant 0 : index
    %get3A_1 = vector.load %arg1[%get3A, %get3A_0] : memref<1000x128xf32, #tpu.memory_space<vmem>>, vector<1000x128xf32>
    %get3A_2 = arith.constant 0 : index
    %get3A_3 = arith.constant 0 : index
    %get3A_4 = vector.load %arg2[%get3A_2, %get3A_3] : memref<128x128xf32, #tpu.memory_space<vmem>>, vector<128x128xf32>
    %dot_general3A = arith.constant dense<0.000000e+00> : vector<1000x128xf32>
    %dot_general3A_5 = tpu.matmul %get3A_1, %get3A_4, %dot_general3A {dimension_numbers = #tpu.dot_dimension_numbers<[1], [0], [0], [1], [0, 0, 1, 1], [], []>, transpose_lhs_hint = false} : vector<1000x128xf32>, vector<128x128xf32>, vector<1000x128xf32> -> vector<1000x128xf32>
    %get3A_6 = arith.constant 0 : index
    %get3A_7 = arith.constant 0 : index
    %get3A_8 = vector.load %arg5[%get3A_6, %get3A_7] : memref<1x128xf32, #tpu.memory_space<vmem>>, vector<1x128xf32>
    %add3A = vector.broadcast %get3A_8 : vector<1x128xf32> to vector<1000x128xf32>
    %add3A_9 = arith.addf %dot_general3A_5, %add3A : vector<1000x128xf32>
    %swap3A = arith.constant 0 : index
    %swap3A_10 = arith.constant 0 : index
    %swap3A_11 = vector.load %arg8[%swap3A, %swap3A_10] : memref<1000x128xf32, #tpu.memory_space<vmem>>, vector<1000x128xf32>
    tpu.vector_store %arg8[%swap3A, %swap3A_10], %add3A_9 {strides = array<i32>} : memref<1000x128xf32, #tpu.memory_space<vmem>>, vector<1000x128xf32>,
    %get3A_12 = arith.constant 0 : index
    %get3A_13 = arith.constant 0 : index
    %get3A_14 = vector.load %arg3[%get3A_12, %get3A_13] : memref<128x128xf32, #tpu.memory_space<vmem>>, vector<128x128xf32>
    %dot_general3A_15 = arith.constant dense<0.000000e+00> : vector<1000x128xf32>
    %dot_general3A_16 = tpu.matmul %get3A_1, %get3A_14, %dot_general3A_15 {dimension_numbers = #tpu.dot_dimension_numbers<[1], [0], [0], [1], [0, 0, 1, 1], [], []>, transpose_lhs_hint = false} : vector<1000x128xf32>, vector<128x128xf32>, vector<1000x128xf32> -> vector<1000x128xf32>
    %get3A_17 = arith.constant 0 : index
    %get3A_18 = arith.constant 0 : index
    %get3A_19 = vector.load %arg6[%get3A_17, %get3A_18] : memref<1x128xf32, #tpu.memory_space<vmem>>, vector<1x128xf32>
    %add3A_20 = vector.broadcast %get3A_19 : vector<1x128xf32> to vector<1000x128xf32>
    %add3A_21 = arith.addf %dot_general3A_16, %add3A_20 : vector<1000x128xf32>
    %swap3A_22 = arith.constant 0 : index
    %swap3A_23 = arith.constant 0 : index
    %swap3A_24 = vector.load %arg9[%swap3A_22, %swap3A_23] : memref<1000x256xf32, #tpu.memory_space<vmem>>, vector<1000x128xf32>
    tpu.vector_store %arg9[%swap3A_22, %swap3A_23], %add3A_21 {strides = array<i32>} : memref<1000x256xf32, #tpu.memory_space<vmem>>, vector<1000x128xf32>,
    %get3A_25 = arith.constant 0 : index
    %get3A_26 = arith.constant 0 : index
    %get3A_27 = vector.load %arg4[%get3A_25, %get3A_26] : memref<128x128xf32, #tpu.memory_space<vmem>>, vector<128x128xf32>
    %dot_general3A_28 = arith.constant dense<0.000000e+00> : vector<1000x128xf32>
    %dot_general3A_29 = tpu.matmul %get3A_1, %get3A_27, %dot_general3A_28 {dimension_numbers = #tpu.dot_dimension_numbers<[1], [0], [0], [1], [0, 0, 1, 1], [], []>, transpose_lhs_hint = false} : vector<1000x128xf32>, vector<128x128xf32>, vector<1000x128xf32> -> vector<1000x128xf32>
    %get3A_30 = arith.constant 0 : index
    %get3A_31 = arith.constant 0 : index
    %get3A_32 = vector.load %arg7[%get3A_30, %get3A_31] : memref<1x128xf32, #tpu.memory_space<vmem>>, vector<1x128xf32>
    %add3A_33 = vector.broadcast %get3A_32 : vector<1x128xf32> to vector<1000x128xf32>
    %add3A_34 = arith.addf %dot_general3A_29, %add3A_33 : vector<1000x128xf32>
    %swap3A_35 = arith.constant 0 : index
    %swap3A_36 = arith.constant 128 : index
    %swap3A_37 = vector.load %arg9[%swap3A_35, %swap3A_36] : memref<1000x256xf32, #tpu.memory_space<vmem>>, vector<1000x128xf32>
    tpu.vector_store %arg9[%swap3A_35, %swap3A_36], %add3A_34 {strides = array<i32>} : memref<1000x256xf32, #tpu.memory_space<vmem>>, vector<1000x128xf32>,
    return
  }
  func.func @transform_0(%arg0: i32) -> (i32, i32) {
    %c0_i32 = arith.constant 0 : i32
    %c0_i32_0 = arith.constant 0 : i32
    return %arg0, %c0_i32 : i32, i32
  }
  func.func @transform_1(%arg0: i32) -> (i32, i32) {
    %c0_i32 = arith.constant 0 : i32
    %c0_i32_0 = arith.constant 0 : i32
    %c0_i32_1 = arith.constant 0 : i32
    return %c0_i32, %c0_i32_0 : i32, i32
  }
  func.func @transform_2(%arg0: i32) -> (i32, i32) {
    %c0_i32 = arith.constant 0 : i32
    %c0_i32_0 = arith.constant 0 : i32
    %c0_i32_1 = arith.constant 0 : i32
    return %c0_i32, %c0_i32_0 : i32, i32
  }
  func.func @transform_3(%arg0: i32) -> (i32, i32) {
    %c0_i32 = arith.constant 0 : i32
    %c0_i32_0 = arith.constant 0 : i32
    %c0_i32_1 = arith.constant 0 : i32
    return %c0_i32, %c0_i32_0 : i32, i32
  }
  func.func @transform_4(%arg0: i32) -> (i32, i32) {
    %c0_i32 = arith.constant 0 : i32
    %c0_i32_0 = arith.constant 0 : i32
    %c0_i32_1 = arith.constant 0 : i32
    return %c0_i32, %c0_i32_0 : i32, i32
  }
  func.func @transform_5(%arg0: i32) -> (i32, i32) {
    %c0_i32 = arith.constant 0 : i32
    %c0_i32_0 = arith.constant 0 : i32
    %c0_i32_1 = arith.constant 0 : i32
    return %c0_i32, %c0_i32_0 : i32, i32
  }
  func.func @transform_6(%arg0: i32) -> (i32, i32) {
    %c0_i32 = arith.constant 0 : i32
    %c0_i32_0 = arith.constant 0 : i32
    %c0_i32_1 = arith.constant 0 : i32
    return %c0_i32, %c0_i32_0 : i32, i32
  }
  func.func @transform_7(%arg0: i32) -> (i32, i32) {
    %c0_i32 = arith.constant 0 : i32
    %c0_i32_0 = arith.constant 0 : i32
    return %arg0, %c0_i32 : i32, i32
  }
  func.func @transform_8(%arg0: i32) -> (i32, i32) {
    %c0_i32 = arith.constant 0 : i32
    %c0_i32_0 = arith.constant 0 : i32
    return %arg0, %c0_i32 : i32, i32
  }
}

module attributes {stable_mosaic.version = 14 : i64} {
  func.func @_sum_body(%arg0: i32, %arg1: memref<2x1000x128xf32, #tpu.memory_space<vmem>>, %arg2: memref<1000x128xf32, #tpu.memory_space<vmem>>) attributes {dimension_semantics = [#tpu.dimension_semantics<arbitrary>], iteration_bounds = array<i64: 10>, scalar_prefetch = 0 : i64, scratch_operands = 0 : i64, tpu.core_type = #tpu.core_type<tc>, window_params = [{transform_indices = @transform_0, window_bounds = array<i64: 2, 1000, 128>}, {transform_indices = @transform_1, window_bounds = array<i64: 1000, 128>}]} {
    %get3A = arith.constant 0 : index
    %get3A_0 = arith.constant 0 : index
    %get3A_1 = arith.constant 0 : index
    %get3A_2 = vector.load %arg1[%get3A, %get3A_0, %get3A_1] : memref<2x1000x128xf32, #tpu.memory_space<vmem>>, vector<1x1000x128xf32>
    %get3A_3 = vector.shape_cast %get3A_2 : vector<1x1000x128xf32> to vector<1000x128xf32>
    %get3A_4 = arith.constant 1 : index
    %get3A_5 = arith.constant 0 : index
    %get3A_6 = arith.constant 0 : index
    %get3A_7 = vector.load %arg1[%get3A_4, %get3A_5, %get3A_6] : memref<2x1000x128xf32, #tpu.memory_space<vmem>>, vector<1x1000x128xf32>
    %get3A_8 = vector.shape_cast %get3A_7 : vector<1x1000x128xf32> to vector<1000x128xf32>
    %add3A = arith.addf %get3A_3, %get3A_8 : vector<1000x128xf32>
    %swap3A = arith.constant 0 : index
    %swap3A_9 = arith.constant 0 : index
    %swap3A_10 = vector.load %arg2[%swap3A, %swap3A_9] : memref<1000x128xf32, #tpu.memory_space<vmem>>, vector<1000x128xf32>
    tpu.vector_store %arg2[%swap3A, %swap3A_9], %add3A {strides = array<i32>} : memref<1000x128xf32, #tpu.memory_space<vmem>>, vector<1000x128xf32>,
    return
  }
  func.func @transform_0(%arg0: i32) -> (i32, i32, i32) {
    %c0_i32 = arith.constant 0 : i32
    %c0_i32_0 = arith.constant 0 : i32
    %c0_i32_1 = arith.constant 0 : i32
    return %c0_i32, %arg0, %c0_i32_0 : i32, i32, i32
  }
  func.func @transform_1(%arg0: i32) -> (i32, i32) {
    %c0_i32 = arith.constant 0 : i32
    %c0_i32_0 = arith.constant 0 : i32
    return %arg0, %c0_i32 : i32, i32
  }
}

</mosaic_0001>

<sc_bundles>
// kernel: kernel.5.cloned.1.call-start
scs
__scs_entry_jumppad:
0x0: {  	(pc) =	sbr.rel $0x88, $3  }
0x1: {  	(tag) =	ssettag $0x0;
	lr =	simm.s32 $0x1  }
0x2: {  	[smem:$0x3F99] =	sst lr;
	_ =	strace $0xD0000000  }
0x3: {  	_ = 	snop  }
0x4: {  	_ = 	snop  }
0x5: {  	_ = 	snop  }
0x6: {  	_ = 	snop  }
0x7: {  	_ = 	snop  }
__scs_overlays_trampoline_lowered:
0x8: {  	[smem:$0x3FA8] =	sst s0  }
0x9: {  	[smem:$0x3FA9] =	sst s1  }
0xa: {  	[smem:$0x3FAA] =	sst s2  }
0xb: {  	[smem:$0x3FAB] =	sst s3  }
0xc: {  	[smem:$0x3FAC] =	sst s4  }
0xd: {  	[smem:$0x3FAD] =	sst s5  }
0xe: {  	[smem:$0x3FAE] =	sst s6  }
0xf: {  	[smem:$0x3FAF] =	sst s7  }
0x10: {  	[smem:$0x3FB0] =	sst s8  }
0x11: {  	[smem:$0x3FB1] =	sst s9;
	s0 =	simm.s32 @!p0 $0x0  }
0x12: {  	s1 =	sld [smem:$0x3F97];
	s0 =	simm.s32 @p0 $0x1  }
0x13: {  	[smem:$0x3FB2] =	sst s0;
	s0 =	simm.s32 @!p1 $0x0  }
0x14: {  	s2 =	sld [smem:$0x3F96];
	s0 =	simm.s32 @p1 $0x1  }
0x15: {  	[smem:$0x3FB3] =	sst s0;
	s0 =	simm.s32 @!p2 $0x0  }
0x16: {  	s3 =	sld [smem:$0x3FDB];
	s0 =	simm.s32 @p2 $0x1  }
0x17: {  	s4 =	simm.s32 $0x1BF5;
	[smem:$0x3FB5] =	sst s0  }
0x18: {  	s0 =	sld [smem:$0x3F98];
	_ =	swait.ge [sflag:s4], $0x0  }
0x19: {  	s7 =	sld [smem:$0x3F99]  }
0x1a: {  	s8 =	sadd.s32 $0xFFFFE003, lr  }
0x1b: {  	s9 =	sadd.s32 $0xFFFFFEF7, lr;
	s5 =	simm.s32 $0xFFFFFFFF;
	p2 =	slt.u32 s8, $0xFFFFF086  }
0x1c: {  	p1 =	slt.u32 s9, $0xF7A;
	s5 =	simm.s32 @!p2 $0x0  }
0x1d: {  	s5 =	simm.s32 @p1 $0x1;
	p0 =	seq.s32 s7, s2  }
0x1e: {  	s7 =	smul.u32 @!p0 $0xF7A, s2;
	p2 =	seq.s32 @!p0 s5, $0x0  }
0x1f: {  	s9 =	smul.u32 $0xF7A, s1;
	s8 =	simm.s32 @!p0 $0x1BF5;
	p2 =	por !p2, p0  }
0x20: {  	[sflag:s8] =	ssyncset.s32 @!p0 $0xFFFFF086;
	s6 =	sadd.s32 @!p0 s3, s7;
	s7 =	simm.s32 @!p0 $0x108  }
0x21: {  	s3 =	sadd.s32 s3, s9;
	s6 =	sadd.s32 @!p0 $0x88, s6;
	s7 =	simm.s32 @p2 $0x1082  }
0x22: {  	[simem:s7], [sflag:s8] =	dma.local @!p0 [hbm:s6], $0xF7A  }
0x23: {  	s9 =	sor.u32 $0xD0000000, s2;
	s6 =	simm.s32 $0x108;
	_ =	swait.ge @!p0 [sflag:s8], $0x0  }
0x24: {  	s3 =	sadd.s32 $0x88, s3;
	s6 =	simm.s32 @!p1 $0x1082;
	[sflag:s4] =	ssyncset.s32 $0xFFFFF086  }
0x25: {  	[simem:s6], [sflag:s4] =	dma.local [hbm:s3], $0xF7A  }
0x26: {  	[smem:$0x3F99] =	sst s1;
	(tag) =	ssettag s2;
	_ =	strace s9  }
0x27: {  	s1 =	sld [smem:$0x3FA9]  }
0x28: {  	s2 =	sld [smem:$0x3FAA]  }
0x29: {  	s4 =	sld [smem:$0x3FAC]  }
0x2a: {  	p0 =	seq.s32 s5, $0x0;
	s5 =	sld [smem:$0x3FAD]  }
0x2b: {  	s6 =	sld [smem:$0x3FAE]  }
0x2c: {  	s7 =	sld [smem:$0x3FAF]  }
0x2d: {  	s3 =	simm.s32 $0x108;
	s8 =	sld [smem:$0x3FB0]  }
0x2e: {  	s3 =	simm.s32 @!p0 $0x1082;
	s9 =	sld [smem:$0x3FB1]  }
0x2f: {  	lr =	sadd.s32 s0, s3;
	s0 =	sld [smem:$0x3FA8]  }
0x30: {  	s3 =	sld [smem:$0x3FAB]  }
0x31: {  	[smem:$0x3FB4] =	sst s10  }
0x32: {  	s10 =	sld [smem:$0x3FB2];
	_ =	sdelay $0x3  }
0x33: {  	p0 =	seq.s32 s10, $0x1;
	s10 =	sld [smem:$0x3FB4];
	_ =	sdelay $0x3  }
0x34: {  	[smem:$0x3FB4] =	sst s10  }
0x35: {  	s10 =	sld [smem:$0x3FB3];
	_ =	sdelay $0x3  }
0x36: {  	p1 =	seq.s32 s10, $0x1;
	s10 =	sld [smem:$0x3FB4];
	_ =	sdelay $0x3  }
0x37: {  	[smem:$0x3FB4] =	sst s10  }
0x38: {  	s10 =	sld [smem:$0x3FB5]  }
0x39: {  	_ = 	snop;
	(pc) =	sbr.ind lr, $3  }
0x3a: {  	_ = 	snop  }
0x3b: {  	_ = 	snop  }
0x3c: {  	p2 =	seq.s32 s10, $0x1;
	s10 =	sld [smem:$0x3FB4]  }
0x3d: {  	_ =	shalt  }
0x3e: {  	_ =	shalt  }
0x3f: {  	_ =	shalt  }
0x40: {  	_ =	shalt  }
0x41: {  	_ =	shalt  }
0x42: {  	_ =	shalt  }
0x43: {  	_ =	shalt  }
0x44: {  	_ =	shalt  }
0x45: {  	_ =	shalt  }
0x46: {  	_ =	shalt  }
0x47: {  	_ =	shalt  }
0x48: {  	_ =	shalt  }
0x49: {  	_ =	shalt  }
0x4a: {  	_ =	shalt  }
0x4b: {  	_ =	shalt  }
0x4c: {  	_ =	shalt  }
0x4d: {  	_ =	shalt  }
0x4e: {  	_ =	shalt  }
0x4f: {  	_ =	shalt  }
0x50: {  	_ =	shalt  }
0x51: {  	_ =	shalt  }
0x52: {  	_ =	shalt  }
0x53: {  	_ =	shalt  }
0x54: {  	_ =	shalt  }
0x55: {  	_ =	shalt  }
0x56: {  	_ =	shalt  }
0x57: {  	_ =	shalt  }
0x58: {  	_ =	shalt  }
0x59: {  	_ =	shalt  }
0x5a: {  	_ =	shalt  }
0x5b: {  	_ =	shalt  }
0x5c: {  	_ =	shalt  }
0x5d: {  	_ =	shalt  }
0x5e: {  	_ =	shalt  }
0x5f: {  	_ =	shalt  }
0x60: {  	_ =	shalt  }
0x61: {  	_ =	shalt  }
0x62: {  	_ =	shalt  }
0x63: {  	_ =	shalt  }
0x64: {  	_ =	shalt  }
0x65: {  	_ =	shalt  }
0x66: {  	_ =	shalt  }
0x67: {  	_ =	shalt  }
0x68: {  	_ =	shalt  }
0x69: {  	_ =	shalt  }
0x6a: {  	_ =	shalt  }
0x6b: {  	_ =	shalt  }
0x6c: {  	_ =	shalt  }
0x6d: {  	_ =	shalt  }
0x6e: {  	_ =	shalt  }
0x6f: {  	_ =	shalt  }
0x70: {  	_ =	shalt  }
0x71: {  	_ =	shalt  }
0x72: {  	_ =	shalt  }
0x73: {  	_ =	shalt  }
0x74: {  	_ =	shalt  }
0x75: {  	_ =	shalt  }
0x76: {  	_ =	shalt  }
0x77: {  	_ =	shalt  }
0x78: {  	_ =	shalt  }
0x79: {  	_ =	shalt  }
0x7a: {  	_ =	shalt  }
0x7b: {  	_ =	shalt  }
0x7c: {  	_ =	shalt  }
0x7d: {  	_ =	shalt  }
0x7e: {  	_ =	shalt  }
0x7f: {  	_ =	shalt  }
0x80: {  	_ =	shalt  }
0x81: {  	_ =	shalt  }
0x82: {  	_ =	shalt  }
0x83: {  	_ =	shalt  }
0x84: {  	_ =	shalt  }
0x85: {  	_ =	shalt  }
0x86: {  	_ =	shalt  }
0x87: {  	_ =	shalt  }
.Lfunc_end0:
.L_simem_size_0:
called_computation_lowered:
.L_overlay_start_0:
0x88: {  	s2 =	sld [smem:$0x3FD9]  }
0x89: {  	s3 =	sld [smem:$0x3FFE];
	_ =	sdelay $0x1  }
0x8a: {  	s1 =	srdreg.scid  }
0x8b: {  	s0 =	sand.u32 $0x1, s1  }
0x8c: {  	s17 =	sshll.u32 s0, $0xA;
	s2 =	sadd.s32 s3, s2  }
0x8d: {  	s2 =	sadd.s32 s2, s17  }
0x8e: {  	[smem:$0x3FC0] =	sst s2  }
0x8f: {  	_ = 	snop  }
0x90: {  	s2 =	sld [smem:$0x3FD0];
	(tm) =	ssettm $0x1  }
0x91: {  	s18 =	sld [smem:$0x3FFB];
	_ =	sdelay $0x3  }
0x92: {  	_ =	strace s18  }
0x93: {  	s3 =	sld [smem:$0x3FFC];
	_ =	sdelay $0x3  }
0x94: {  	_ =	strace s3  }
0x95: {  	s3 =	sld [smem:$0x3FFD];
	_ =	sdelay $0x3  }
0x96: {  	_ =	strace s3  }
0x97: {  	_ =	strace $0x8FFFFFFF  }
0x98: {  	s19 =	sld [smem:$0x3FDB];
	_ =	sdelay $0x1  }
0x99: {  	s4 =	simm.s32 $_scs_section_size  }
0x9a: {  	s5 =	simm.s32 $_size__tile_overlayer_lowered;
	s6 =	simm.s32 $_tile_overlayer_lowered  }
0x9b: {  	s22 =	simm.s32 $0x1BFF;
	s21 =	sshll.u32 s6, $0x1;
	s3 =	sadd.s32 s4, s19  }
0x9c: {  	s7 =	simm.s32 $0x0;
	s20 =	sshll.u32 s5, $0x1;
	s5 =	sadd.s32 s21, s3  }
0x9d: {  	[timem:s7], [sflag:s22] =	dma.local [hbm:s5], s20  }
0x9e: {  	_ =	swait.ge [sflag:s22], s20  }
0x9f: {  	s4 =	ssub.s32 $0x0, s20;
	[sflag:s22] =	ssyncset.done $0x0  }
0xa0: {  	[sflag:s22] =	ssyncadd.s32 s4;
	_ =	sdelay $0x1  }
0xa1: {  	s23 =	simm.s32 $0x1B8B  }
0xa2: {  	_ =	swait.ge [sflag:s23], $0x1  }
0xa3: {  	[sflag:s23] =	ssyncset.done $0x0  }
0xa4: {  	s25 =	simm.s32 $0x1B8E;
	s24 =	sld [smem:$0x3FFE];
	[sflag:s23] =	ssyncadd.s32 $0xFFFFFFFF  }
0xa5: {  	s26 =	simm.s32 $execute0_lowered;
	[smem:$0x3FD2] =	sst s25  }
0xa6: {  	s5 =	sshll.u32 s26, $0x1;
	_ =	strace $0x80000046;
	[dreg:$0x1] =	wrdreg $0xFFFFFFFF  }
0xa7: {  	s28 =	simm.s32 $_size_execute0_lowered;
	s3 =	sadd.s32 s3, s5;
	[dreg:$0x0] =	wrdreg $0x0  }
0xa8: {  	s5 =	sshll.u32 s28, $0x1;
	[dreg:$0x2] =	wrdreg s3  }
0xa9: {  	[dreg:$0x3] =	wrdreg s5  }
0xaa: {  	[dreg:$0x4] =	wrdreg $0xC0  }
0xab: {  	_ =	task [dreg:s7], $0x5FFFF  }
0xac: {  	[dreg:$0x1] =	wrdreg $0xFFFFFFFF  }
0xad: {  	[dreg:$0x0] =	wrdreg $0x60  }
0xae: {  	[dreg:$0x2] =	wrdreg s2  }
0xaf: {  	[dreg:$0x3] =	wrdreg s24  }
0xb0: {  	[dreg:$0x4] =	wrdreg $0x0  }
0xb1: {  	[dreg:$0x5] =	wrdreg $0x9  }
0xb2: {  	_ =	task.clear_ibuf [dreg:s7], $0x6FFFF;
	_ =	strace $0x90000046  }
0xb3: {  	s29 =	simm.s32 $0x9;
	_ =	strace $0x80000048  }
0xb4: {  	_ =	swait.ge [sflag:s29], $0x1  }
0xb5: {  	[sflag:s29] =	ssyncadd.s32 $0xFFFFFFFF  }
0xb6: {  	_ =	strace $0x90000048  }
0xb7: {  	_ =	sfence  }
0xb8: {  	s30 =	sld [smem:$0x0];
	_ =	sdelay $0x2  }
0xb9: {  	s31 =	sshll.u32 s1, $0xD;
	s1 =	sshrl.u32 s1, $0x2  }
0xba: {  	s3 =	sand.u32 $0x4000, s31;
	s1 =	sadd.s32 s1, s30  }
0xbb: {  	s0 =	sor.u32 s3, s0;
	s1 =	sshll.u32 s1, $0x11  }
0xbc: {  	s0 =	sor.u32 s1, s0  }
0xbd: {  	s0 =	sadd.s32 $0x8F2B, s0  }
0xbe: {  	[sflag:s0] =	ssyncadd.remote.s32 $0x1  }
0xbf: {  	_ =	sfence.sel $0xFFFF  }
0xc0: {  	[dreg:$0x0] =	wrdreg $0xFFFFFFFF;
	(pc) =	sbr.abs _section_cstart, $3  }
0xc1: {  	[dreg:$0x1] =	wrdreg $0xFFFFFFFF  }
0xc2: {  	_ =	task.clear_ibuf [dreg:s7], $0x2FFFF;
	_ =	strace $0x9FFFFFFF  }
0xc3: {  	(tm) =	ssettm $0x7FFFFFFF  }
tec
execute0_lowered:
.L_overlay_start_1:
0x0: {  	(tag) =	ssettag $0x1  }
0x1: {  	s0 =	rddreg [dreg:$0x1]  }
0x2: {  	s9 =	rddreg [dreg:$0x2];
	s10 =	stileid.u32  }
0x3: {  	s2 =	simm.s32 $0x0;
	s1 =	srdreg.scid;
	s3 =	smul.u32 $0x2710, s10  }
0x4: {  	[smem:$0x7FF] =	sst s2;
	s1 =	sand.u32 $0x1, s1;
	s11 =	smul.u32 $0x6400, s10  }
0x5: {  	s4 =	sadd.s32 $0x14800, s0;
	s6 =	sadd.s32 $0xAA00, s0;
	s14 =	smul.u32 $0x19000, s10  }
0x6: {  	s7 =	sadd.s32 $0xC00, s0;
	s0 =	sadd.s32 $0x62A00, s0;
	s25 =	smul.u32 $0x27100, s1  }
0x7: {  	s15 =	sor.u32 $0x10, s10;
	s26 =	ssub.s32 $0x2, s1;
	s1 =	smul.u32 $0x138800, s1  }
0x8: {  	_ =	strace $0x80000047;
	[smem:$0x7EB] =	sst s4;
	s17 =	smul.u32 $0x6400, s15  }
0x9: {  	s21 =	sor.u32 $0x20, s10;
	[smem:$0x7EE] =	sst s6;
	s20 =	smul.u32 $0x19000, s15  }
0xa: {  	s24 =	sor.u32 $0x30, s10;
	[smem:$0x7F0] =	sst s7;
	s22 =	smul.u32 $0x6400, s21  }
0xb: {  	s23 =	smul.u32 $0x19000, s21;
	p0 =	sgt.u32 s24, $0x31;
	s5 =	sshrl.u32 s26, $0x1  }
0xc: {  	s18 =	sshrl.u32 s14, $0x2;
	s2 =	sadd.s32 s3, s25;
	s28 =	ssub.s32 s26, s5  }
0xd: {  	s13 =	sadd.s32 s1, s11;
	s29 =	sshrl.u32 s2, $0x3;
	s12 =	sadd.s32 $0x50, s2  }
0xe: {  	s31 =	sadd.s32 $0x28, s2;
	s2 =	sadd.s32 $0x78, s2;
	[smem:$0x7F2] =	sst s12  }
0xf: {  	s19 =	sadd.s32 s1, s17;
	s3 =	smax.u32 s28, $0x1;
	[smem:$0x7F3] =	sst s2  }
0x10: {  	s25 =	smul.u32 $0x6400, s24;
	s30 =	sadd.s32 s6, s29;
	[smem:$0x7F4] =	sst s3  }
0x11: {  	s16 =	sshrl.u32 s13, $0x3;
	s4 =	sadd.s32 s7, s29;
	[smem:$0x7EC] =	sst s30  }
0x12: {  	s8 =	sshrl.u32 s31, $0x3;
	s2 =	sadd.s32 s0, s16;
	[smem:$0x7ED] =	sst s4  }
0x13: {  	s26 =	smul.u32 $0x5000, s10;
	s6 =	sadd.s32 s6, s8;
	[smem:$0x7F5] =	sst s2  }
0x14: {  	s3 =	sshrl.u32 s19, $0x3;
	s4 =	sadd.s32 s7, s8;
	[smem:$0x7EF] =	sst s6  }
0x15: {  	s29 =	sshrl.u32 s26, $0x2;
	s3 =	sadd.s32 s0, s3;
	[smem:$0x7F1] =	sst s4  }
0x16: {  	s2 =	sadd.s32 s18, s9;
	s8 =	smul.u32 $0x19000, s24;
	[smem:$0x7F6] =	sst s3  }
0x17: {  	s4 =	sshrl.u32 s20, $0x2;
	s6 =	sadd.s32 s1, s22;
	s3 =	sshrl.u32 s23, $0x2  }
0x18: {  	s1 =	sadd.s32 s1, s25;
	s2 =	sshrl.u32 s2, $0x3;
	s6 =	sshrl.u32 s6, $0x3  }
0x19: {  	v0 =	vimm.s32 $0xFEDCBA98;
	s1 =	sshrl.u32 s1, $0x3;
	[smem:$0x7FA] =	sst s2;
	s6 =	sadd.s32 s0, s6  }
0x1a: {  	v1 =	vimm.s32 $0x76543210;
	v2 =	vlaneseq.u32;
	v0 =	vunpack.c.l.s4.s8 v0;
	s4 =	sadd.s32 s4, s9;
	s0 =	sadd.s32 s0, s1;
	[smem:$0x7F7] =	sst s6  }
0x1b: {  	v1 =	vunpack.c.l.s4.s8 v1;
	v3 =	vand.u32 $0x7, v2;
	s3 =	sadd.s32 s3, s9;
	s1 =	sadd.s32 s29, s9;
	[smem:$0x7F8] =	sst s0  }
0x1c: {  	[tilespmem:$0x1FFD0] =	vst v3;
	v3 =	vshrl.u32 v2, $0x3;
	v0 =	vunpack.c.0.s8.s32 v0;
	s28 =	sshrl.u32 s8, $0x2;
	s30 =	sshrl.u32 s4, $0x3;
	[smem:$0x7F9] =	sst s1  }
0x1d: {  	v2 =	vor.u32 $0x8, v2;
	v1 =	vunpack.c.0.s8.s32 v1;
	v3 =	vmul.u32 $0x8, v3;
	s31 =	sshrl.u32 s3, $0x3;
	s0 =	sadd.s32 s28, s9;
	[smem:$0x7FB] =	sst s30  }
0x1e: {  	[tilespmem:$0x1FFF0] =	vst v2;
	s5 =	simm.s32 $0x28;
	v0 =	vand.u32 $0xF, v0;
	[smem:$0x7FC] =	sst s31;
	s0 =	sshrl.u32 @!p0 s0, $0x3  }
0x1f: {  	vm0 =	vmmov $0xffff;
	v6 =	vimm.f32 $0.0e+00;
	[tilespmem:$0x1FFE0] =	vst v3;
	v4 =	vcombine.low v0, v1;
	s2 =	simm.s32 $0x0;
	s1 =	simm.s32 $0x0;
	[smem:$0x7FD] =	sst s0  }
.LBB2_1:
0x20: {  	s0 =	sld [smem:$0x7EC];
	_ =	sdelay $0x1  }
0x21: {  	s13 =	simm.s32 $0x13880;
	s14 =	sld [smem:$0x7ED]  }
0x22: {  	[tilespmem:s13], [sflag:$0x1] =	stream.linear.gather [hbm4b:s0+s1], $0x28, $0x38;
	[tilespmem:$0x1DB80] =	vst v63  }
0x23: {  	s15 =	simm.s32 $0x13900;
	s16 =	sld [smem:$0x7EF]  }
0x24: {  	[tilespmem:s15], [sflag:$0x1] =	stream.linear.gather [hbm4b:s14+s1], $0x28, $0x38;
	[tilespmem:$0x1DB80] =	vst v63  }
0x25: {  	s3 =	simm.s32 $0x18A00;
	s17 =	sld [smem:$0x7F1]  }
0x26: {  	[tilespmem:s3], [sflag:$0x4] =	stream.linear.gather [hbm4b:s16+s1], $0x28, $0x38;
	[tilespmem:$0x1DB80] =	vst v63  }
0x27: {  	[smem:$0x7EA] =	sst s2;
	s18 =	simm.s32 $0x18A80;
	s19 =	simm.s32 $0x1  }
0x28: {  	[tilespmem:s18], [sflag:$0x4] =	stream.linear.gather [hbm4b:s17+s1], $0x28, $0x38;
	[tilespmem:$0x1DB80] =	vst v63  }
0x29: {  	_ =	swait.ge [sflag:s19], $0x28  }
0x2a: {  	[sflag:s19] =	ssyncset.done $0x0  }
0x2b: {  	[sflag:s19] =	ssyncadd.s32 $0xFFFFFFD8  }
0x2c: {  	_ =	swait.ge [sflag:s19], $0x28  }
0x2d: {  	[sflag:s19] =	ssyncset.done $0x0  }
0x2e: {  	[sflag:s19] =	ssyncadd.s32 $0xFFFFFFD8  }
0x2f: {  	v0 =	vld [tilespmem:$0x13880];
	_ =	sdelay $0x2  }
0x30: {  	v2 =	vld [tilespmem:$0x1FFD0]  }
0x31: {  	v3 =	vld [tilespmem:$0x1FFE0]  }
0x32: {  	v5 =	vld [tilespmem:$0x1FFF0];
	v1 =	vshll.u32 v0, $0x1  }
0x33: {  	v0 =	vand.u32 $0x7, v0;
	v1 =	vand.u32 $0xFFFFFFF0, v1  }
0x34: {  	v0 =	vor.u32 v0, v1  }
0x35: {  	v1 =	vperm.xlane v0, v2;
	_ =	sdelay $0x1  }
0x36: {  	v0 =	vperm.xlane v0, v5;
	v1 =	vadd.s32 v3, v1;
	_ =	sdelay $0x1  }
0x37: {  	s20 =	sld [smem:$0x7EB];
	v0 =	vadd.s32 v3, v0;
	_ =	sdelay $0x1  }
0x38: {  	s21 =	simm.s32 $0x13A00  }
0x39: {  	[tilespmem:s21], [sflag:$0x2] =	stream.indirect_vreg.gather [hbm4b:s20+s1], $0x80, v1, vm0, $0xb8;
	[tilespmem:$0x1DB80] =	vst v63  }
0x3a: {  	s22 =	simm.s32 $0x14200  }
0x3b: {  	[tilespmem:s22], [sflag:$0x2] =	stream.indirect_vreg.gather [hbm4b:s20+s1], $0x80, v0, vm0, $0xb8;
	[tilespmem:$0x1DB80] =	vst v63  }
0x3c: {  	v0 =	vld [tilespmem:$0x13890];
	_ =	sdelay $0x4  }
0x3d: {  	v62 =	vshll.u32 v0, $0x1  }
0x3e: {  	v0 =	vand.u32 $0x7, v0;
	v1 =	vand.u32 $0xFFFFFFF0, v62  }
0x3f: {  	v0 =	vor.u32 v0, v1  }
0x40: {  	v1 =	vperm.xlane v0, v2;
	_ =	sdelay $0x1  }
0x41: {  	v0 =	vperm.xlane v0, v5;
	v1 =	vadd.s32 v3, v1;
	_ =	sdelay $0x1  }
0x42: {  	v0 =	vadd.s32 v3, v0;
	_ =	sdelay $0x1  }
0x43: {  	s23 =	simm.s32 $0x14A00  }
0x44: {  	[tilespmem:s23], [sflag:$0x2] =	stream.indirect_vreg.gather [hbm4b:s20+s1], $0x80, v1, vm0, $0xb8;
	[tilespmem:$0x1DB80] =	vst v63  }
0x45: {  	s24 =	simm.s32 $0x15200  }
0x46: {  	[tilespmem:s24], [sflag:$0x2] =	stream.indirect_vreg.gather [hbm4b:s20+s1], $0x80, v0, vm0, $0xb8;
	[tilespmem:$0x1DB80] =	vst v63  }
0x47: {  	v0 =	vld.msk [tilespmem:$0x138A0], $0xff;
	_ =	sdelay $0x4  }
0x48: {  	v63 =	vshll.u32 v0, $0x1  }
0x49: {  	v0 =	vand.u32 $0x7, v0;
	v1 =	vand.u32 $0xFFFFFFF0, v63  }
0x4a: {  	v0 =	vor.u32 v0, v1  }
0x4b: {  	v0 =	vperm.xlane v0, v2;
	_ =	sdelay $0x1  }
0x4c: {  	v0 =	vadd.s32 v3, v0;
	_ =	sdelay $0x2  }
0x4d: {  	s25 =	simm.s32 $0x15A00  }
0x4e: {  	s28 =	simm.s32 $0x16200;
	s29 =	sand.u32 $0x7E00, s1;
	s30 =	simm.s32 $0x0  }
0x4f: {  	[tilespmem:s25], [sflag:$0x2] =	stream.indirect_vreg.gather [hbm4b:s20+s1], $0x80, v0, vm0, $0xb8;
	[tilespmem:$0x1DB80] =	vst v63  }
0x50: {  	s31 =	sshrl.u32 s29, $0x2;
	s0 =	simm.s32 $0x40;
	s1 =	sand.u32 $0x70, s30  }
0x51: {  	s26 =	rddreg [dreg:$0x0];
	s2 =	sor.u32 s1, s31;
	s1 =	simm.s32 $0x0  }
0x52: {  	[tilespmem:s28], [sflag:$0x2] =	stream.indirect.gather [hbm4b:s26+s5], $0x80, s15, s5, $0xb8;
	[tilespmem:$0x1DB80] =	vst v63  }
.LBB2_2:
0x53: {  	p1 =	seq.s32 s0, $0x4FC0  }
0x54: {  	[tilespmem:s2+$0x1C780] =	vst v6;
	s1 =	sadd.s32 $0x10, s1;
	s2 =	smov.u32 s0;
	s0 =	sadd.s32 $0x40, s0  }
.Ltmp0:
0x55: {  	(pc) =	sbr.rel @!p1 .LBB2_2-.Ltmp0, $4  }
0x56: {  	_ = 	snop  }
0x57: {  	s2 =	sand.u32 $0x7E00, s2  }
0x58: {  	s3 =	sand.u32 $0x70, s1;
	s2 =	sshrl.u32 s2, $0x2  }
0x59: {  	s2 =	sor.u32 s3, s2  }
0x5a: {  	s0 =	sadd.s32 $0x0, s10;
	s4 =	sld [smem:$0x7F9]  }
0x5b: {  	p1 =	sgt.u32 s0, $0xF9  }
0x5c: {  	[tilespmem:s2+$0x1C780] =	vst v6;
	s0 =	simm.s32 @!p1 $0x1C780;
	s3 =	simm.s32 @!p1 $0x7  }
0x5d: {  	[spmem:s4] =	stream.linear.scatter @!p1 [tilespmem:s0], [sflag:$0x7], $0x1400, $0x38;
	[tilespmem:$0x1DB80] =	vst v63  }
0x5e: {  	s1 =	simm.s32 $0x10;
	_ =	swait.ge @!p1 [sflag:s3], $0x1400  }
0x5f: {  	s2 =	simm.s32 $0x20;
	s0 =	sadd.s32 $0x14000, s4;
	[sflag:s3] =	ssyncset.done @!p1 $0x0  }
.LBB2_4:
0x60: {  	s4 =	sadd.s32 s1, s10;
	s1 =	smov.u32 s2;
	s2 =	sadd.s32 $0x10, s2  }
0x61: {  	[sflag:s3] =	ssyncadd.s32 @!p1 $0xFFFFEC00;
	p2 =	sne.s32 s2, $0x100  }
.Ltmp1:
0x62: {  	p1 =	sgt.u32 s4, $0xF9;
	(pc) =	sbr.rel @p2 .LBB2_4-.Ltmp1, $4  }
0x63: {  	s4 =	simm.s32 @!p1 $0x1C780;
	s3 =	simm.s32 @!p1 $0x7  }
0x64: {  	[spmem:s0] =	stream.linear.scatter @!p1 [tilespmem:s4], [sflag:$0x7], $0x1400, $0x38;
	[tilespmem:$0x1DB80] =	vst v63  }
0x65: {  	_ =	swait.ge @!p1 [sflag:s3], $0x1400  }
0x66: {  	s0 =	sadd.s32 $0x14000, s0;
	[sflag:s3] =	ssyncset.done @!p1 $0x0  }
0x67: {  	s1 =	sadd.s32 s1, s10  }
0x68: {  	p2 =	sgt.u32 s1, $0xF9  }
0x69: {  	[sflag:s3] =	ssyncadd.s32 @!p1 $0xFFFFEC00;
	s1 =	simm.s32 @!p2 $0x1C780;
	s2 =	simm.s32 @!p2 $0x7  }
0x6a: {  	[spmem:s0] =	stream.linear.scatter @!p2 [tilespmem:s1], [sflag:$0x7], $0x1400, $0x38;
	[tilespmem:$0x1DB80] =	vst v63  }
0x6b: {  	_ =	swait.ge @!p2 [sflag:s2], $0x1400  }
0x6c: {  	[sflag:s2] =	ssyncset.done @!p2 $0x0  }
0x6d: {  	[sflag:s2] =	ssyncadd.s32 @!p2 $0xFFFFEC00  }
0x6e: {  	s3 =	simm.s32 $0x0;
	[bflag:$0x0] =	sbarrier.arrive $0xFFFF  }
.LBB2_6:
0x6f: {  	s0 =	simm.s32 $0x4  }
0x70: {  	_ =	swait.ge [sflag:s0], $0x28  }
0x71: {  	[sflag:s0] =	ssyncset.done $0x0  }
0x72: {  	[sflag:s0] =	ssyncadd.s32 $0xFFFFFFD8  }
0x73: {  	_ =	swait.ge [sflag:s0], $0x28  }
0x74: {  	[sflag:s0] =	ssyncset.done $0x0  }
0x75: {  	[sflag:s0] =	ssyncadd.s32 $0xFFFFFFD8  }
0x76: {  	v0 =	vld [tilespmem:$0x18A00];
	_ =	sdelay $0x2  }
0x77: {  	v2 =	vld [tilespmem:$0x1FFD0]  }
0x78: {  	v3 =	vld [tilespmem:$0x1FFE0]  }
0x79: {  	v5 =	vld [tilespmem:$0x1FFF0];
	v1 =	vshll.u32 v0, $0x1  }
0x7a: {  	v0 =	vand.u32 $0x7, v0;
	v1 =	vand.u32 $0xFFFFFFF0, v1  }
0x7b: {  	v0 =	vor.u32 v0, v1  }
0x7c: {  	v1 =	vperm.xlane v0, v2;
	_ =	sdelay $0x1  }
0x7d: {  	v0 =	vperm.xlane v0, v5;
	v1 =	vadd.s32 v3, v1;
	_ =	sdelay $0x1  }
0x7e: {  	s1 =	sld [smem:$0x7EB];
	v0 =	vadd.s32 v3, v0;
	_ =	sdelay $0x1  }
0x7f: {  	s26 =	simm.s32 $0x0;
	s2 =	simm.s32 $0x18B80  }
0x80: {  	[tilespmem:s2], [sflag:$0x5] =	stream.indirect_vreg.gather [hbm4b:s1+s26], $0x80, v1, vm0, $0xb8;
	[tilespmem:$0x1DB80] =	vst v63  }
0x81: {  	s4 =	simm.s32 $0x19380  }
0x82: {  	[tilespmem:s4], [sflag:$0x5] =	stream.indirect_vreg.gather [hbm4b:s1+s26], $0x80, v0, vm0, $0xb8;
	[tilespmem:$0x1DB80] =	vst v63  }
0x83: {  	v0 =	vld [tilespmem:$0x18A10];
	_ =	sdelay $0x4  }
0x84: {  	v1 =	vshll.u32 v0, $0x1  }
0x85: {  	v0 =	vand.u32 $0x7, v0;
	v1 =	vand.u32 $0xFFFFFFF0, v1  }
0x86: {  	v0 =	vor.u32 v0, v1  }
0x87: {  	v1 =	vperm.xlane v0, v2;
	_ =	sdelay $0x1  }
0x88: {  	v0 =	vperm.xlane v0, v5;
	v1 =	vadd.s32 v3, v1;
	_ =	sdelay $0x1  }
0x89: {  	v0 =	vadd.s32 v3, v0;
	_ =	sdelay $0x1  }
0x8a: {  	s6 =	simm.s32 $0x19B80  }
0x8b: {  	[tilespmem:s6], [sflag:$0x5] =	stream.indirect_vreg.gather [hbm4b:s1+s26], $0x80, v1, vm0, $0xb8;
	[tilespmem:$0x1DB80] =	vst v63  }
0x8c: {  	s7 =	simm.s32 $0x1A380  }
0x8d: {  	[tilespmem:s7], [sflag:$0x5] =	stream.indirect_vreg.gather [hbm4b:s1+s26], $0x80, v0, vm0, $0xb8;
	[tilespmem:$0x1DB80] =	vst v63  }
0x8e: {  	v0 =	vld.msk [tilespmem:$0x18A20], $0xff;
	_ =	sdelay $0x4  }
0x8f: {  	v1 =	vshll.u32 v0, $0x1  }
0x90: {  	v0 =	vand.u32 $0x7, v0;
	v1 =	vand.u32 $0xFFFFFFF0, v1  }
0x91: {  	v0 =	vor.u32 v0, v1  }
0x92: {  	v0 =	vperm.xlane v0, v2;
	_ =	sdelay $0x1  }
0x93: {  	v0 =	vadd.s32 v3, v0;
	_ =	sdelay $0x3  }
0x94: {  	s8 =	simm.s32 $0x1AB80;
	s10 =	simm.s32 $0x18A80  }
0x95: {  	[tilespmem:s8], [sflag:$0x5] =	stream.indirect_vreg.gather [hbm4b:s1+s26], $0x80, v0, vm0, $0xb8;
	[tilespmem:$0x1DB80] =	vst v63  }
0x96: {  	s11 =	simm.s32 $0x1B380;
	s12 =	simm.s32 $0x2;
	s9 =	rddreg [dreg:$0x0]  }
0x97: {  	[tilespmem:s11], [sflag:$0x5] =	stream.indirect.gather [hbm4b:s9+s5], $0x80, s10, s5, $0xb8;
	[tilespmem:$0x1DB80] =	vst v63  }
0x98: {  	_ =	swait.ge [sflag:s12], $0x2800  }
0x99: {  	[sflag:s12] =	ssyncset.done $0x0  }
0x9a: {  	[sflag:s12] =	ssyncadd.s32 $0xFFFFD800  }
0x9b: {  	_ =	swait.ge [sflag:s12], $0x1400  }
0x9c: {  	p1 =	seq.s32 s3, $0x0;
	[sflag:s12] =	ssyncset.done $0x0  }
0x9d: {  	s0 =	simm.s32 @!p1 $0x3;
	[sflag:s12] =	ssyncadd.s32 $0xFFFFEC00  }
0x9e: {  	_ =	swait.ge @!p1 [sflag:s0], $0x1400  }
0x9f: {  	[sflag:s0] =	ssyncset.done @!p1 $0x0  }
0xa0: {  	[sflag:s0] =	ssyncadd.s32 @!p1 $0xFFFFEC00  }
0xa1: {  	v0 =	vld [tilespmem:$0x13900]  }
0xa2: {  	p1 =	seq.s32 s3, $0x7C;
	v1 =	vld [tilespmem:$0x13910];
	s1 =	sld [smem:$0x7F2]  }
0xa3: {  	v2 =	vld [tilespmem:$0x13918];
	s0 =	smul.u32 @!p1 $0x50, s3;
	_ =	sdelay $0x1  }
0xa4: {  	s0 =	sadd.s32 @!p1 s0, s1;
	s1 =	sld [smem:$0x7EE]  }
0xa5: {  	[tilespmem:$0x13980] =	vst v0  }
0xa6: {  	[smem:$0x7E2] =	sst s3;
	s0 =	sshrl.u32 @!p1 s0, $0x3;
	[tilespmem:$0x13990] =	vst v1  }
0xa7: {  	s2 =	simm.s32 @!p1 $0x0;
	s3 =	simm.s32 @!p1 $0x13880;
	[tilespmem:$0x13998] =	vst v2;
	s1 =	sadd.s32 @!p1 s1, s0  }
0xa8: {  	[tilespmem:s3], [sflag:$0x1] =	stream.linear.gather @!p1 [hbm4b:s1+s2], $0x28, $0x38;
	[tilespmem:$0x1DB80] =	vst v63  }
0xa9: {  	s1 =	sld [smem:$0x7F0];
	_ =	sdelay $0x1  }
0xaa: {  	s13 =	simm.s32 $0x180;
	s7 =	simm.s32 $0x0  }
0xab: {  	s14 =	sand.u32 $0x3800, s7;
	s0 =	sadd.s32 @!p1 s1, s0;
	s1 =	simm.s32 @!p1 $0x13900  }
0xac: {  	[tilespmem:s1], [sflag:$0x1] =	stream.linear.gather @!p1 [hbm4b:s0+s2], $0x28, $0x38;
	[tilespmem:$0x1DB80] =	vst v63  }
0xad: {  	s15 =	simm.s32 $0x16300;
	s2 =	sadd.s32 $0x13A00, s14;
	s1 =	sand.u32 $0x380, s13  }
0xae: {  	s1 =	sadd.s32 s1, s2;
	v0 =	vld [tilespmem:s15+$0x80]  }
0xaf: {  	v1 =	vld [tilespmem:s1+$0x0]  }
0xb0: {  	v2 =	vld [tilespmem:s15+$0x90]  }
0xb1: {  	v3 =	vld [tilespmem:s1+$0x10]  }
0xb2: {  	v5 =	vld [tilespmem:s15+$0xA0]  }
0xb3: {  	v6 =	vld [tilespmem:s1+$0x20]  }
0xb4: {  	v7 =	vld [tilespmem:s1+$0x30];
	v0 =	vmul.f32 v0, v1  }
0xb5: {  	v1 =	vld [tilespmem:s15+$0xB0]  }
0xb6: {  	v8 =	vld [tilespmem:s1+$0x40];
	v2 =	vmul.f32 v2, v3;
	v0 =	vadd.f32 $0.0e+00, v0  }
0xb7: {  	v3 =	vld [tilespmem:s15+$0xC0]  }
0xb8: {  	v0 =	vadd.f32 v2, v0;
	v2 =	vmul.f32 v5, v6;
	v5 =	vld [tilespmem:s15+$0xD0]  }
0xb9: {  	v6 =	vld [tilespmem:s1+$0x50]  }
0xba: {  	v1 =	vmul.f32 v1, v7;
	v7 =	vld [tilespmem:s1+$0x60];
	v0 =	vadd.f32 v2, v0  }
0xbb: {  	v2 =	vld [tilespmem:s15+$0xE0]  }
0xbc: {  	v0 =	vadd.f32 v1, v0;
	v1 =	vmul.f32 v3, v8;
	v3 =	vld [tilespmem:s15+$0xF0]  }
0xbd: {  	v8 =	vld [tilespmem:s1+$0x70]  }
0xbe: {  	v0 =	vadd.f32 v1, v0;
	v1 =	vmul.f32 v5, v6;
	_ =	sdelay $0x1  }
0xbf: {  	v0 =	vadd.f32 v1, v0;
	v1 =	vmul.f32 v2, v7;
	_ =	sdelay $0x1  }
0xc0: {  	v11 =	vld [tilespmem:s15+$0xFFFFFF90];
	v0 =	vadd.f32 v1, v0;
	v1 =	vmul.f32 v3, v8  }
0xc1: {  	v12 =	vld [tilespmem:s15+$0x10]  }
0xc2: {  	v17 =	vld [tilespmem:s15+$0xFFFFFF20];
	v0 =	vadd.f32 v1, v0  }
0xc3: {  	v18 =	vld [tilespmem:s15+$0xFFFFFFA0]  }
0xc4: {  	v19 =	vld [tilespmem:s15+$0x20];
	v1 =	vperm.xlane v0, v4  }
0xc5: {  	v24 =	vld [tilespmem:s15+$0xFFFFFF30]  }
0xc6: {  	v25 =	vld [tilespmem:s15+$0xFFFFFFB0];
	v0 =	vadd.f32 v0, v1  }
0xc7: {  	v26 =	vld [tilespmem:s15+$0x30]  }
0xc8: {  	v30 =	vld [tilespmem:s15+$0xFFFFFF40];
	v0 =	vmul.f32 $2.500000000e-01, v0  }
0xc9: {  	v31 =	vld [tilespmem:s15+$0xFFFFFFC0]  }
0xca: {  	v32 =	vld [tilespmem:s15+$0x40];
	v0 =	vmax.f32 v0, $-5.000000000e+00  }
0xcb: {  	v36 =	vld [tilespmem:s15+$0xFFFFFF50];
	v0 =	vmin.f32 v0, $5.000000000e+00  }
0xcc: {  	v37 =	vld [tilespmem:s15+$0xFFFFFFD0];
	v0 =	vmul.f32 $1.442695020e+00, v0  }
0xcd: {  	s16 =	simm.s32 $0x0;
	v38 =	vld [tilespmem:s15+$0x50]  }
0xce: {  	s21 =	sand.u32 $0x7, s7;
	v42 =	vld [tilespmem:s15+$0xFFFFFF60];
	s1 =	sand.u32 $0x200, s16;
	(erf) = vpow2.f32 v0  }
0xcf: {  	v43 =	vld [tilespmem:s15+$0xFFFFFFE0];
	s19 =	sadd.s32 s1, s2;
	s1 =	sshll.u32 s21, $0x7  }
0xd0: {  	v44 =	vld [tilespmem:s15+$0x60];
	s22 =	sadd.s32 $0x0, s1  }
0xd1: {  	s17 =	simm.s32 $0x80;
	v48 =	vld [tilespmem:s15+$0xFFFFFF70];
	s1 =	sadd.s32 $0x180, s22  }
0xd2: {  	s18 =	simm.s32 $0x100;
	s4 =	sand.u32 $0x280, s17;
	v49 =	vld [tilespmem:s15+$0xFFFFFFF0];
	s6 =	sor.u32 $0x400, s1  }
0xd3: {  	s20 =	sand.u32 $0x300, s18;
	s4 =	sadd.s32 s4, s2;
	v14 =	vld [tilespmem:s6+$0x13A00]  }
0xd4: {  	s5 =	sadd.s32 s20, s2;
	v9 =	vld [tilespmem:s4+$0x10]  }
0xd5: {  	v10 =	vld [tilespmem:s5+$0x10]  }
0xd6: {  	v15 =	vld [tilespmem:s4+$0x20]  }
0xd7: {  	v16 =	vld [tilespmem:s5+$0x20];
	v23 =	vpop (erf)  }
0xd8: {  	v21 =	vld [tilespmem:s4+$0x30];
	v14 =	vmul.f32 v23, v14  }
0xd9: {  	s17 =	simm.s32 $0x17700;
	v22 =	vld [tilespmem:s5+$0x30]  }
0xda: {  	v28 =	vld [tilespmem:s4+$0x40];
	s23 =	sor.u32 $0x410, s1;
	[tilespmem:s17+$0x80] =	vst v14  }
0xdb: {  	v14 =	vld [tilespmem:s23+$0x13A00]  }
0xdc: {  	v29 =	vld [tilespmem:s5+$0x40]  }
0xdd: {  	v34 =	vld [tilespmem:s4+$0x50]  }
0xde: {  	v35 =	vld [tilespmem:s5+$0x50]  }
0xdf: {  	v40 =	vld [tilespmem:s4+$0x60]  }
0xe0: {  	v41 =	vld [tilespmem:s5+$0x60];
	v14 =	vmul.f32 v23, v14  }
0xe1: {  	v46 =	vld [tilespmem:s4+$0x70]  }
0xe2: {  	v47 =	vld [tilespmem:s5+$0x70];
	s24 =	sor.u32 $0x420, s1;
	[tilespmem:s17+$0x90] =	vst v14  }
0xe3: {  	v14 =	vld [tilespmem:s24+$0x13A00]  }
0xe4: {  	v5 =	vld [tilespmem:s5+$0x0]  }
0xe5: {  	v6 =	vld [tilespmem:s15+$0xFFFFFF80]  }
0xe6: {  	v13 =	vld [tilespmem:s19+$0x20]  }
0xe7: {  	v20 =	vld [tilespmem:s19+$0x30]  }
0xe8: {  	v2 =	vld [tilespmem:s15+$0xFFFFFF00];
	v14 =	vmul.f32 v23, v14  }
0xe9: {  	v7 =	vld [tilespmem:s15+$0x0]  }
0xea: {  	s25 =	sor.u32 $0x430, s1;
	v3 =	vld [tilespmem:s4+$0x0];
	[tilespmem:s17+$0xA0] =	vst v14  }
0xeb: {  	v14 =	vld [tilespmem:s25+$0x13A00]  }
0xec: {  	v1 =	vld [tilespmem:s19+$0x0]  }
0xed: {  	v8 =	vld [tilespmem:s19+$0x10]  }
0xee: {  	v0 =	vld [tilespmem:s15+$0xFFFFFF10]  }
0xef: {  	v27 =	vld [tilespmem:s19+$0x40]  }
0xf0: {  	v33 =	vld [tilespmem:s19+$0x50];
	s4 =	simm.s32 $0x400;
	v14 =	vmul.f32 v23, v14  }
0xf1: {  	s0 =	simm.s32 $0x16500;
	v39 =	vld [tilespmem:s19+$0x60];
	s6 =	simm.s32 $0x380;
	s3 =	sand.u32 $0x3800, s4;
	v1 =	vmul.f32 v2, v1  }
0xf2: {  	s26 =	sor.u32 $0x440, s1;
	s4 =	sand.u32 $0x380, s6;
	s3 =	sadd.s32 $0x13A00, s3;
	v5 =	vmul.f32 v7, v5;
	v7 =	vld [tilespmem:s0+$0x80];
	[tilespmem:s17+$0xB0] =	vst v14  }
0xf3: {  	s4 =	sadd.s32 s4, s3;
	v3 =	vmul.f32 v6, v3;
	v1 =	vadd.f32 $0.0e+00, v1;
	v0 =	vmul.f32 v0, v8;
	v14 =	vld [tilespmem:s26+$0x13A00]  }
0xf4: {  	v5 =	vadd.f32 $0.0e+00, v5;
	v8 =	vmul.f32 v11, v9;
	v9 =	vld [tilespmem:s4+$0x0]  }
0xf5: {  	v45 =	vld [tilespmem:s19+$0x70];
	v3 =	vadd.f32 $0.0e+00, v3;
	v0 =	vadd.f32 v0, v1;
	v1 =	vmul.f32 v12, v10  }
0xf6: {  	v11 =	vld [tilespmem:s0+$0x90];
	v10 =	vmul.f32 v17, v13  }
0xf7: {  	v3 =	vadd.f32 v8, v3;
	v12 =	vld [tilespmem:s4+$0x10];
	v1 =	vadd.f32 v1, v5;
	v5 =	vmul.f32 v19, v16  }
0xf8: {  	v8 =	vmul.f32 v18, v15;
	v0 =	vadd.f32 v10, v0;
	v10 =	vld [tilespmem:s0+$0xA0];
	v14 =	vmul.f32 v14, v23  }
0xf9: {  	v1 =	vadd.f32 v5, v1;
	v5 =	vmul.f32 v7, v9;
	v7 =	vld [tilespmem:s0+$0xB0]  }
0xfa: {  	v13 =	vmul.f32 v25, v21;
	v3 =	vadd.f32 v8, v3;
	v8 =	vmul.f32 v24, v20;
	[tilespmem:s17+$0xC0] =	vst v14;
	v14 =	vld [tilespmem:s4+$0x20]  }
0xfb: {  	s5 =	sor.u32 $0x450, s1;
	v9 =	vld [tilespmem:s4+$0x30]  }
0xfc: {  	v0 =	vadd.f32 v8, v0;
	v8 =	vmul.f32 v26, v22;
	v3 =	vadd.f32 v13, v3;
	v6 =	vld [tilespmem:s5+$0x13A00]  }
0xfd: {  	v16 =	vld [tilespmem:s4+$0x40];
	v13 =	vmul.f32 v30, v27;
	v11 =	vmul.f32 v11, v12;
	v5 =	vadd.f32 $0.0e+00, v5  }
0xfe: {  	v15 =	vmul.f32 v32, v29;
	v12 =	vld [tilespmem:s0+$0xC0];
	v1 =	vadd.f32 v8, v1;
	v8 =	vmul.f32 v31, v28  }
0xff: {  	v0 =	vadd.f32 v13, v0;
	v13 =	vld [tilespmem:s4+$0x50];
	v5 =	vadd.f32 v11, v5;
	v10 =	vmul.f32 v10, v14  }
0x100: {  	v11 =	vld [tilespmem:s0+$0xD0];
	v3 =	vadd.f32 v8, v3;
	v1 =	vadd.f32 v15, v1;
	v8 =	vmul.f32 v36, v33  }
0x101: {  	v2 =	vld [tilespmem:s15+$0x70];
	v7 =	vmul.f32 v7, v9;
	v6 =	vmul.f32 v6, v23;
	v5 =	vadd.f32 v10, v5  }
0x102: {  	v9 =	vld [tilespmem:s0+$0xE0];
	v0 =	vadd.f32 v8, v0;
	v8 =	vmul.f32 v38, v35;
	[tilespmem:$0x1FF90] =	vst v23;
	v14 =	vmul.f32 v37, v34  }
0x103: {  	s8 =	sor.u32 $0x460, s1;
	v15 =	vmul.f32 v42, v39;
	v10 =	vld [tilespmem:s4+$0x60];
	[tilespmem:s17+$0xD0] =	vst v6;
	v5 =	vadd.f32 v7, v5;
	v7 =	vmul.f32 v12, v16  }
0x104: {  	v1 =	vadd.f32 v8, v1;
	v8 =	vmul.f32 v43, v40;
	v3 =	vadd.f32 v14, v3;
	v14 =	vld [tilespmem:s8+$0x13A00]  }
0x105: {  	v6 =	vld [tilespmem:s4+$0x70];
	v5 =	vadd.f32 v7, v5;
	v7 =	vmul.f32 v11, v13;
	v11 =	vmul.f32 v44, v41  }
0x106: {  	v0 =	vadd.f32 v15, v0;
	v12 =	vld [tilespmem:s0+$0xF0]  }
0x107: {  	v2 =	vmul.f32 v2, v47;
	v3 =	vadd.f32 v8, v3;
	v1 =	vadd.f32 v11, v1  }
0x108: {  	v8 =	vmul.f32 v48, v45;
	v13 =	vmul.f32 v49, v46;
	v5 =	vadd.f32 v7, v5  }
0x109: {  	v7 =	vmul.f32 v9, v10;
	v1 =	vadd.f32 v2, v1;
	v2 =	vmul.f32 v14, v23  }
0x10a: {  	p2 =	por $0x0, $0x0;
	s5 =	simm.s32 $0x1;
	v0 =	vadd.f32 v8, v0  }
0x10b: {  	s9 =	sand.u32 $0x3, s7;
	s1 =	sor.u32 $0x470, s1;
	s5 =	simm.s32 @!p2 $0x0;
	v3 =	vadd.f32 v13, v3;
	v6 =	vmul.f32 v12, v6;
	v5 =	vadd.f32 v7, v5;
	[tilespmem:s17+$0xE0] =	vst v2  }
0x10c: {  	s10 =	sshll.u32 s5, $0x9;
	s4 =	sshll.u32 s9, $0x8;
	s8 =	sadd.s32 $0x80, s22;
	v8 =	vperm.xlane v0, v4;
	v2 =	vld [tilespmem:s1+$0x13A00]  }
0x10d: {  	s10 =	sadd.s32 $0x0, s10;
	s4 =	sadd.s32 $0x0, s4;
	s11 =	sor.u32 $0x400, s8;
	v9 =	vperm.xlane v3, v4;
	v5 =	vadd.f32 v6, v5  }
0x10e: {  	s13 =	sor.u32 $0x400, s10;
	s9 =	sadd.s32 $0x100, s4;
	v15 =	vld [tilespmem:s11+$0x13A00];
	v6 =	vadd.f32 v0, v8;
	v8 =	vperm.xlane v1, v4  }
0x10f: {  	s14 =	simm.s32 $0x200;
	s12 =	sor.u32 $0x400, s9;
	v12 =	vld [tilespmem:s13+$0x13A00];
	v3 =	vadd.f32 v3, v9;
	v9 =	vperm.xlane v5, v4  }
0x110: {  	s2 =	sand.u32 $0x200, s14;
	s15 =	simm.s32 $0x280;
	v7 =	vld [tilespmem:s12+$0x13A00];
	v6 =	vmul.f32 $2.500000000e-01, v6;
	v8 =	vadd.f32 v1, v8  }
0x111: {  	s18 =	simm.s32 $0x300;
	s19 =	sadd.s32 s2, s3;
	s16 =	sand.u32 $0x280, s15;
	v0 =	vld [tilespmem:s0+$0xFFFFFF00];
	v10 =	vmul.f32 $2.500000000e-01, v3;
	v5 =	vadd.f32 v5, v9;
	[tilespmem:$0x1FFA0] =	vst v2  }
0x112: {  	s21 =	sand.u32 $0x300, s18;
	s20 =	sadd.s32 s16, s3;
	v6 =	vmax.f32 v6, $-5.000000000e+00;
	v9 =	vmul.f32 $2.500000000e-01, v8;
	v2 =	vld [tilespmem:s19+$0x0]  }
0x113: {  	s3 =	sadd.s32 s21, s3;
	v10 =	vmax.f32 v10, $-5.000000000e+00;
	v6 =	vmin.f32 v6, $5.000000000e+00;
	v5 =	vmul.f32 $2.500000000e-01, v5;
	v1 =	vld [tilespmem:s20+$0x0]  }
0x114: {  	v10 =	vmin.f32 v10, $5.000000000e+00;
	v6 =	vmul.f32 $1.442695020e+00, v6;
	v9 =	vmax.f32 v9, $-5.000000000e+00;
	v3 =	vld [tilespmem:s3+$0x0]  }
0x115: {  	v10 =	vmul.f32 $1.442695020e+00, v10;
	v8 =	vld [tilespmem:s0+$0xFFFFFF80];
	v9 =	vmin.f32 v9, $5.000000000e+00;
	v5 =	vmax.f32 v5, $-5.000000000e+00  }
0x116: {  	v18 =	vld [tilespmem:s0+$0x0];
	v13 =	vmul.f32 $1.442695020e+00, v9;
	(erf) = vpow2.f32 v6;
	v5 =	vmin.f32 v5, $5.000000000e+00  }
0x117: {  	v11 =	vld [tilespmem:s19+$0x10];
	(erf) = vpow2.f32 v10;
	v5 =	vmul.f32 $1.442695020e+00, v5  }
0x118: {  	s22 =	simm.s32 $0x4;
	v38 =	vld [tilespmem:s0+$0xFFFFFF10];
	(erf) = vpow2.f32 v13  }
0x119: {  	s1 =	sand.u32 $0x7, s22;
	v27 =	vld [tilespmem:s0+$0xFFFFFF90];
	(erf) = vpow2.f32 v5  }
0x11a: {  	s1 =	sshll.u32 s1, $0x7;
	v30 =	vld [tilespmem:s0+$0x10]  }
0x11b: {  	s23 =	sadd.s32 $0x400, s1;
	v32 =	vld [tilespmem:s19+$0x20]  }
0x11c: {  	s1 =	sadd.s32 $0x180, s23;
	v31 =	vld [tilespmem:s20+$0x20]  }
0x11d: {  	s25 =	sor.u32 $0x400, s1;
	v22 =	vld [tilespmem:s3+$0x20]  }
0x11e: {  	v6 =	vld [tilespmem:s25+$0x13A00]  }
0x11f: {  	v52 =	vld [tilespmem:s0+$0xFFFFFF20];
	v14 =	vpop (erf)  }
0x120: {  	v50 =	vld [tilespmem:s0+$0xFFFFFFA0];
	v13 =	vpop (erf)  }
0x121: {  	v44 =	vld [tilespmem:s0+$0x20];
	v5 =	vpop (erf)  }
0x122: {  	v39 =	vld [tilespmem:s19+$0x30];
	v16 =	vpop (erf)  }
0x123: {  	v43 =	vld [tilespmem:s20+$0x30];
	v6 =	vmul.f32 v16, v6  }
0x124: {  	s24 =	simm.s32 $0x17900;
	v40 =	vld [tilespmem:s3+$0x30]  }
0x125: {  	s26 =	sor.u32 $0x410, s1;
	v53 =	vld [tilespmem:s0+$0xFFFFFF30];
	[tilespmem:s24+$0x80] =	vst v6  }
0x126: {  	v6 =	vld [tilespmem:s26+$0x13A00]  }
0x127: {  	v54 =	vld [tilespmem:s0+$0xFFFFFFB0]  }
0x128: {  	v55 =	vld [tilespmem:s0+$0x30]  }
0x129: {  	v48 =	vld [tilespmem:s19+$0x40]  }
0x12a: {  	v36 =	vld [tilespmem:s20+$0x40]  }
0x12b: {  	v33 =	vld [tilespmem:s3+$0x40];
	v6 =	vmul.f32 v16, v6  }
0x12c: {  	v56 =	vld [tilespmem:s0+$0xFFFFFF40]  }
0x12d: {  	s7 =	sor.u32 $0x420, s1;
	v45 =	vld [tilespmem:s0+$0xFFFFFFC0];
	[tilespmem:s24+$0x90] =	vst v6  }
0x12e: {  	v6 =	vld [tilespmem:s7+$0x13A00]  }
0x12f: {  	v51 =	vld [tilespmem:s0+$0x40]  }
0x130: {  	v49 =	vld [tilespmem:s19+$0x50]  }
0x131: {  	v37 =	vld [tilespmem:s20+$0x50]  }
0x132: {  	v20 =	vld [tilespmem:s3+$0x50]  }
0x133: {  	v57 =	vld [tilespmem:s0+$0xFFFFFF50];
	v6 =	vmul.f32 v16, v6  }
0x134: {  	v46 =	vld [tilespmem:s0+$0xFFFFFFD0]  }
0x135: {  	s11 =	sor.u32 $0x430, s1;
	v34 =	vld [tilespmem:s0+$0x50];
	[tilespmem:s24+$0xA0] =	vst v6  }
0x136: {  	v17 =	vld [tilespmem:s11+$0x13A00]  }
0x137: {  	v35 =	vld [tilespmem:s19+$0x60]  }
0x138: {  	v19 =	vld [tilespmem:s20+$0x60]  }
0x139: {  	v41 =	vld [tilespmem:s0+$0xFFFFFF60]  }
0x13a: {  	v24 =	vld [tilespmem:s0+$0xFFFFFFE0]  }
0x13b: {  	v47 =	vld [tilespmem:s0+$0xFFFFFF70];
	v21 =	vmul.f32 v16, v17  }
0x13c: {  	v42 =	vld [tilespmem:s0+$0xFFFFFFF0];
	v25 =	vmul.f32 v14, v12  }
0x13d: {  	s12 =	sor.u32 $0x440, s1;
	v59 =	vld [tilespmem:s0+$0x70];
	[tilespmem:s24+$0xB0] =	vst v21  }
0x13e: {  	[tilespmem:s17+$0xFFFFFF00] =	vst v25;
	v25 =	vld [tilespmem:s12+$0x13A00]  }
0x13f: {  	v9 =	vld [tilespmem:s20+$0x10]  }
0x140: {  	v10 =	vld [tilespmem:s3+$0x10];
	v15 =	vmul.f32 v13, v15  }
0x141: {  	s13 =	sor.u32 $0x410, s10;
	v62 =	vmul.f32 v5, v7;
	v7 =	vld [tilespmem:s3+$0x70]  }
0x142: {  	s16 =	simm.s32 $0x2;
	[tilespmem:s17+$0xFFFFFF80] =	vst v15;
	v15 =	vld [tilespmem:s13+$0x13A00]  }
0x143: {  	v6 =	vld [tilespmem:s3+$0x60];
	s3 =	sand.u32 $0x3, s16;
	v25 =	vmul.f32 v25, v16  }
0x144: {  	s14 =	sor.u32 $0x410, s8;
	v12 =	vld [tilespmem:s0+$0x60];
	s3 =	sshll.u32 s3, $0x8  }
0x145: {  	s18 =	sor.u32 $0x450, s1;
	v26 =	vld [tilespmem:s14+$0x13A00];
	s3 =	sadd.s32 $0x400, s3;
	[tilespmem:s24+$0xC0] =	vst v25  }
0x146: {  	s15 =	sor.u32 $0x410, s9;
	[tilespmem:s17+$0x0] =	vst v62;
	v63 =	vld [tilespmem:s18+$0x13A00];
	s18 =	sadd.s32 $0x100, s3  }
0x147: {  	v28 =	vld [tilespmem:s15+$0x13A00];
	s15 =	sadd.s32 $0x80, s23;
	v15 =	vmul.f32 v14, v15;
	s22 =	sor.u32 $0x400, s18  }
0x148: {  	s21 =	sor.u32 $0x400, s15;
	v23 =	vld [tilespmem:s22+$0x13A00]  }
0x149: {  	s2 =	simm.s32 $0x1;
	p2 =	por !p2, !p2;
	[tilespmem:s17+$0xFFFFFF10] =	vst v15;
	v15 =	vld [tilespmem:s21+$0x13A00]  }
0x14a: {  	s2 =	simm.s32 @!p2 $0x0;
	v0 =	vmul.f32 v0, v2;
	v26 =	vmul.f32 v13, v26;
	v17 =	vld [tilespmem:s19+$0x70];
	s19 =	sor.u32 $0x420, s10  }
0x14b: {  	s2 =	sshll.u32 s2, $0x9;
	v1 =	vmul.f32 v8, v1;
	v58 =	vld [tilespmem:s19+$0x13A00]  }
0x14c: {  	v2 =	vmul.f32 v18, v3;
	v3 =	vmul.f32 v38, v11;
	v0 =	vadd.f32 $0.0e+00, v0;
	s13 =	sadd.s32 $0x400, s2;
	[tilespmem:s17+$0xFFFFFF90] =	vst v26;
	v21 =	vld [tilespmem:s20+$0x70];
	s20 =	sor.u32 $0x420, s8;
	s3 =	simm.s32 $0x800  }
0x14d: {  	s5 =	simm.s32 $0x580;
	v9 =	vmul.f32 v27, v9;
	v1 =	vadd.f32 $0.0e+00, v1;
	s2 =	sor.u32 $0x400, s13;
	v26 =	vld [tilespmem:s20+$0x13A00];
	s6 =	sand.u32 $0x3800, s3;
	[tilespmem:$0x1FF40] =	vst v23  }
0x14e: {  	v2 =	vadd.f32 $0.0e+00, v2;
	v0 =	vadd.f32 v3, v0;
	v3 =	vmul.f32 v30, v10;
	s0 =	simm.s32 $0x16700;
	s7 =	sadd.s32 $0x13A00, s6;
	v29 =	vld [tilespmem:s2+$0x13A00];
	s2 =	sand.u32 $0x380, s5  }
0x14f: {  	v10 =	vmul.f32 v52, v32;
	v8 =	vld [tilespmem:s0+$0x80];
	s2 =	sadd.s32 s2, s7  }
0x150: {  	v1 =	vadd.f32 v9, v1;
	v9 =	vmul.f32 v50, v31;
	v2 =	vadd.f32 v3, v2;
	v11 =	vld [tilespmem:s2+$0x0]  }
0x151: {  	v0 =	vadd.f32 v10, v0;
	v3 =	vmul.f32 v44, v22;
	v28 =	vmul.f32 v5, v28;
	v18 =	vld [tilespmem:s0+$0x90]  }
0x152: {  	v1 =	vadd.f32 v9, v1;
	v9 =	vmul.f32 v53, v39;
	v60 =	vmul.f32 v63, v16;
	v27 =	vld [tilespmem:s2+$0x10]  }
0x153: {  	v22 =	vmul.f32 v54, v43;
	v2 =	vadd.f32 v3, v2;
	v3 =	vmul.f32 v55, v40;
	s23 =	sor.u32 $0x420, s9;
	[tilespmem:s17+$0x10] =	vst v28;
	v10 =	vld [tilespmem:s0+$0xA0]  }
0x154: {  	s25 =	sor.u32 $0x460, s1;
	v0 =	vadd.f32 v9, v0;
	v9 =	vmul.f32 v56, v48;
	v28 =	vmul.f32 v14, v58;
	[tilespmem:s24+$0xD0] =	vst v60;
	v58 =	vld [tilespmem:s23+$0x13A00]  }
0x155: {  	v1 =	vadd.f32 v22, v1;
	v61 =	vld [tilespmem:s25+$0x13A00];
	v8 =	vmul.f32 v8, v11  }
0x156: {  	v2 =	vadd.f32 v3, v2;
	v0 =	vadd.f32 v9, v0;
	v9 =	vmul.f32 v51, v33;
	v50 =	vld [tilespmem:s2+$0x20]  }
0x157: {  	v22 =	vld [tilespmem:s2+$0x30];
	v3 =	vadd.f32 $0.0e+00, v8;
	v8 =	vmul.f32 v18, v27;
	v27 =	vmul.f32 v45, v36  }
0x158: {  	v20 =	vmul.f32 v34, v20;
	v2 =	vadd.f32 v9, v2;
	v52 =	vld [tilespmem:s2+$0x40]  }
0x159: {  	v9 =	vmul.f32 v46, v37;
	v11 =	vld [tilespmem:s0+$0xB0];
	v1 =	vadd.f32 v27, v1  }
0x15a: {  	v2 =	vadd.f32 v20, v2;
	v20 =	vld [tilespmem:s2+$0x70]  }
0x15b: {  	v18 =	vld [tilespmem:s0+$0xC0];
	v1 =	vadd.f32 v9, v1;
	v9 =	vmul.f32 v5, v58  }
0x15c: {  	v3 =	vadd.f32 v8, v3;
	v8 =	vmul.f32 v10, v50;
	v10 =	vld [tilespmem:s0+$0xD0]  }
0x15d: {  	v27 =	vld [tilespmem:s2+$0x50];
	[tilespmem:s17+$0x20] =	vst v9;
	v9 =	vmul.f32 v61, v16  }
0x15e: {  	v3 =	vadd.f32 v8, v3;
	v8 =	vmul.f32 v11, v22;
	v11 =	vld [tilespmem:s0+$0xE0]  }
0x15f: {  	s1 =	sor.u32 $0x470, s1;
	v53 =	vmul.f32 v57, v49;
	v6 =	vmul.f32 v12, v6;
	v22 =	vld [tilespmem:s2+$0x60];
	[tilespmem:s24+$0xE0] =	vst v9  }
0x160: {  	v60 =	vmul.f32 v13, v26;
	v3 =	vadd.f32 v8, v3;
	v8 =	vmul.f32 v18, v52;
	v12 =	vld [tilespmem:s1+$0x13A00]  }
0x161: {  	v19 =	vmul.f32 v24, v19;
	v54 =	vmul.f32 v41, v35;
	v0 =	vadd.f32 v53, v0;
	s26 =	sor.u32 $0x430, s10;
	[tilespmem:s17+$0xFFFFFF20] =	vst v28;
	v18 =	vld [tilespmem:s0+$0xF0]  }
0x162: {  	s4 =	sor.u32 $0x430, s8;
	[tilespmem:s17+$0xFFFFFFA0] =	vst v60;
	v26 =	vld [tilespmem:s26+$0x13A00];
	v3 =	vadd.f32 v8, v3;
	v8 =	vmul.f32 v10, v27  }
0x163: {  	v0 =	vadd.f32 v54, v0;
	s11 =	sor.u32 $0x430, s9;
	s12 =	simm.s32 $0x400;
	v28 =	vld [tilespmem:s4+$0x13A00];
	v1 =	vadd.f32 v19, v1;
	v10 =	vmul.f32 v47, v17  }
0x164: {  	s14 =	simm.s32 $0x480;
	s2 =	sand.u32 $0x200, s12;
	v30 =	vld [tilespmem:s11+$0x13A00];
	v9 =	vmul.f32 v42, v21;
	v3 =	vadd.f32 v8, v3;
	v8 =	vmul.f32 v11, v22  }
0x165: {  	s16 =	simm.s32 $0x500;
	v2 =	vadd.f32 v6, v2;
	v6 =	vmul.f32 v59, v7;
	s4 =	sand.u32 $0x280, s14;
	s19 =	sadd.s32 s2, s7;
	v27 =	vld [tilespmem:s0+$0xFFFFFF00];
	v0 =	vadd.f32 v10, v0;
	[tilespmem:$0x1FFB0] =	vst v12  }
0x166: {  	s21 =	sand.u32 $0x300, s16;
	s20 =	sadd.s32 s4, s7;
	v1 =	vadd.f32 v9, v1;
	v7 =	vmul.f32 v18, v20;
	v3 =	vadd.f32 v8, v3;
	v24 =	vld [tilespmem:s19+$0x0]  }
0x167: {  	v2 =	vadd.f32 v6, v2;
	s4 =	sadd.s32 s21, s7;
	v8 =	vperm.xlane v0, v4;
	v25 =	vld [tilespmem:s20+$0x0]  }
0x168: {  	v6 =	vperm.xlane v1, v4;
	v3 =	vadd.f32 v7, v3;
	v31 =	vld [tilespmem:s4+$0x0]  }
0x169: {  	v0 =	vadd.f32 v0, v8;
	v7 =	vperm.xlane v2, v4;
	v32 =	vld [tilespmem:s0+$0xFFFFFF80]  }
0x16a: {  	v1 =	vadd.f32 v1, v6;
	v34 =	vld [tilespmem:s0+$0x0];
	v6 =	vperm.xlane v3, v4  }
0x16b: {  	v33 =	vld [tilespmem:s19+$0x10];
	v0 =	vmul.f32 $2.500000000e-01, v0;
	v2 =	vadd.f32 v2, v7  }
0x16c: {  	v36 =	vld [tilespmem:s20+$0x10];
	v1 =	vmul.f32 $2.500000000e-01, v1;
	v3 =	vadd.f32 v3, v6  }
0x16d: {  	v35 =	vld [tilespmem:s4+$0x10];
	v0 =	vmax.f32 v0, $-5.000000000e+00;
	v2 =	vmul.f32 $2.500000000e-01, v2  }
0x16e: {  	v41 =	vld [tilespmem:s0+$0xFFFFFF10];
	v1 =	vmax.f32 v1, $-5.000000000e+00;
	v0 =	vmin.f32 v0, $5.000000000e+00;
	v3 =	vmul.f32 $2.500000000e-01, v3  }
0x16f: {  	v44 =	vld [tilespmem:s0+$0xFFFFFF90];
	v1 =	vmin.f32 v1, $5.000000000e+00;
	v0 =	vmul.f32 $1.442695020e+00, v0;
	v2 =	vmax.f32 v2, $-5.000000000e+00  }
0x170: {  	v50 =	vld [tilespmem:s0+$0x10];
	v1 =	vmul.f32 $1.442695020e+00, v1;
	v2 =	vmin.f32 v2, $5.000000000e+00;
	v3 =	vmax.f32 v3, $-5.000000000e+00  }
0x171: {  	v45 =	vld [tilespmem:s19+$0x20];
	v2 =	vmul.f32 $1.442695020e+00, v2;
	(erf) = vpow2.f32 v0;
	v0 =	vmin.f32 v3, $5.000000000e+00  }
0x172: {  	v46 =	vld [tilespmem:s20+$0x20];
	(erf) = vpow2.f32 v1;
	v0 =	vmul.f32 $1.442695020e+00, v0  }
0x173: {  	s22 =	simm.s32 $0x8;
	v47 =	vld [tilespmem:s4+$0x20];
	(erf) = vpow2.f32 v2  }
0x174: {  	s3 =	sand.u32 $0x7, s22;
	v21 =	vld [tilespmem:s0+$0xFFFFFF20];
	(erf) = vpow2.f32 v0  }
0x175: {  	s3 =	sshll.u32 s3, $0x7;
	v57 =	vld [tilespmem:s0+$0xFFFFFFA0]  }
0x176: {  	s23 =	sadd.s32 $0x800, s3;
	v58 =	vld [tilespmem:s0+$0x20]  }
0x177: {  	s3 =	sadd.s32 $0x180, s23;
	v62 =	vld [tilespmem:s19+$0x30]  }
0x178: {  	s26 =	sor.u32 $0x400, s3;
	v59 =	vld [tilespmem:s20+$0x30]  }
0x179: {  	v1 =	vld [tilespmem:s26+$0x13A00]  }
0x17a: {  	v53 =	vld [tilespmem:s4+$0x30];
	v8 =	vpop (erf)  }
0x17b: {  	v17 =	vld [tilespmem:s0+$0x30];
	v7 =	vpop (erf)  }
0x17c: {  	v56 =	vld [tilespmem:s19+$0x40];
	v6 =	vpop (erf)  }
0x17d: {  	v60 =	vld [tilespmem:s20+$0x40];
	v19 =	vpop (erf)  }
0x17e: {  	v61 =	vld [tilespmem:s4+$0x40];
	v1 =	vmul.f32 v19, v1  }
0x17f: {  	s25 =	simm.s32 $0x17B00;
	v18 =	vld [tilespmem:s0+$0xFFFFFF40]  }
0x180: {  	s7 =	sor.u32 $0x410, s3;
	v10 =	vld [tilespmem:s0+$0xFFFFFFC0];
	[tilespmem:s25+$0x80] =	vst v1  }
0x181: {  	v9 =	vld [tilespmem:s7+$0x13A00]  }
0x182: {  	v12 =	vld [tilespmem:s0+$0x40]  }
0x183: {  	v22 =	vld [tilespmem:s19+$0x50]  }
0x184: {  	v54 =	vld [tilespmem:s20+$0x50]  }
0x185: {  	v52 =	vld [tilespmem:s4+$0x50]  }
0x186: {  	v63 =	vld [tilespmem:s0+$0xFFFFFFD0];
	v11 =	vmul.f32 v19, v9  }
0x187: {  	v20 =	vld [tilespmem:s0+$0x50]  }
0x188: {  	s11 =	sor.u32 $0x420, s3;
	v23 =	vld [tilespmem:s19+$0x60];
	[tilespmem:s25+$0x90] =	vst v11  }
0x189: {  	v55 =	vld [tilespmem:s11+$0x13A00]  }
0x18a: {  	v51 =	vld [tilespmem:s20+$0x60]  }
0x18b: {  	v38 =	vld [tilespmem:s4+$0x60]  }
0x18c: {  	v39 =	vld [tilespmem:s0+$0x60]  }
0x18d: {  	v42 =	vld [tilespmem:s19+$0x70]  }
0x18e: {  	v40 =	vld [tilespmem:s20+$0x70];
	v37 =	vmul.f32 v19, v55  }
0x18f: {  	v48 =	vld [tilespmem:s0+$0xFFFFFF70]  }
0x190: {  	s12 =	sor.u32 $0x430, s3;
	v49 =	vld [tilespmem:s0+$0xFFFFFFF0];
	[tilespmem:s25+$0xA0] =	vst v37  }
0x191: {  	v43 =	vld [tilespmem:s12+$0x13A00]  }
0x192: {  	s1 =	sadd.s32 $0x80, s23;
	v3 =	vld [tilespmem:s0+$0xFFFFFFB0]  }
0x193: {  	s14 =	sor.u32 $0x400, s1;
	v2 =	vld [tilespmem:s0+$0xFFFFFF30]  }
0x194: {  	v1 =	vld [tilespmem:s14+$0x13A00]  }
0x195: {  	v9 =	vld [tilespmem:s0+$0xFFFFFF50]  }
0x196: {  	v11 =	vld [tilespmem:s0+$0xFFFFFF60];
	v0 =	vmul.f32 v19, v43  }
0x197: {  	v55 =	vld [tilespmem:s0+$0xFFFFFFE0]  }
0x198: {  	v29 =	vmul.f32 v8, v29;
	v37 =	vld [tilespmem:s4+$0x70];
	[tilespmem:s25+$0xB0] =	vst v0  }
0x199: {  	v43 =	vld [tilespmem:s0+$0x70];
	[tilespmem:$0x1FF60] =	vst v1  }
0x19a: {  	[tilespmem:s24+$0xFFFFFF00] =	vst v29  }
0x19b: {  	v1 =	vld [tilespmem:$0x1FF40];
	_ =	sdelay $0x3  }
0x19c: {  	s16 =	sor.u32 $0x440, s3;
	v0 =	vmul.f32 v7, v15  }
0x19d: {  	v29 =	vld [tilespmem:s16+$0x13A00];
	v15 =	vmul.f32 v6, v1  }
0x19e: {  	s21 =	simm.s32 $0x4;
	s20 =	sor.u32 $0x410, s15;
	[tilespmem:s24+$0xFFFFFF80] =	vst v0;
	v0 =	vmul.f32 v14, v26  }
0x19f: {  	s4 =	sand.u32 $0x3, s21;
	[tilespmem:s24+$0x0] =	vst v15;
	v15 =	vmul.f32 v13, v28;
	v28 =	vld [tilespmem:s20+$0x13A00]  }
0x1a0: {  	s4 =	sshll.u32 s4, $0x8;
	[tilespmem:s17+$0xFFFFFF30] =	vst v0;
	v0 =	vmul.f32 v5, v30  }
0x1a1: {  	s6 =	sadd.s32 $0x800, s4  }
0x1a2: {  	s2 =	sadd.s32 $0x100, s6;
	[tilespmem:s17+$0x30] =	vst v0;
	v0 =	vmul.f32 v29, v19  }
0x1a3: {  	s11 =	sor.u32 $0x400, s2  }
0x1a4: {  	s19 =	sor.u32 $0x410, s13;
	[tilespmem:s25+$0xC0] =	vst v0;
	v0 =	vmul.f32 v7, v28;
	v28 =	vld [tilespmem:s11+$0x13A00]  }
0x1a5: {  	s23 =	sor.u32 $0x440, s10;
	v26 =	vld [tilespmem:s19+$0x13A00]  }
0x1a6: {  	s7 =	sor.u32 $0x440, s9;
	[tilespmem:s17+$0xFFFFFFB0] =	vst v15;
	v15 =	vld [tilespmem:s23+$0x13A00]  }
0x1a7: {  	s22 =	sor.u32 $0x410, s18;
	v1 =	vld [tilespmem:s7+$0x13A00]  }
0x1a8: {  	s26 =	sor.u32 $0x440, s8;
	v30 =	vld [tilespmem:s22+$0x13A00]  }
0x1a9: {  	s12 =	sor.u32 $0x450, s3;
	v29 =	vld [tilespmem:s26+$0x13A00];
	[tilespmem:$0x1FF70] =	vst v28  }
0x1aa: {  	v28 =	vld [tilespmem:s12+$0x13A00]  }
0x1ab: {  	[tilespmem:s24+$0xFFFFFF90] =	vst v0;
	v0 =	vmul.f32 v15, v14  }
0x1ac: {  	p2 =	por !p2, !p2;
	s5 =	simm.s32 $0x1;
	v26 =	vmul.f32 v8, v26  }
0x1ad: {  	s5 =	simm.s32 @!p2 $0x0;
	[tilespmem:s17+$0xFFFFFF40] =	vst v0;
	v0 =	vmul.f32 v1, v5  }
0x1ae: {  	s22 =	sshll.u32 s5, $0x9;
	[tilespmem:s24+$0xFFFFFF10] =	vst v26;
	v26 =	vmul.f32 v6, v30  }
0x1af: {  	s14 =	sor.u32 $0x420, s13;
	s4 =	sadd.s32 $0x800, s22;
	[tilespmem:s17+$0x40] =	vst v0;
	v0 =	vmul.f32 v28, v19  }
0x1b0: {  	s26 =	sor.u32 $0x400, s4;
	v15 =	vld [tilespmem:s14+$0x13A00];
	[tilespmem:s24+$0x10] =	vst v26  }
0x1b1: {  	s19 =	sor.u32 $0x420, s18;
	v26 =	vmul.f32 v29, v13;
	[tilespmem:s25+$0xD0] =	vst v0;
	v0 =	vld [tilespmem:s26+$0x13A00]  }
0x1b2: {  	s16 =	sor.u32 $0x420, s15;
	v1 =	vld [tilespmem:s19+$0x13A00]  }
0x1b3: {  	s21 =	sor.u32 $0x450, s8;
	v29 =	vld [tilespmem:s16+$0x13A00];
	[tilespmem:s17+$0xFFFFFFC0] =	vst v26  }
0x1b4: {  	s20 =	sor.u32 $0x450, s10;
	v28 =	vld [tilespmem:s21+$0x13A00]  }
0x1b5: {  	s23 =	sor.u32 $0x450, s9;
	v26 =	vld [tilespmem:s20+$0x13A00];
	v15 =	vmul.f32 v8, v15  }
0x1b6: {  	v30 =	vld [tilespmem:s23+$0x13A00];
	[tilespmem:$0x1FF50] =	vst v0  }
0x1b7: {  	[tilespmem:s24+$0xFFFFFF20] =	vst v15;
	v15 =	vmul.f32 v6, v1;
	_ =	sdelay $0x1  }
0x1b8: {  	[tilespmem:s24+$0x20] =	vst v15;
	v15 =	vmul.f32 v28, v13;
	_ =	sdelay $0x1  }
0x1b9: {  	s16 =	sor.u32 $0x460, s8;
	[tilespmem:s17+$0xFFFFFFD0] =	vst v15  }
0x1ba: {  	s6 =	sor.u32 $0x460, s3;
	v29 =	vmul.f32 v7, v29;
	v15 =	vld [tilespmem:s16+$0x13A00]  }
0x1bb: {  	s7 =	sor.u32 $0x430, s13;
	v26 =	vmul.f32 v26, v14;
	v0 =	vld [tilespmem:s6+$0x13A00]  }
0x1bc: {  	s11 =	sor.u32 $0x430, s15;
	v30 =	vmul.f32 v30, v5;
	[tilespmem:s24+$0xFFFFFFA0] =	vst v29;
	v1 =	vld [tilespmem:s7+$0x13A00]  }
0x1bd: {  	s14 =	sor.u32 $0x460, s10;
	[tilespmem:s17+$0xFFFFFF50] =	vst v26;
	v29 =	vld [tilespmem:s11+$0x13A00]  }
0x1be: {  	s12 =	sor.u32 $0x430, s18;
	[tilespmem:s17+$0x50] =	vst v30;
	v26 =	vld [tilespmem:s14+$0x13A00]  }
0x1bf: {  	s19 =	sor.u32 $0x460, s9;
	v28 =	vld [tilespmem:s12+$0x13A00];
	[tilespmem:$0x1FF80] =	vst v15  }
0x1c0: {  	v15 =	vld [tilespmem:s19+$0x13A00];
	_ =	sdelay $0x3  }
0x1c1: {  	s26 =	simm.s32 $0xC00;
	v0 =	vmul.f32 v0, v19  }
0x1c2: {  	s0 =	simm.s32 $0x780;
	s20 =	sand.u32 $0x3800, s26;
	[tilespmem:$0x1FFC0] =	vst v15  }
0x1c3: {  	s30 =	simm.s32 $0x16900;
	s22 =	sand.u32 $0x380, s0;
	s21 =	sadd.s32 $0x13A00, s20;
	[tilespmem:s25+$0xE0] =	vst v0;
	v0 =	vmul.f32 v27, v24  }
0x1c4: {  	v36 =	vmul.f32 v44, v36;
	s23 =	sadd.s32 s22, s21;
	v24 =	vmul.f32 v32, v25;
	v30 =	vld [tilespmem:s30+$0x80]  }
0x1c5: {  	v25 =	vmul.f32 v34, v31;
	v31 =	vmul.f32 v41, v33;
	v33 =	vld [tilespmem:s23+$0x0];
	v0 =	vadd.f32 $0.0e+00, v0  }
0x1c6: {  	v21 =	vmul.f32 v21, v45;
	v46 =	vmul.f32 v57, v46;
	v44 =	vld [tilespmem:s30+$0x90];
	v24 =	vadd.f32 $0.0e+00, v24  }
0x1c7: {  	v41 =	vmul.f32 v50, v35;
	v45 =	vld [tilespmem:s23+$0x10];
	v25 =	vadd.f32 $0.0e+00, v25;
	v0 =	vadd.f32 v31, v0  }
0x1c8: {  	v18 =	vmul.f32 v18, v56;
	v2 =	vmul.f32 v2, v62;
	v50 =	vld [tilespmem:s30+$0xA0];
	v24 =	vadd.f32 v36, v24  }
0x1c9: {  	v57 =	vld [tilespmem:s23+$0x20];
	v25 =	vadd.f32 v41, v25;
	v0 =	vadd.f32 v21, v0;
	v21 =	vmul.f32 v58, v47  }
0x1ca: {  	v3 =	vmul.f32 v3, v59;
	v30 =	vmul.f32 v30, v33;
	v24 =	vadd.f32 v46, v24;
	v58 =	vld [tilespmem:s30+$0xB0]  }
0x1cb: {  	v21 =	vadd.f32 v21, v25;
	v0 =	vadd.f32 v2, v0;
	v2 =	vmul.f32 v17, v53;
	v17 =	vld [tilespmem:s23+$0x30]  }
0x1cc: {  	v59 =	vld [tilespmem:s30+$0xC0];
	v3 =	vadd.f32 v3, v24;
	v24 =	vadd.f32 $0.0e+00, v30;
	v25 =	vmul.f32 v44, v45  }
0x1cd: {  	v10 =	vmul.f32 v10, v60;
	v12 =	vmul.f32 v12, v61;
	v2 =	vadd.f32 v2, v21;
	v21 =	vld [tilespmem:s23+$0x40]  }
0x1ce: {  	v9 =	vmul.f32 v9, v22;
	v60 =	vld [tilespmem:s30+$0xD0];
	v24 =	vadd.f32 v25, v24;
	v25 =	vmul.f32 v50, v57  }
0x1cf: {  	v22 =	vmul.f32 v63, v54;
	v0 =	vadd.f32 v18, v0;
	v3 =	vadd.f32 v10, v3;
	v10 =	vld [tilespmem:s23+$0x50]  }
0x1d0: {  	v18 =	vld [tilespmem:s30+$0xE0];
	v2 =	vadd.f32 v12, v2;
	v12 =	vadd.f32 v25, v24;
	v17 =	vmul.f32 v58, v17  }
0x1d1: {  	v11 =	vmul.f32 v11, v23;
	v0 =	vadd.f32 v9, v0;
	v9 =	vmul.f32 v20, v52;
	v20 =	vld [tilespmem:s23+$0x60]  }
0x1d2: {  	v3 =	vadd.f32 v22, v3;
	v22 =	vld [tilespmem:s23+$0x70];
	v12 =	vadd.f32 v17, v12;
	v17 =	vmul.f32 v59, v21  }
0x1d3: {  	v2 =	vadd.f32 v9, v2;
	v9 =	vmul.f32 v55, v51;
	v21 =	vld [tilespmem:s30+$0xF0]  }
0x1d4: {  	v0 =	vadd.f32 v11, v0;
	v10 =	vmul.f32 v60, v10;
	v11 =	vadd.f32 v17, v12  }
0x1d5: {  	s7 =	simm.s32 $0x600;
	v3 =	vadd.f32 v9, v3;
	v9 =	vmul.f32 v48, v42;
	v12 =	vmul.f32 v39, v38  }
0x1d6: {  	s5 =	sand.u32 $0x200, s7;
	v17 =	vmul.f32 v49, v40;
	v10 =	vadd.f32 v10, v11;
	v11 =	vmul.f32 v18, v20  }
0x1d7: {  	s5 =	sadd.s32 s5, s21;
	v15 =	vld [tilespmem:s30+$0xFFFFFF00];
	v0 =	vadd.f32 v9, v0;
	v9 =	vmul.f32 v43, v37;
	v2 =	vadd.f32 v12, v2  }
0x1d8: {  	s11 =	simm.s32 $0x680;
	v23 =	vld [tilespmem:s5+$0x0];
	v3 =	vadd.f32 v17, v3;
	v10 =	vadd.f32 v11, v10;
	v11 =	vmul.f32 v21, v22  }
0x1d9: {  	s7 =	sand.u32 $0x280, s11;
	s11 =	simm.s32 $0x700;
	v61 =	vld [tilespmem:s30+$0xFFFFFF90];
	v12 =	vperm.xlane v0, v4;
	v2 =	vadd.f32 v9, v2  }
0x1da: {  	s12 =	sadd.s32 s7, s21;
	s14 =	sand.u32 $0x300, s11;
	v62 =	vld [tilespmem:s30+$0x10];
	v17 =	vperm.xlane v3, v4;
	v10 =	vadd.f32 v11, v10  }
0x1db: {  	s6 =	sadd.s32 s14, s21;
	v34 =	vld [tilespmem:s12+$0x20];
	v0 =	vadd.f32 v0, v12;
	v11 =	vperm.xlane v2, v4  }
0x1dc: {  	v35 =	vld [tilespmem:s6+$0x20];
	v3 =	vadd.f32 v3, v17;
	v12 =	vperm.xlane v10, v4  }
0x1dd: {  	v63 =	vld [tilespmem:s30+$0xFFFFFF20];
	v0 =	vmul.f32 $2.500000000e-01, v0;
	v2 =	vadd.f32 v2, v11  }
0x1de: {  	v54 =	vld [tilespmem:s30+$0x50];
	v3 =	vmul.f32 $2.500000000e-01, v3;
	v10 =	vadd.f32 v10, v12  }
0x1df: {  	s3 =	sor.u32 $0x470, s3;
	v56 =	vld [tilespmem:s12+$0x60];
	v15 =	vmul.f32 v15, v23;
	v0 =	vmax.f32 v0, $-5.000000000e+00;
	v2 =	vmul.f32 $2.500000000e-01, v2  }
0x1e0: {  	v27 =	vld [tilespmem:s3+$0x13A00];
	v0 =	vmin.f32 v0, $5.000000000e+00;
	v3 =	vmax.f32 v3, $-5.000000000e+00;
	v10 =	vmul.f32 $2.500000000e-01, v10  }
0x1e1: {  	v41 =	vld [tilespmem:s30+$0x30];
	v0 =	vmul.f32 $1.442695020e+00, v0;
	v3 =	vmin.f32 v3, $5.000000000e+00;
	v2 =	vmax.f32 v2, $-5.000000000e+00  }
0x1e2: {  	v33 =	vld [tilespmem:s5+$0x20];
	v3 =	vmul.f32 $1.442695020e+00, v3;
	v2 =	vmin.f32 v2, $5.000000000e+00;
	v10 =	vmax.f32 v10, $-5.000000000e+00  }
0x1e3: {  	v23 =	vld [tilespmem:s30+$0xFFFFFFE0];
	(erf) = vpow2.f32 v0;
	v2 =	vmul.f32 $1.442695020e+00, v2;
	v10 =	vmin.f32 v10, $5.000000000e+00  }
0x1e4: {  	v46 =	vld [tilespmem:s30+$0xFFFFFF40];
	(erf) = vpow2.f32 v3;
	v10 =	vmul.f32 $1.442695020e+00, v10  }
0x1e5: {  	s14 =	simm.s32 $0xC;
	v47 =	vld [tilespmem:s30+$0xFFFFFFC0];
	(erf) = vpow2.f32 v2  }
0x1e6: {  	s16 =	sand.u32 $0x7, s14;
	v30 =	vld [tilespmem:s30+$0xFFFFFF10];
	(erf) = vpow2.f32 v10  }
0x1e7: {  	s7 =	sshll.u32 s16, $0x7;
	v44 =	vld [tilespmem:s12+$0x40]  }
0x1e8: {  	s7 =	sadd.s32 $0xC00, s7;
	v45 =	vld [tilespmem:s6+$0x40]  }
0x1e9: {  	s22 =	sadd.s32 $0x180, s7;
	v53 =	vld [tilespmem:s30+$0xFFFFFFD0]  }
0x1ea: {  	s19 =	sor.u32 $0x400, s22;
	v50 =	vld [tilespmem:s12+$0x50]  }
0x1eb: {  	v59 =	vld [tilespmem:s19+$0x13A00]  }
0x1ec: {  	v57 =	vld [tilespmem:s6+$0x60];
	v10 =	vpop (erf)  }
0x1ed: {  	v24 =	vld [tilespmem:s12+$0x0];
	v11 =	vpop (erf)  }
0x1ee: {  	v25 =	vld [tilespmem:s6+$0x0];
	v12 =	vpop (erf)  }
0x1ef: {  	v52 =	vld [tilespmem:s30+$0xFFFFFF50];
	v17 =	vpop (erf)  }
0x1f0: {  	v51 =	vld [tilespmem:s6+$0x50];
	v42 =	vmul.f32 v17, v59  }
0x1f1: {  	s21 =	simm.s32 $0x17D00;
	v55 =	vld [tilespmem:s5+$0x60]  }
0x1f2: {  	s20 =	sor.u32 $0x410, s22;
	v60 =	vld [tilespmem:s30+$0xFFFFFF60];
	[tilespmem:s21+$0x80] =	vst v42  }
0x1f3: {  	v42 =	vld [tilespmem:s20+$0x13A00]  }
0x1f4: {  	v48 =	vld [tilespmem:s30+$0x40]  }
0x1f5: {  	v38 =	vld [tilespmem:s6+$0x30]  }
0x1f6: {  	v18 =	vld [tilespmem:s30+$0xFFFFFF80]  }
0x1f7: {  	v39 =	vld [tilespmem:s30+$0xFFFFFF30]  }
0x1f8: {  	v21 =	vld [tilespmem:s12+$0x10];
	v42 =	vmul.f32 v17, v42  }
0x1f9: {  	v40 =	vld [tilespmem:s30+$0xFFFFFFB0]  }
0x1fa: {  	s23 =	sor.u32 $0x420, s22;
	v0 =	vld [tilespmem:s30+$0xFFFFFFA0];
	[tilespmem:s21+$0x90] =	vst v42  }
0x1fb: {  	v18 =	vmul.f32 v18, v24;
	v42 =	vld [tilespmem:s23+$0x13A00]  }
0x1fc: {  	v37 =	vld [tilespmem:s12+$0x30]  }
0x1fd: {  	v49 =	vld [tilespmem:s5+$0x50];
	v21 =	vmul.f32 v61, v21;
	v18 =	vadd.f32 $0.0e+00, v18  }
0x1fe: {  	v20 =	vld [tilespmem:s30+$0x0]  }
0x1ff: {  	v9 =	vld [tilespmem:s5+$0x10];
	v18 =	vadd.f32 v21, v18;
	v0 =	vmul.f32 v0, v34  }
0x200: {  	v22 =	vld [tilespmem:s6+$0x10];
	v24 =	vmul.f32 v17, v42  }
0x201: {  	v3 =	vld [tilespmem:s30+$0x20];
	v0 =	vadd.f32 v0, v18;
	v18 =	vmul.f32 v40, v37  }
0x202: {  	v2 =	vld [tilespmem:s5+$0x30];
	[tilespmem:s21+$0xA0] =	vst v24  }
0x203: {  	v20 =	vmul.f32 v20, v25;
	v0 =	vadd.f32 v18, v0;
	v18 =	vld [tilespmem:$0x1FF50]  }
0x204: {  	v15 =	vadd.f32 $0.0e+00, v15;
	v43 =	vld [tilespmem:s5+$0x40];
	v9 =	vmul.f32 v30, v9  }
0x205: {  	v25 =	vld [tilespmem:s30+$0x60];
	v20 =	vadd.f32 $0.0e+00, v20;
	v22 =	vmul.f32 v62, v22  }
0x206: {  	v61 =	vld [tilespmem:s5+$0x70];
	v9 =	vadd.f32 v9, v15;
	v15 =	vmul.f32 v63, v33  }
0x207: {  	v62 =	vld [tilespmem:s12+$0x70];
	v20 =	vadd.f32 v22, v20;
	v3 =	vmul.f32 v3, v35  }
0x208: {  	s12 =	sor.u32 $0x430, s22;
	v63 =	vld [tilespmem:s6+$0x70];
	v9 =	vadd.f32 v15, v9;
	v2 =	vmul.f32 v39, v2;
	v18 =	vmul.f32 v10, v18  }
0x209: {  	s11 =	simm.s32 $0x6;
	v21 =	vld [tilespmem:s12+$0x13A00]  }
0x20a: {  	s3 =	sand.u32 $0x3, s11;
	v15 =	vld [tilespmem:s30+$0xFFFFFF70];
	s5 =	sadd.s32 $0x80, s7;
	v3 =	vadd.f32 v3, v20;
	v2 =	vadd.f32 v2, v9;
	v9 =	vmul.f32 v41, v38;
	[tilespmem:s25+$0xFFFFFF00] =	vst v18  }
0x20b: {  	s3 =	sshll.u32 s3, $0x8;
	s7 =	sor.u32 $0x400, s5;
	v18 =	vld [tilespmem:$0x1FF60]  }
0x20c: {  	s3 =	sadd.s32 $0xC00, s3;
	v22 =	vld [tilespmem:s7+$0x13A00];
	v3 =	vadd.f32 v9, v3;
	v9 =	vmul.f32 v47, v44  }
0x20d: {  	s3 =	sadd.s32 $0x100, s3;
	v40 =	vld [tilespmem:s30+$0xFFFFFFF0];
	v24 =	vmul.f32 v46, v43  }
0x20e: {  	s16 =	sor.u32 $0x400, s3;
	v0 =	vadd.f32 v9, v0;
	v9 =	vmul.f32 v52, v49;
	v21 =	vmul.f32 v17, v21;
	v49 =	vld [tilespmem:$0x1FF70]  }
0x20f: {  	p2 =	por !p2, !p2;
	v1 =	vmul.f32 v8, v1;
	s6 =	simm.s32 $0x1;
	v20 =	vld [tilespmem:s16+$0x13A00];
	v2 =	vadd.f32 v24, v2  }
0x210: {  	s6 =	simm.s32 @!p2 $0x0;
	s20 =	sor.u32 $0x410, s4;
	v42 =	vld [tilespmem:s30+$0x70];
	[tilespmem:s21+$0xB0] =	vst v21;
	v18 =	vmul.f32 v11, v18  }
0x211: {  	s6 =	sshll.u32 s6, $0x9;
	s23 =	sor.u32 $0x440, s22;
	v2 =	vadd.f32 v9, v2;
	v9 =	vmul.f32 v7, v29;
	v21 =	vld [tilespmem:s20+$0x13A00];
	[tilespmem:s24+$0xFFFFFF30] =	vst v1  }
0x212: {  	s6 =	sadd.s32 $0xC00, s6;
	s12 =	sor.u32 $0x410, s1;
	v1 =	vmul.f32 v6, v28;
	v52 =	vld [tilespmem:s23+$0x13A00];
	[tilespmem:s25+$0xFFFFFF80] =	vst v18;
	v18 =	vmul.f32 v53, v50  }
0x213: {  	s19 =	sor.u32 $0x400, s6;
	[tilespmem:s24+$0xFFFFFFB0] =	vst v9;
	v36 =	vmul.f32 v12, v49;
	v53 =	vmul.f32 v54, v51;
	v54 =	vld [tilespmem:s12+$0x13A00]  }
0x214: {  	v24 =	vld [tilespmem:s19+$0x13A00];
	s19 =	sor.u32 $0x440, s13;
	v9 =	vmul.f32 v26, v14;
	[tilespmem:s24+$0x30] =	vst v1;
	v0 =	vadd.f32 v18, v0;
	v18 =	vmul.f32 v60, v55  }
0x215: {  	s16 =	sor.u32 $0x410, s2;
	v26 =	vld [tilespmem:s19+$0x13A00];
	[tilespmem:s25+$0x0] =	vst v36  }
0x216: {  	s10 =	sor.u32 $0x470, s10;
	[tilespmem:s17+$0xFFFFFF60] =	vst v9;
	v55 =	vld [tilespmem:s16+$0x13A00];
	v1 =	vadd.f32 v18, v2;
	v2 =	vmul.f32 v15, v61;
	v15 =	vmul.f32 v10, v21  }
0x217: {  	v23 =	vmul.f32 v23, v56;
	s20 =	sor.u32 $0x440, s15;
	v58 =	vld [tilespmem:s10+$0x13A00];
	v21 =	vmul.f32 v52, v17  }
0x218: {  	s23 =	sor.u32 $0x440, s18;
	v18 =	vld [tilespmem:s20+$0x13A00];
	v1 =	vadd.f32 v2, v1;
	[tilespmem:s25+$0xFFFFFF10] =	vst v15;
	v2 =	vmul.f32 v11, v54  }
0x219: {  	s12 =	sor.u32 $0x420, s4;
	v0 =	vadd.f32 v23, v0;
	v23 =	vld [tilespmem:s23+$0x13A00];
	[tilespmem:s21+$0xC0] =	vst v21  }
0x21a: {  	v48 =	vmul.f32 v48, v45;
	s19 =	sor.u32 $0x460, s13;
	s16 =	sor.u32 $0x450, s22;
	v15 =	vld [tilespmem:s12+$0x13A00];
	[tilespmem:s25+$0xFFFFFF90] =	vst v2  }
0x21b: {  	s20 =	sor.u32 $0x460, s18;
	v21 =	vmul.f32 v12, v55;
	v2 =	vld [tilespmem:s16+$0x13A00];
	[dreg:$0x8] =	wrdreg s19  }
0x21c: {  	v3 =	vadd.f32 v48, v3;
	[dreg:$0x16] =	wrdreg s20  }
0x21d: {  	[tilespmem:s25+$0x10] =	vst v21  }
0x21e: {  	v9 =	vmul.f32 v25, v57;
	v3 =	vadd.f32 v53, v3;
	v21 =	vld [tilespmem:$0x1FF80]  }
0x21f: {  	v25 =	vmul.f32 v40, v62  }
0x220: {  	v26 =	vmul.f32 v26, v8;
	v3 =	vadd.f32 v9, v3;
	v9 =	vmul.f32 v42, v63  }
0x221: {  	v0 =	vadd.f32 v25, v0;
	s12 =	sor.u32 $0x420, s1;
	v25 =	vperm.xlane v1, v4  }
0x222: {  	s23 =	sor.u32 $0x420, s2;
	v3 =	vadd.f32 v9, v3;
	s16 =	sor.u32 $0x460, s15;
	v18 =	vmul.f32 v18, v7;
	v9 =	vld [tilespmem:s12+$0x13A00];
	[tilespmem:s24+$0xFFFFFF40] =	vst v26  }
0x223: {  	v1 =	vadd.f32 v1, v25;
	v25 =	vld [tilespmem:s23+$0x13A00];
	[smem:$0x7E3] =	sst s16;
	v21 =	vmul.f32 v21, v13  }
0x224: {  	[tilespmem:s24+$0xFFFFFFC0] =	vst v18  }
0x225: {  	[tilespmem:s17+$0xFFFFFFE0] =	vst v21  }
0x226: {  	v21 =	vld [tilespmem:$0x1FF90]  }
0x227: {  	s11 =	sor.u32 $0x450, s13;
	v62 =	vld [tilespmem:$0x1FFA0]  }
0x228: {  	s20 =	sor.u32 $0x440, s4;
	s12 =	sor.u32 $0x450, s15;
	v26 =	vld [tilespmem:s11+$0x13A00]  }
0x229: {  	v23 =	vmul.f32 v23, v6;
	s23 =	sor.u32 $0x450, s4;
	v60 =	vld [tilespmem:s12+$0x13A00];
	[dreg:$0xe] =	wrdreg s20  }
0x22a: {  	[dreg:$0x5] =	wrdreg s23  }
0x22b: {  	s7 =	sor.u32 $0x470, s9;
	s9 =	sor.u32 $0x470, s8;
	s11 =	sor.u32 $0x440, s2;
	[tilespmem:s24+$0x40] =	vst v23  }
0x22c: {  	s10 =	sor.u32 $0x450, s18;
	s16 =	sor.u32 $0x450, s2;
	v61 =	vld [tilespmem:s9+$0x13A00];
	[dreg:$0x13] =	wrdreg s11;
	v21 =	vmul.f32 v62, v21  }
0x22d: {  	v18 =	vperm.xlane v3, v4;
	v63 =	vld [tilespmem:s10+$0x13A00];
	[dreg:$0x6] =	wrdreg s16  }
0x22e: {  	[tilespmem:s17+$0xF0] =	vst v21  }
0x22f: {  	v3 =	vadd.f32 v3, v18;
	v18 =	vld [tilespmem:$0x1FFB0];
	_ =	sdelay $0x1  }
0x230: {  	s20 =	sor.u32 $0x440, s1  }
0x231: {  	s11 =	sor.u32 $0x450, s1;
	[dreg:$0x17] =	wrdreg s20  }
0x232: {  	s16 =	sor.u32 $0x410, s6;
	[dreg:$0xc] =	wrdreg s11  }
0x233: {  	[smem:$0x7E4] =	sst s16;
	s20 =	sor.u32 $0x420, s6;
	v16 =	vmul.f32 v18, v16  }
0x234: {  	[smem:$0x7E5] =	sst s20  }
0x235: {  	[tilespmem:s24+$0xF0] =	vst v16  }
0x236: {  	v16 =	vld [tilespmem:$0x1FFC0]  }
0x237: {  	s11 =	sor.u32 $0x430, s6  }
0x238: {  	s16 =	sor.u32 $0x440, s6;
	[dreg:$0x1e] =	wrdreg s11  }
0x239: {  	s20 =	sor.u32 $0x450, s6;
	v18 =	vmul.f32 v27, v19;
	[dreg:$0x19] =	wrdreg s16  }
0x23a: {  	v59 =	vperm.xlane v0, v4;
	[dreg:$0x11] =	wrdreg s20  }
0x23b: {  	s10 =	sor.u32 $0x460, s6;
	[tilespmem:s25+$0xF0] =	vst v18;
	v16 =	vmul.f32 v16, v5  }
0x23c: {  	s28 =	sor.u32 $0x460, s1;
	s29 =	sor.u32 $0x470, s1;
	v0 =	vadd.f32 v0, v59;
	[smem:$0x7E6] =	sst s10  }
0x23d: {  	s31 =	sor.u32 $0x430, s5;
	s8 =	sor.u32 $0x430, s4;
	v1 =	vmul.f32 $2.500000000e-01, v1;
	s11 =	sor.u32 $0x410, s3;
	[tilespmem:s17+$0x60] =	vst v16  }
0x23e: {  	s18 =	sor.u32 $0x470, s18;
	v0 =	vmul.f32 $2.500000000e-01, v0;
	v2 =	vmul.f32 v2, v17;
	s16 =	sor.u32 $0x420, s3;
	[smem:$0x7E7] =	sst s11  }
0x23f: {  	s19 =	sor.u32 $0x470, s13;
	s13 =	sor.u32 $0x470, s4;
	v1 =	vmax.f32 v1, $-5.000000000e+00;
	[smem:$0x7E8] =	sst s16  }
0x240: {  	s15 =	sor.u32 $0x470, s15;
	s12 =	sor.u32 $0x460, s4;
	v0 =	vmax.f32 v0, $-5.000000000e+00;
	v1 =	vmin.f32 v1, $5.000000000e+00;
	s20 =	sor.u32 $0x440, s3;
	[tilespmem:s21+$0xD0] =	vst v2  }
0x241: {  	v0 =	vmin.f32 v0, $5.000000000e+00;
	v1 =	vmul.f32 $1.442695020e+00, v1;
	v3 =	vmul.f32 $2.500000000e-01, v3;
	v19 =	vld [tilespmem:s7+$0x13A00];
	s7 =	sor.u32 $0x450, s3;
	[dreg:$0x1c] =	wrdreg s20  }
0x242: {  	v0 =	vmul.f32 $1.442695020e+00, v0;
	v16 =	vmul.f32 v10, v15;
	s11 =	sor.u32 $0x460, s22;
	s16 =	sor.u32 $0x460, s3;
	[dreg:$0x15] =	wrdreg s7  }
0x243: {  	s4 =	sor.u32 $0x430, s2;
	(erf) = vpow2.f32 v1;
	v1 =	vmul.f32 v11, v9;
	s23 =	sor.u32 $0x460, s2;
	v3 =	vmax.f32 v3, $-5.000000000e+00;
	v15 =	vld [tilespmem:s11+$0x13A00];
	[dreg:$0xb] =	wrdreg s16  }
0x244: {  	s2 =	sor.u32 $0x470, s2;
	(erf) = vpow2.f32 v0;
	s9 =	sor.u32 $0x430, s1;
	v3 =	vmin.f32 v3, $5.000000000e+00;
	s1 =	sor.u32 $0x470, s6;
	[tilespmem:s25+$0xFFFFFF20] =	vst v16  }
0x245: {  	p2 =	por !p2, !p2;
	v0 =	vmul.f32 v12, v25;
	v3 =	vmul.f32 $1.442695020e+00, v3;
	s6 =	sor.u32 $0x420, s5;
	s20 =	sor.u32 $0x440, s5;
	[tilespmem:s25+$0xFFFFFFA0] =	vst v1  }
0x246: {  	v23 =	vmul.f32 v60, v7;
	s10 =	sor.u32 $0x430, s3;
	s3 =	sor.u32 $0x470, s3;
	v2 =	vmul.f32 v26, v8;
	v18 =	vld [tilespmem:s8+$0x13A00];
	[smem:$0x7E9] =	sst s20  }
0x247: {  	(erf) = vpow2.f32 v3;
	v21 =	vmul.f32 v58, v14;
	s7 =	sor.u32 $0x410, s5;
	s11 =	sor.u32 $0x460, s5;
	s16 =	simm.s32 $0x8;
	v16 =	vld [tilespmem:s9+$0x13A00];
	[tilespmem:s25+$0x20] =	vst v0  }
0x248: {  	v9 =	vmul.f32 v63, v6;
	s8 =	sor.u32 $0x450, s5;
	s5 =	sor.u32 $0x470, s5;
	s20 =	simm.s32 $0xC;
	v0 =	vmul.f32 v61, v13;
	[tilespmem:s24+$0xFFFFFF50] =	vst v2;
	v14 =	vld [tilespmem:s4+$0x13A00]  }
.LBB2_7:
0x249: {  	[smem:$0x7D0] =	sst s19  }
0x24a: {  	[smem:$0x7DC] =	sst s2  }
0x24b: {  	[smem:$0x7E0] =	sst s10  }
0x24c: {  	[smem:$0x7D8] =	sst s5  }
0x24d: {  	s9 =	rddreg [dreg:$0x8]  }
0x24e: {  	s19 =	sld [smem:$0x7E3]  }
0x24f: {  	v13 =	vpop (erf);
	v1 =	vld [tilespmem:s9+$0x13A00];
	[tilespmem:s24+$0x50] =	vst v9;
	s9 =	rddreg [dreg:$0x16]  }
0x250: {  	[smem:$0x7DD] =	sst s3;
	s3 =	simm.s32 $0x1;
	v3 =	vmul.f32 v15, v17;
	[tilespmem:s24+$0xFFFFFFD0] =	vst v23;
	v9 =	vpop (erf);
	v23 =	vld [tilespmem:s9+$0x13A00]  }
0x251: {  	s2 =	sld [smem:$0x7E6];
	s0 =	sadd.s32 $0x200, s0;
	s30 =	sadd.s32 $0x200, s30;
	[tilespmem:s17+$0xFFFFFF70] =	vst v21;
	v22 =	vmul.f32 v9, v22;
	v2 =	vmul.f32 v19, v5;
	v15 =	vld [tilespmem:s19+$0x13A00]  }
0x252: {  	s26 =	sadd.s32 $0x400, s26;
	s3 =	simm.s32 @!p2 $0x0;
	s10 =	smov.u32 s12;
	[tilespmem:s21+$0xE0] =	vst v3;
	v5 =	vmov v6;
	v6 =	vmov v12;
	v19 =	vmul.f32 v13, v24;
	v21 =	vld [tilespmem:s30+$0xFFFFFF00];
	v12 =	vpop (erf)  }
0x253: {  	s12 =	sor.u32 $0x470, s22;
	v3 =	vmul.f32 v11, v16;
	[dreg:$0x8] =	wrdreg s10;
	s10 =	sand.u32 $0x3800, s26;
	v16 =	vmul.f32 v12, v20;
	v20 =	vld [tilespmem:s30+$0x80];
	[tilespmem:s21+$0xFFFFFF80] =	vst v22  }
0x254: {  	s5 =	smov.u32 s2;
	s19 =	sand.u32 $0x380, s0;
	s2 =	sadd.s32 $0x13A00, s10;
	[tilespmem:s21+$0xFFFFFF00] =	vst v19;
	v19 =	vld [tilespmem:s12+$0x13A00]  }
0x255: {  	[smem:$0x7D6] =	sst s8;
	s8 =	sshll.u32 s3, $0x9;
	s3 =	sadd.s32 s19, s2;
	[tilespmem:s25+$0xFFFFFFB0] =	vst v3;
	v3 =	vld [tilespmem:s30+$0xA0]  }
0x256: {  	v18 =	vmul.f32 v10, v18;
	v22 =	vld [tilespmem:s3+$0x0]  }
0x257: {  	v14 =	vmul.f32 v6, v14;
	[tilespmem:s21+$0x0] =	vst v16;
	v16 =	vld [tilespmem:s30+$0x90]  }
0x258: {  	v1 =	vmul.f32 v1, v8;
	[tilespmem:s25+$0xFFFFFF30] =	vst v18;
	v18 =	vmul.f32 v23, v5;
	v23 =	vld [tilespmem:s3+$0x10]  }
0x259: {  	[tilespmem:s25+$0x30] =	vst v14;
	v14 =	vld [tilespmem:s3+$0x20];
	v17 =	vmul.f32 v19, v17  }
0x25a: {  	[tilespmem:s24+$0xFFFFFF60] =	vst v1;
	v19 =	vld [tilespmem:s30+$0xB0]  }
0x25b: {  	v15 =	vmul.f32 v15, v7;
	v1 =	vmul.f32 v20, v22;
	v22 =	vld [tilespmem:s30+$0xFFFFFF20];
	[tilespmem:s21+$0xF0] =	vst v17  }
0x25c: {  	[tilespmem:s24+$0x60] =	vst v18;
	v17 =	vld [tilespmem:s3+$0x30]  }
0x25d: {  	[tilespmem:s24+$0xFFFFFFE0] =	vst v15;
	v15 =	vmul.f32 v16, v23;
	v1 =	vadd.f32 $0.0e+00, v1;
	v16 =	vld [tilespmem:s30+$0xC0]  }
0x25e: {  	[tilespmem:s17+$0x70] =	vst v2;
	v18 =	vld [tilespmem:s3+$0x40]  }
0x25f: {  	[tilespmem:s17+$0xFFFFFFF0] =	vst v0;
	v2 =	vld [tilespmem:s3+$0x50];
	v0 =	vadd.f32 v15, v1;
	v1 =	vmul.f32 v3, v14  }
0x260: {  	v3 =	vld [tilespmem:s30+$0xD0]  }
0x261: {  	v14 =	vld [tilespmem:s30+$0xE0];
	v0 =	vadd.f32 v1, v0;
	v1 =	vmul.f32 v19, v17  }
0x262: {  	v15 =	vld [tilespmem:s3+$0x60]  }
0x263: {  	s9 =	sadd.s32 $0xFFFFFE80, s0;
	v17 =	vld [tilespmem:s3+$0x70];
	v0 =	vadd.f32 v1, v0;
	v1 =	vmul.f32 v16, v18  }
0x264: {  	s22 =	sadd.s32 $0xFFFFFF00, s0;
	s12 =	sand.u32 $0x200, s9;
	v16 =	vld [tilespmem:s30+$0xF0]  }
0x265: {  	[smem:$0x7D1] =	sst s5;
	s19 =	sand.u32 $0x280, s22;
	s5 =	sadd.s32 s12, s2;
	v19 =	vld [tilespmem:s30+$0xFFFFFF10];
	v0 =	vadd.f32 v1, v0;
	v1 =	vmul.f32 v3, v2  }
0x266: {  	s22 =	sadd.s32 $0xFFFFFF80, s0;
	s9 =	sadd.s32 s19, s2;
	v18 =	vld [tilespmem:s5+$0x0]  }
0x267: {  	s10 =	sand.u32 $0x300, s22;
	v2 =	vld [tilespmem:s9+$0x0];
	v0 =	vadd.f32 v1, v0;
	v1 =	vmul.f32 v14, v15  }
0x268: {  	s19 =	sadd.s32 s10, s2;
	v14 =	vld [tilespmem:s30+$0xFFFFFF80]  }
0x269: {  	v3 =	vld [tilespmem:s19+$0x0];
	v0 =	vadd.f32 v1, v0;
	v1 =	vmul.f32 v16, v17  }
0x26a: {  	v15 =	vld [tilespmem:s30+$0x0]  }
0x26b: {  	v17 =	vld [tilespmem:s5+$0x10];
	v0 =	vadd.f32 v1, v0  }
0x26c: {  	s4 =	sand.u32 $0x3, s16;
	v20 =	vld [tilespmem:s30+$0xFFFFFF90];
	v16 =	vmul.f32 v21, v18  }
0x26d: {  	s4 =	sshll.u32 s4, $0x8;
	s8 =	sadd.s32 s8, s26;
	v18 =	vld [tilespmem:s9+$0x10];
	v2 =	vmul.f32 v14, v2;
	v14 =	vperm.xlane v0, v4  }
0x26e: {  	s4 =	sadd.s32 s26, s4;
	s10 =	sor.u32 $0x400, s8;
	v21 =	vld [tilespmem:s9+$0x20]  }
0x26f: {  	[smem:$0x7CB] =	sst s10;
	s10 =	sadd.s32 $0x100, s4;
	v1 =	vadd.f32 $0.0e+00, v16;
	v16 =	vld [tilespmem:s19+$0x10];
	v0 =	vadd.f32 v0, v14  }
0x270: {  	s22 =	sor.u32 $0x410, s10;
	v3 =	vmul.f32 v15, v3;
	v15 =	vld [tilespmem:s30+$0x10];
	v17 =	vmul.f32 v19, v17  }
0x271: {  	[smem:$0x7CD] =	sst s22;
	s22 =	sor.u32 $0x420, s8;
	v19 =	vld [tilespmem:s19+$0x20];
	v0 =	vmul.f32 $2.500000000e-01, v0  }
0x272: {  	[smem:$0x7D3] =	sst s22;
	v1 =	vadd.f32 v17, v1;
	v17 =	vld [tilespmem:s30+$0xFFFFFFA0]  }
0x273: {  	s22 =	sor.u32 $0x430, s10;
	s17 =	rddreg [dreg:$0xb];
	v14 =	vld [tilespmem:s5+$0x20];
	v0 =	vmax.f32 v0, $-5.000000000e+00  }
0x274: {  	[smem:$0x7E1] =	sst s22;
	s22 =	sor.u32 $0x440, s10;
	v2 =	vadd.f32 $0.0e+00, v2;
	v18 =	vmul.f32 v20, v18;
	v20 =	vld [tilespmem:s30+$0xFFFFFF30];
	v0 =	vmin.f32 v0, $5.000000000e+00  }
0x275: {  	s14 =	sadd.s32 $0x4, s14;
	[smem:$0x7CF] =	sst s22;
	s22 =	sor.u32 $0x450, s8;
	v3 =	vadd.f32 $0.0e+00, v3;
	v15 =	vmul.f32 v15, v16;
	v16 =	vld [tilespmem:s30+$0x20];
	v0 =	vmul.f32 $1.442695020e+00, v0  }
0x276: {  	s12 =	sor.u32 $0x410, s8;
	[smem:$0x7D5] =	sst s22;
	s22 =	sor.u32 $0x470, s8;
	v2 =	vadd.f32 v18, v2;
	v18 =	vld [tilespmem:s5+$0x30]  }
0x277: {  	[smem:$0x7D2] =	sst s22;
	s22 =	smov.u32 s17;
	s17 =	sand.u32 $0x7, s14;
	v3 =	vadd.f32 v15, v3;
	v15 =	vld [tilespmem:s9+$0x30];
	v17 =	vmul.f32 v17, v21;
	(erf) = vpow2.f32 v0  }
0x278: {  	[smem:$0x7CC] =	sst s12;
	s12 =	sor.u32 $0x420, s10;
	s3 =	sshll.u32 s17, $0x7;
	v0 =	vmul.f32 v22, v14;
	v14 =	vld [tilespmem:s19+$0x30]  }
0x279: {  	[smem:$0x7D4] =	sst s12;
	s3 =	sadd.s32 s3, s26;
	v2 =	vadd.f32 v17, v2;
	v17 =	vld [tilespmem:s30+$0x30]  }
0x27a: {  	[smem:$0x7D7] =	sst s22;
	s22 =	sadd.s32 $0x180, s3;
	v16 =	vmul.f32 v16, v19;
	v0 =	vadd.f32 v0, v1;
	v1 =	vld [tilespmem:s30+$0xFFFFFFB0]  }
0x27b: {  	s12 =	sor.u32 $0x430, s8;
	s17 =	sadd.s32 $0x80, s3;
	s3 =	sor.u32 $0x400, s22;
	v18 =	vmul.f32 v20, v18;
	v20 =	vld [tilespmem:s9+$0x40]  }
0x27c: {  	[smem:$0x7DF] =	sst s12;
	s12 =	sor.u32 $0x440, s8;
	v3 =	vadd.f32 v16, v3;
	v16 =	vld [tilespmem:s3+$0x13A00]  }
0x27d: {  	[smem:$0x7CE] =	sst s12;
	s12 =	sor.u32 $0x450, s10;
	v19 =	vld [tilespmem:s5+$0x40]  }
0x27e: {  	[smem:$0x7DA] =	sst s12;
	s12 =	sor.u32 $0x460, s8;
	v0 =	vadd.f32 v18, v0;
	v18 =	vld [tilespmem:s30+$0xFFFFFF40];
	v14 =	vmul.f32 v17, v14  }
0x27f: {  	s4 =	sor.u32 $0x400, s10;
	[smem:$0x7E6] =	sst s12;
	v1 =	vmul.f32 v1, v15;
	v15 =	vld [tilespmem:s19+$0x40]  }
0x280: {  	s12 =	sor.u32 $0x460, s10;
	s8 =	sor.u32 $0x470, s10;
	s10 =	smov.u32 s23;
	v3 =	vadd.f32 v14, v3;
	v14 =	vld [tilespmem:s30+$0x40];
	v17 =	vpop (erf)  }
0x281: {  	[smem:$0x7DE] =	sst s8;
	s23 =	smov.u32 s12;
	s12 =	smov.u32 s24;
	v1 =	vadd.f32 v1, v2;
	v2 =	vld [tilespmem:s30+$0xFFFFFFC0];
	v16 =	vmul.f32 v17, v16  }
0x282: {  	s24 =	smov.u32 s25;
	s25 =	smov.u32 s21;
	s21 =	sadd.s32 $0x200, s21;
	v21 =	vld [tilespmem:s5+$0x50]  }
0x283: {  	s8 =	smov.u32 s28;
	s28 =	smov.u32 s18;
	s18 =	sor.u32 $0x410, s22;
	v18 =	vmul.f32 v18, v19;
	v19 =	vld [tilespmem:s9+$0x50];
	[tilespmem:s21+$0x80] =	vst v16  }
0x284: {  	v16 =	vld [tilespmem:s18+$0x13A00]  }
0x285: {  	v0 =	vadd.f32 v18, v0;
	v18 =	vld [tilespmem:s30+$0xFFFFFF50];
	v14 =	vmul.f32 v14, v15  }
0x286: {  	v2 =	vmul.f32 v2, v20;
	v20 =	vld [tilespmem:s19+$0x50]  }
0x287: {  	v3 =	vadd.f32 v14, v3;
	v14 =	vld [tilespmem:s30+$0x50]  }
0x288: {  	v1 =	vadd.f32 v2, v1;
	v2 =	vld [tilespmem:s30+$0xFFFFFFD0]  }
0x289: {  	v15 =	vmul.f32 v17, v16;
	_ =	sdelay $0x1  }
0x28a: {  	s18 =	sor.u32 $0x420, s22;
	v16 =	vld [tilespmem:s5+$0x60];
	[tilespmem:s21+$0x90] =	vst v15  }
0x28b: {  	v14 =	vmul.f32 v14, v20;
	v15 =	vmul.f32 v18, v21;
	v18 =	vld [tilespmem:s18+$0x13A00]  }
0x28c: {  	v2 =	vmul.f32 v2, v19;
	v19 =	vld [tilespmem:s19+$0x60]  }
0x28d: {  	v3 =	vadd.f32 v14, v3;
	v14 =	vld [tilespmem:s30+$0x60]  }
0x28e: {  	v0 =	vadd.f32 v15, v0;
	v15 =	vld [tilespmem:s30+$0xFFFFFF60]  }
0x28f: {  	v22 =	vld [tilespmem:s9+$0x60]  }
0x290: {  	[dreg:$0x16] =	wrdreg s10;
	v1 =	vadd.f32 v2, v1;
	v2 =	vld [tilespmem:s30+$0xFFFFFFE0]  }
0x291: {  	v23 =	vld [tilespmem:s9+$0x70];
	[dreg:$0xb] =	wrdreg s23  }
0x292: {  	s10 =	smov.u32 s11;
	[smem:$0x7E3] =	sst s8;
	v21 =	vld [tilespmem:s5+$0x70];
	v18 =	vmul.f32 v17, v18;
	v14 =	vmul.f32 v14, v19  }
0x293: {  	[smem:$0x7DB] =	sst s10;
	v15 =	vmul.f32 v15, v16;
	v16 =	vld [tilespmem:s19+$0x70]  }
0x294: {  	[smem:$0x7D9] =	sst s12;
	s19 =	sor.u32 $0x430, s22;
	[tilespmem:s21+$0xA0] =	vst v18;
	v3 =	vadd.f32 v14, v3;
	v14 =	vld [tilespmem:s30+$0x70]  }
0x295: {  	s8 =	sor.u32 $0x400, s17;
	s9 =	sld [smem:$0x7E4];
	v2 =	vmul.f32 v2, v22;
	v18 =	vld [tilespmem:s19+$0x13A00]  }
0x296: {  	v22 =	vld [tilespmem:s8+$0x13A00];
	s8 =	sld [smem:$0x7CB]  }
0x297: {  	s18 =	sld [smem:$0x7CC];
	v1 =	vadd.f32 v2, v1;
	v2 =	vld [tilespmem:s30+$0xFFFFFFF0]  }
0x298: {  	s5 =	sld [smem:$0x7E7];
	v0 =	vadd.f32 v15, v0;
	v15 =	vld [tilespmem:s30+$0xFFFFFF70]  }
0x299: {  	v24 =	vld [tilespmem:s8+$0x13A00];
	s8 =	sld [smem:$0x7CD];
	v14 =	vmul.f32 v14, v16  }
0x29a: {  	s19 =	smov.u32 s18;
	s18 =	rddreg [dreg:$0x19];
	v18 =	vmul.f32 v17, v18  }
0x29b: {  	[smem:$0x7E4] =	sst s19;
	v3 =	vadd.f32 v14, v3;
	v14 =	vld [tilespmem:s5+$0x13A00]  }
0x29c: {  	s12 =	smov.u32 s1;
	v2 =	vmul.f32 v2, v23;
	s5 =	rddreg [dreg:$0x13];
	[tilespmem:s21+$0xB0] =	vst v18;
	v18 =	vld [tilespmem:s9+$0x13A00];
	s9 =	smov.u32 s8  }
0x29d: {  	s1 =	smov.u32 s13;
	s13 =	sor.u32 $0x410, s17;
	[smem:$0x7E7] =	sst s9  }
0x29e: {  	s19 =	smov.u32 s18;
	v15 =	vmul.f32 v15, v21;
	v1 =	vadd.f32 v2, v1;
	v2 =	vld [tilespmem:s7+$0x13A00];
	s7 =	smov.u32 s13;
	s13 =	rddreg [dreg:$0xe]  }
0x29f: {  	v20 =	vld [tilespmem:s4+$0x13A00];
	s4 =	sor.u32 $0x440, s22;
	[dreg:$0xe] =	wrdreg s19  }
0x2a0: {  	v0 =	vadd.f32 v15, v0;
	v15 =	vld [tilespmem:s4+$0x13A00];
	s4 =	sld [smem:$0x7CE]  }
0x2a1: {  	s23 =	smov.u32 s29;
	s29 =	sor.u32 $0x440, s17;
	s9 =	rddreg [dreg:$0x17]  }
0x2a2: {  	s19 =	smov.u32 s29;
	v21 =	vld [tilespmem:s13+$0x13A00];
	s13 =	sld [smem:$0x7E9]  }
0x2a3: {  	[smem:$0x7E9] =	sst s19  }
0x2a4: {  	s19 =	sld [smem:$0x7D0];
	s8 =	smov.u32 s4  }
0x2a5: {  	[dreg:$0x19] =	wrdreg s8  }
0x2a6: {  	v19 =	vperm.xlane v1, v4;
	s8 =	rddreg [dreg:$0x1c]  }
0x2a7: {  	s18 =	smov.u32 s13;
	s13 =	sld [smem:$0x7CF]  }
0x2a8: {  	v1 =	vadd.f32 v1, v19;
	v19 =	vld [tilespmem:s5+$0x13A00];
	s5 =	sld [smem:$0x7D2]  }
0x2a9: {  	s2 =	smov.u32 s15;
	s15 =	sor.u32 $0x420, s17;
	v16 =	vperm.xlane v0, v4;
	[dreg:$0x17] =	wrdreg s18  }
0x2aa: {  	s10 =	sor.u32 $0x430, s17;
	v23 =	vld [tilespmem:s9+$0x13A00];
	v18 =	vmul.f32 v13, v18;
	s9 =	smov.u32 s8;
	s8 =	sld [smem:$0x7E5]  }
0x2ab: {  	s11 =	sor.u32 $0x460, s17;
	s3 =	sor.u32 $0x450, s17;
	v0 =	vadd.f32 v0, v16;
	v16 =	vperm.xlane v3, v4;
	[dreg:$0x13] =	wrdreg s9  }
0x2ac: {  	s17 =	sor.u32 $0x470, s17;
	[tilespmem:s25+$0xFFFFFF10] =	vst v18;
	s9 =	sld [smem:$0x7D3];
	s18 =	smov.u32 s13  }
0x2ad: {  	v3 =	vadd.f32 v3, v16;
	v16 =	vld [tilespmem:s19+$0x13A00];
	s19 =	smov.u32 s1;
	s13 =	smov.u32 s12;
	s12 =	sld [smem:$0x7D1]  }
0x2ae: {  	v15 =	vmul.f32 v15, v17;
	s1 =	smov.u32 s5;
	s5 =	smov.u32 s17;
	s17 =	sld [smem:$0x7D9]  }
0x2af: {  	[dreg:$0x1c] =	wrdreg s18  }
0x2b0: {  	s4 =	sor.u32 $0x450, s22;
	[tilespmem:s21+$0xC0] =	vst v15;
	v15 =	vld [tilespmem:s8+$0x13A00];
	s8 =	sld [smem:$0x7E8]  }
0x2b1: {  	v2 =	vmul.f32 v9, v2;
	v18 =	vld [tilespmem:s4+$0x13A00];
	s4 =	rddreg [dreg:$0x11]  }
0x2b2: {  	s18 =	smov.u32 s9;
	s9 =	sld [smem:$0x7D4]  }
0x2b3: {  	v3 =	vmul.f32 $2.500000000e-01, v3;
	[tilespmem:s25+$0xFFFFFF90] =	vst v2;
	v2 =	vmul.f32 v21, v10;
	[smem:$0x7E5] =	sst s18  }
0x2b4: {  	s18 =	rddreg [dreg:$0x5]  }
0x2b5: {  	v21 =	vld [tilespmem:s6+$0x13A00];
	s6 =	smov.u32 s15;
	v3 =	vmax.f32 v3, $-5.000000000e+00;
	[tilespmem:s24+$0xFFFFFF40] =	vst v2;
	s15 =	smov.u32 s9;
	s9 =	sld [smem:$0x7D5]  }
0x2b6: {  	v14 =	vmul.f32 v12, v14;
	v0 =	vmul.f32 $2.500000000e-01, v0;
	v2 =	vmin.f32 v3, $5.000000000e+00;
	v3 =	vld [tilespmem:s18+$0x13A00];
	s18 =	rddreg [dreg:$0xc]  }
0x2b7: {  	v1 =	vmul.f32 $2.500000000e-01, v1;
	[smem:$0x7E8] =	sst s15  }
0x2b8: {  	[tilespmem:s25+$0x10] =	vst v14;
	v0 =	vmax.f32 v0, $-5.000000000e+00;
	s15 =	smov.u32 s9;
	s9 =	sld [smem:$0x7D8]  }
0x2b9: {  	v14 =	vmul.f32 v23, v11;
	v0 =	vmin.f32 v0, $5.000000000e+00;
	v1 =	vmax.f32 v1, $-5.000000000e+00;
	v23 =	vld [tilespmem:s8+$0x13A00];
	s8 =	smov.u32 s4;
	s4 =	sld [smem:$0x7D6]  }
0x2ba: {  	v0 =	vmul.f32 $1.442695020e+00, v0;
	v1 =	vmin.f32 v1, $5.000000000e+00;
	[dreg:$0x5] =	wrdreg s8  }
0x2bb: {  	[tilespmem:s24+$0xFFFFFFC0] =	vst v14;
	v14 =	vmul.f32 v19, v6;
	v1 =	vmul.f32 $1.442695020e+00, v1;
	s29 =	smov.u32 s9;
	s9 =	sld [smem:$0x7DA]  }
0x2bc: {  	(erf) = vpow2.f32 v0;
	v0 =	vld [tilespmem:s18+$0x13A00];
	s18 =	rddreg [dreg:$0x6]  }
0x2bd: {  	[tilespmem:s24+$0x40] =	vst v14;
	(erf) = vpow2.f32 v1;
	v1 =	vld [tilespmem:s2+$0x13A00];
	s2 =	rddreg [dreg:$0x15]  }
0x2be: {  	v25 =	vld [tilespmem:s18+$0x13A00];
	s8 =	smov.u32 s4;
	s18 =	smov.u32 s9;
	s9 =	sld [smem:$0x7DC]  }
0x2bf: {  	[dreg:$0xc] =	wrdreg s8  }
0x2c0: {  	v2 =	vmul.f32 $1.442695020e+00, v2;
	v18 =	vmul.f32 v18, v17;
	[dreg:$0x15] =	wrdreg s18  }
0x2c1: {  	s4 =	smov.u32 s2;
	s18 =	smov.u32 s9;
	s9 =	sld [smem:$0x7DE]  }
0x2c2: {  	(erf) = vpow2.f32 v2;
	v2 =	vmul.f32 v13, v15;
	[dreg:$0x6] =	wrdreg s4;
	[tilespmem:s21+$0xD0] =	vst v18;
	s4 =	sor.u32 $0x460, s22  }
0x2c3: {  	v15 =	vld [tilespmem:s4+$0x13A00];
	s4 =	sld [smem:$0x7DD]  }
0x2c4: {  	v14 =	vmul.f32 v9, v21;
	s8 =	smov.u32 s3;
	[tilespmem:s25+$0xFFFFFF20] =	vst v2;
	s3 =	smov.u32 s9;
	s9 =	rddreg [dreg:$0x1e]  }
0x2c5: {  	s20 =	sadd.s32 $0x4, s20;
	v18 =	vld [tilespmem:s9+$0x13A00];
	s9 =	sld [smem:$0x7DF]  }
0x2c6: {  	p3 =	slt.u32 s20, $0x24;
	v19 =	vld [tilespmem:s28+$0x13A00];
	s28 =	sld [smem:$0x7DB];
	[tilespmem:s25+$0xFFFFFFA0] =	vst v14  }
.Ltmp2:
0x2c7: {  	v21 =	vmul.f32 v16, v8;
	v16 =	vld [tilespmem:s31+$0x13A00];
	s31 =	smov.u32 s10;
	s10 =	sld [smem:$0x7E0];
	(pc) =	sbr.rel @p3 .LBB2_7-.Ltmp2, $4  }
0x2c8: {  	v26 =	vmul.f32 v12, v23;
	s2 =	smov.u32 s4;
	s4 =	smov.u32 s9;
	s9 =	sld [smem:$0x7E1]  }
0x2c9: {  	[dreg:$0x11] =	wrdreg s15;
	v2 =	vmul.f32 v3, v10  }
0x2ca: {  	s16 =	sadd.s32 $0x2, s16;
	v8 =	vmov v10;
	s15 =	smov.u32 s23;
	s23 =	sld [smem:$0x7D7];
	v10 =	vmov v13;
	v23 =	vmul.f32 v0, v11;
	[tilespmem:s25+$0x20] =	vst v26  }
0x2cb: {  	p2 =	por !p2, !p2;
	v0 =	vmul.f32 v1, v7;
	v7 =	vmovc v11;
	v11 =	vmov v9;
	v9 =	vmul.f32 v25, v6;
	v14 =	vld [tilespmem:s10+$0x13A00];
	[tilespmem:s24+$0xFFFFFF50] =	vst v2;
	[dreg:$0x1e] =	wrdreg s4;
	s10 =	smov.u32 s9  }
0x2cc: {  	v1 =	vpop (erf)  }
0x2cd: {  	v13 =	vmul.f32 v1, v24  }
0x2ce: {  	v2 =	vpop (erf)  }
0x2cf: {  	v22 =	vmul.f32 v2, v22;
	v3 =	vpop (erf);
	[tilespmem:s21+$0xFFFFFF00] =	vst v13  }
0x2d0: {  	v42 =	vmul.f32 v3, v20;
	s0 =	sld [smem:$0x7E4]  }
0x2d1: {  	[tilespmem:s21+$0xFFFFFF80] =	vst v22  }
0x2d2: {  	[tilespmem:s21+$0x0] =	vst v42  }
0x2d3: {  	s4 =	sld [smem:$0x7E7];
	v43 =	vld [tilespmem:s0+$0x13A00];
	_ =	sdelay $0x1  }
0x2d4: {  	v22 =	vld [tilespmem:s7+$0x13A00]  }
0x2d5: {  	v13 =	vld [tilespmem:s4+$0x13A00];
	_ =	sdelay $0x1  }
0x2d6: {  	v20 =	vmul.f32 v1, v43;
	_ =	sdelay $0x1  }
0x2d7: {  	v22 =	vmul.f32 v2, v22;
	[tilespmem:s21+$0xFFFFFF10] =	vst v20  }
0x2d8: {  	v13 =	vmul.f32 v3, v13;
	s7 =	sld [smem:$0x7E5]  }
0x2d9: {  	[tilespmem:s21+$0xFFFFFF90] =	vst v22  }
0x2da: {  	[tilespmem:s21+$0x10] =	vst v13  }
0x2db: {  	s9 =	sld [smem:$0x7E8];
	v20 =	vld [tilespmem:s7+$0x13A00]  }
0x2dc: {  	v22 =	vld [tilespmem:s6+$0x13A00];
	_ =	sdelay $0x1  }
0x2dd: {  	v13 =	vld [tilespmem:s9+$0x13A00]  }
0x2de: {  	v5 =	vmul.f32 v19, v5;
	[tilespmem:s17+$0xFFFFFF70] =	vst v21  }
0x2df: {  	[tilespmem:s17+$0xFFFFFFF0] =	vst v0;
	v44 =	vmul.f32 v1, v20  }
0x2e0: {  	[tilespmem:s17+$0x70] =	vst v5;
	v5 =	vmul.f32 v2, v22  }
0x2e1: {  	[tilespmem:s21+$0xFFFFFF20] =	vst v44  }
0x2e2: {  	v13 =	vmul.f32 v3, v13;
	s14 =	rddreg [dreg:$0x1e];
	[tilespmem:s21+$0xFFFFFFA0] =	vst v5  }
0x2e3: {  	[tilespmem:s24+$0xFFFFFFD0] =	vst v23;
	v0 =	vld [tilespmem:s14+$0x13A00]  }
0x2e4: {  	v5 =	vld [tilespmem:s31+$0x13A00];
	[tilespmem:s21+$0x20] =	vst v13  }
0x2e5: {  	v18 =	vmul.f32 v10, v18;
	[tilespmem:s24+$0x50] =	vst v9;
	v13 =	vld [tilespmem:s10+$0x13A00]  }
0x2e6: {  	v45 =	vmul.f32 v11, v16;
	s16 =	rddreg [dreg:$0x8]  }
0x2e7: {  	v14 =	vmul.f32 v12, v14;
	[tilespmem:s25+$0xFFFFFF30] =	vst v18;
	v46 =	vld [tilespmem:s16+$0x13A00]  }
0x2e8: {  	s17 =	rddreg [dreg:$0xe];
	[tilespmem:s25+$0xFFFFFFB0] =	vst v45;
	v0 =	vmul.f32 v1, v0  }
0x2e9: {  	s20 =	rddreg [dreg:$0x17];
	[tilespmem:s25+$0x30] =	vst v14;
	v5 =	vmul.f32 v2, v5  }
0x2ea: {  	v18 =	vld [tilespmem:s17+$0x13A00];
	s26 =	rddreg [dreg:$0x13];
	v13 =	vmul.f32 v3, v13;
	[tilespmem:s21+$0xFFFFFF30] =	vst v0  }
0x2eb: {  	v15 =	vmul.f32 v15, v17;
	v9 =	vld [tilespmem:s20+$0x13A00];
	s30 =	rddreg [dreg:$0x19];
	[tilespmem:s21+$0xFFFFFFB0] =	vst v5  }
0x2ec: {  	v14 =	vld [tilespmem:s26+$0x13A00];
	v16 =	vmul.f32 v46, v8;
	s31 =	sld [smem:$0x7E9];
	[tilespmem:s21+$0x30] =	vst v13  }
0x2ed: {  	v0 =	vld [tilespmem:s30+$0x13A00];
	s4 =	rddreg [dreg:$0x1c];
	[tilespmem:s21+$0xE0] =	vst v15  }
0x2ee: {  	[tilespmem:s24+$0xFFFFFF60] =	vst v16  }
0x2ef: {  	v47 =	vmul.f32 v18, v10;
	v13 =	vld [tilespmem:s4+$0x13A00];
	s7 =	sld [smem:$0x7E3]  }
0x2f0: {  	s6 =	sor.u32 $0x470, s22;
	v9 =	vmul.f32 v9, v11;
	v5 =	vld [tilespmem:s31+$0x13A00]  }
0x2f1: {  	v14 =	vmul.f32 v14, v12;
	v48 =	vld [tilespmem:s6+$0x13A00];
	[tilespmem:s25+$0xFFFFFF40] =	vst v47  }
0x2f2: {  	s9 =	rddreg [dreg:$0x5];
	[tilespmem:s25+$0xFFFFFFC0] =	vst v9;
	v49 =	vld [tilespmem:s7+$0x13A00];
	v0 =	vmul.f32 v0, v1  }
0x2f3: {  	v15 =	vld [tilespmem:s9+$0x13A00];
	s10 =	rddreg [dreg:$0xc];
	[tilespmem:s25+$0x40] =	vst v14  }
0x2f4: {  	v9 =	vld [tilespmem:s10+$0x13A00];
	s14 =	rddreg [dreg:$0x6];
	[tilespmem:s21+$0xFFFFFF40] =	vst v0;
	v50 =	vmul.f32 v13, v3  }
0x2f5: {  	v14 =	vld [tilespmem:s14+$0x13A00];
	v5 =	vmul.f32 v5, v2;
	s16 =	rddreg [dreg:$0x11]  }
0x2f6: {  	v52 =	vmul.f32 v48, v17;
	v51 =	vld [tilespmem:s16+$0x13A00];
	[tilespmem:s21+$0x40] =	vst v50  }
0x2f7: {  	[tilespmem:s21+$0xFFFFFFC0] =	vst v5;
	v16 =	vmul.f32 v49, v7  }
0x2f8: {  	v15 =	vmul.f32 v15, v10;
	v5 =	vld [tilespmem:s8+$0x13A00];
	s17 =	rddreg [dreg:$0x15];
	[tilespmem:s21+$0xF0] =	vst v52  }
0x2f9: {  	v9 =	vmul.f32 v9, v11;
	v0 =	vld [tilespmem:s17+$0x13A00];
	s20 =	rddreg [dreg:$0x16];
	[tilespmem:s24+$0xFFFFFFE0] =	vst v16  }
0x2fa: {  	v14 =	vmul.f32 v14, v12;
	[tilespmem:s25+$0xFFFFFF50] =	vst v15  }
0x2fb: {  	[tilespmem:s25+$0xFFFFFFD0] =	vst v9;
	v53 =	vld [tilespmem:s20+$0x13A00];
	v55 =	vmul.f32 v51, v1  }
0x2fc: {  	v54 =	vld [tilespmem:s19+$0x13A00];
	[tilespmem:s25+$0x50] =	vst v14  }
0x2fd: {  	v15 =	vld [tilespmem:s12+$0x13A00];
	v5 =	vmul.f32 v5, v2;
	[tilespmem:s21+$0xFFFFFF50] =	vst v55  }
0x2fe: {  	v14 =	vld [tilespmem:s23+$0x13A00];
	v0 =	vmul.f32 v0, v3;
	s22 =	sld [smem:$0x7E6]  }
0x2ff: {  	v56 =	vld [tilespmem:s28+$0x13A00];
	[tilespmem:s21+$0xFFFFFFD0] =	vst v5  }
0x300: {  	v17 =	vmul.f32 v53, v6;
	v5 =	vld [tilespmem:s11+$0x13A00];
	[tilespmem:s21+$0x50] =	vst v0  }
0x301: {  	v57 =	vmul.f32 v54, v8;
	v9 =	vld [tilespmem:s22+$0x13A00];
	s23 =	rddreg [dreg:$0xb]  }
0x302: {  	v15 =	vmul.f32 v15, v10;
	[tilespmem:s24+$0x60] =	vst v17;
	v0 =	vld [tilespmem:s23+$0x13A00]  }
0x303: {  	v58 =	vld [tilespmem:s15+$0x13A00];
	v14 =	vmul.f32 v14, v12;
	[tilespmem:s24+$0xFFFFFF70] =	vst v57  }
0x304: {  	v59 =	vmul.f32 v56, v11;
	[tilespmem:s25+$0xFFFFFF60] =	vst v15;
	v60 =	vld [tilespmem:s18+$0x13A00]  }
0x305: {  	v15 =	vld [tilespmem:s13+$0x13A00];
	[tilespmem:s25+$0x60] =	vst v14;
	v5 =	vmul.f32 v5, v2  }
0x306: {  	[tilespmem:s25+$0xFFFFFFE0] =	vst v59;
	v14 =	vld [tilespmem:s2+$0x13A00];
	v61 =	vmul.f32 v9, v1  }
0x307: {  	v62 =	vld [tilespmem:s29+$0x13A00];
	v0 =	vmul.f32 v0, v3;
	[tilespmem:s21+$0xFFFFFFE0] =	vst v5  }
0x308: {  	v7 =	vmul.f32 v58, v7;
	[tilespmem:s21+$0xFFFFFF60] =	vst v61;
	v5 =	vld [tilespmem:s5+$0x13A00]  }
0x309: {  	v6 =	vmul.f32 v60, v6;
	v8 =	vld [tilespmem:s1+$0x13A00];
	[tilespmem:s21+$0x60] =	vst v0  }
0x30a: {  	[tilespmem:s24+$0xFFFFFFF0] =	vst v7;
	v7 =	vmul.f32 v15, v10;
	v0 =	vld [tilespmem:s3+$0x13A00]  }
0x30b: {  	v63 =	vmul.f32 v14, v12;
	[tilespmem:s24+$0x70] =	vst v6  }
0x30c: {  	v6 =	vmul.f32 v62, v11;
	[tilespmem:s25+$0xFFFFFF70] =	vst v7  }
0x30d: {  	[tilespmem:s25+$0x70] =	vst v63;
	v2 =	vmul.f32 v5, v2  }
0x30e: {  	[tilespmem:s25+$0xFFFFFFF0] =	vst v6;
	v1 =	vmul.f32 v8, v1  }
0x30f: {  	v0 =	vmul.f32 v0, v3;
	[tilespmem:s21+$0xFFFFFFF0] =	vst v2  }
0x310: {  	s0 =	simm.s32 @!p1 $0x1;
	s26 =	rddreg [dreg:$0x2];
	[tilespmem:s21+$0xFFFFFF70] =	vst v1  }
0x311: {  	s30 =	simm.s32 $0x17600;
	s28 =	simm.s32 $0x28;
	s29 =	simm.s32 $0x13980;
	[tilespmem:s21+$0x70] =	vst v0  }
0x312: {  	[spmem:s26] =	stream.indirect.scatter.add.f32 [tilespmem:s30], [sflag:$0x3], $0x80, s29, s28, $0xb8;
	[tilespmem:$0x1DB80] =	vst v63  }
0x313: {  	_ =	swait.ge @!p1 [sflag:s0], $0x28  }
0x314: {  	[sflag:s0] =	ssyncset.done @!p1 $0x0  }
0x315: {  	[sflag:s0] =	ssyncadd.s32 @!p1 $0xFFFFFFD8  }
0x316: {  	_ =	swait.ge @!p1 [sflag:s0], $0x28  }
0x317: {  	[sflag:s0] =	ssyncset.done @!p1 $0x0  }
0x318: {  	[sflag:s0] =	ssyncadd.s32 @!p1 $0xFFFFFFD8  }
0x319: {  	v0 =	vld @!p1 [tilespmem:$0x13880];
	_ =	sdelay $0x4  }
0x31a: {  	v1 =	vshll.u32 @!p1 v0, $0x1  }
0x31b: {  	v2 =	vlaneseq.u32 @!p1;
	v0 =	vand.u32 @!p1 $0x7, v0;
	v1 =	vand.u32 @!p1 $0xFFFFFFF0, v1  }
0x31c: {  	v3 =	vshrl.u32 @!p1 v2, $0x3;
	v0 =	vor.u32 @!p1 v0, v1;
	v1 =	vand.u32 @!p1 $0x7, v2  }
0x31d: {  	v3 =	vmul.u32 @!p1 $0x8, v3;
	v5 =	vperm.xlane @!p1 v0, v1  }
0x31e: {  	v2 =	vor.u32 @!p1 $0x8, v2  }
0x31f: {  	v0 =	vperm.xlane @!p1 v0, v2;
	v5 =	vadd.s32 @!p1 v3, v5;
	_ =	sdelay $0x1  }
0x320: {  	s2 =	sld [smem:$0x7EB];
	v0 =	vadd.s32 @!p1 v3, v0;
	_ =	sdelay $0x1  }
0x321: {  	vm1 =	vmmov @!p1 $0xffff;
	s1 =	simm.s32 @!p1 $0x13A00;
	s0 =	simm.s32 @!p1 $0x0  }
0x322: {  	[tilespmem:s1], [sflag:$0x2] =	stream.indirect_vreg.gather @!p1 [hbm4b:s2+s0], $0x80, v5, vm1, $0xb8;
	[tilespmem:$0x1DB80] =	vst v63  }
0x323: {  	s1 =	simm.s32 @!p1 $0x14200  }
0x324: {  	[tilespmem:s1], [sflag:$0x2] =	stream.indirect_vreg.gather @!p1 [hbm4b:s2+s0], $0x80, v0, vm1, $0xb8;
	[tilespmem:$0x1DB80] =	vst v63  }
0x325: {  	v0 =	vld @!p1 [tilespmem:$0x13890];
	_ =	sdelay $0x4  }
0x326: {  	v5 =	vshll.u32 @!p1 v0, $0x1  }
0x327: {  	v0 =	vand.u32 @!p1 $0x7, v0;
	v5 =	vand.u32 @!p1 $0xFFFFFFF0, v5  }
0x328: {  	v0 =	vor.u32 @!p1 v0, v5  }
0x329: {  	v5 =	vperm.xlane @!p1 v0, v1;
	_ =	sdelay $0x1  }
0x32a: {  	v0 =	vperm.xlane @!p1 v0, v2;
	v5 =	vadd.s32 @!p1 v3, v5;
	_ =	sdelay $0x1  }
0x32b: {  	v0 =	vadd.s32 @!p1 v3, v0;
	_ =	sdelay $0x1  }
0x32c: {  	s1 =	simm.s32 @!p1 $0x14A00  }
0x32d: {  	[tilespmem:s1], [sflag:$0x2] =	stream.indirect_vreg.gather @!p1 [hbm4b:s2+s0], $0x80, v5, vm1, $0xb8;
	[tilespmem:$0x1DB80] =	vst v63  }
0x32e: {  	s1 =	simm.s32 @!p1 $0x15200  }
0x32f: {  	[tilespmem:s1], [sflag:$0x2] =	stream.indirect_vreg.gather @!p1 [hbm4b:s2+s0], $0x80, v0, vm1, $0xb8;
	[tilespmem:$0x1DB80] =	vst v63  }
0x330: {  	v0 =	vld.msk @!p1 [tilespmem:$0x138A0], $0xff;
	_ =	sdelay $0x4  }
0x331: {  	v2 =	vshll.u32 @!p1 v0, $0x1  }
0x332: {  	v0 =	vand.u32 @!p1 $0x7, v0;
	v2 =	vand.u32 @!p1 $0xFFFFFFF0, v2  }
0x333: {  	v0 =	vor.u32 @!p1 v0, v2  }
0x334: {  	v0 =	vperm.xlane @!p1 v0, v1;
	_ =	sdelay $0x1  }
0x335: {  	v0 =	vadd.s32 @!p1 v3, v0;
	_ =	sdelay $0x3  }
0x336: {  	s31 =	simm.s32 $0x5;
	s3 =	rddreg [dreg:$0x0];
	s1 =	simm.s32 @!p1 $0x15A00  }
0x337: {  	[tilespmem:s1], [sflag:$0x2] =	stream.indirect_vreg.gather @!p1 [hbm4b:s2+s0], $0x80, v0, vm1, $0xb8;
	[tilespmem:$0x1DB80] =	vst v63  }
0x338: {  	s0 =	simm.s32 @!p1 $0x28;
	s1 =	simm.s32 @!p1 $0x13900;
	s2 =	simm.s32 @!p1 $0x16200  }
0x339: {  	[tilespmem:s2], [sflag:$0x2] =	stream.indirect.gather @!p1 [hbm4b:s3+s0], $0x80, s1, s0, $0xb8;
	[tilespmem:$0x1DB80] =	vst v63  }
0x33a: {  	_ =	swait.ge [sflag:s31], $0x2800  }
0x33b: {  	[sflag:s31] =	ssyncset.done $0x0  }
0x33c: {  	[sflag:s31] =	ssyncadd.s32 $0xFFFFD800  }
0x33d: {  	_ =	swait.ge [sflag:s31], $0x1400  }
0x33e: {  	s1 =	sld [smem:$0x7E2];
	_ =	sdelay $0x2  }
0x33f: {  	p2 =	sne.s32 s1, $0x0  }
.Ltmp3:
0x340: {  	_ = 	snop;
	(pc) =	sbr.rel @!p2 .LBB2_9-.Ltmp3, $3  }
0x341: {  	_ =	sdelay $0x1  }
0x342: {  	[sflag:s31] =	ssyncset.done $0x0  }
0x343: {  	[sflag:s31] =	ssyncadd.s32 $0xFFFFEC00  }
0x344: {  	s0 =	simm.s32 $0x6  }
0x345: {  	_ =	swait.ge [sflag:s0], $0x1400  }
0x346: {  	[sflag:s0] =	ssyncset.done $0x0  }
0x347: {  	[sflag:s0] =	ssyncadd.s32 $0xFFFFEC00  }
0x348: {  	v0 =	vld [tilespmem:$0x18A80]  }
0x349: {  	v1 =	vld [tilespmem:$0x18A90]  }
0x34a: {  	v2 =	vld [tilespmem:$0x18A98]  }
.Ltmp4:
0x34b: {  	_ = 	snop;
	(pc) =	sbr.rel @p1 .LBB2_12-.Ltmp4, $4  }
.Ltmp5:
0x34c: {  	_ = 	snop;
	(pc) =	sbr.rel @!p1 .LBB2_11-.Ltmp5, $4  }
0x34d: {  	[tilespmem:$0x18B00] =	vst v0  }
0x34e: {  	[tilespmem:$0x18B10] =	vst v1  }
0x34f: {  	[tilespmem:$0x18B18] =	vst v2  }
0x350: {  	_ = 	snop  }
.LBB2_9:
0x351: {  	v0 =	vld [tilespmem:$0x18A80]  }
0x352: {  	v1 =	vld [tilespmem:$0x18A90]  }
0x353: {  	v2 =	vld [tilespmem:$0x18A98];
	_ =	sdelay $0x2  }
0x354: {  	[tilespmem:$0x18B00] =	vst v0  }
0x355: {  	[tilespmem:$0x18B10] =	vst v1  }
0x356: {  	[tilespmem:$0x18B18] =	vst v2  }
.LBB2_11:
0x357: {  	s28 =	sld [smem:$0x7F3]  }
0x358: {  	s0 =	smul.u32 $0x50, s1  }
0x359: {  	s29 =	sld [smem:$0x7EE]  }
0x35a: {  	s0 =	sadd.s32 s0, s28  }
0x35b: {  	s30 =	sld [smem:$0x7F0];
	s0 =	sshrl.u32 s0, $0x3  }
0x35c: {  	s2 =	simm.s32 $0x0;
	s3 =	simm.s32 $0x18A00;
	s1 =	sadd.s32 s29, s0  }
0x35d: {  	[tilespmem:s3], [sflag:$0x4] =	stream.linear.gather [hbm4b:s1+s2], $0x28, $0x38;
	[tilespmem:$0x1DB80] =	vst v63  }
0x35e: {  	s31 =	simm.s32 $0x18A80;
	s0 =	sadd.s32 s30, s0  }
0x35f: {  	[tilespmem:s31], [sflag:$0x4] =	stream.linear.gather [hbm4b:s0+s2], $0x28, $0x38;
	[tilespmem:$0x1DB80] =	vst v63  }
.LBB2_12:
0x360: {  	s1 =	simm.s32 $0x0  }
0x361: {  	s2 =	simm.s32 $0x180;
	s3 =	sand.u32 $0x3800, s1  }
0x362: {  	s0 =	simm.s32 $0x1B480;
	s2 =	sand.u32 $0x380, s2;
	s3 =	sadd.s32 $0x18B80, s3  }
0x363: {  	v0 =	vld [tilespmem:s0+$0x80];
	s2 =	sadd.s32 s2, s3  }
0x364: {  	v1 =	vld [tilespmem:s2+$0x0]  }
0x365: {  	v2 =	vld [tilespmem:s0+$0x90]  }
0x366: {  	v3 =	vld [tilespmem:s2+$0x10]  }
0x367: {  	v5 =	vld [tilespmem:s0+$0xA0]  }
0x368: {  	v6 =	vld [tilespmem:s2+$0x20]  }
0x369: {  	v7 =	vld [tilespmem:s2+$0x30];
	v0 =	vmul.f32 v0, v1  }
0x36a: {  	v1 =	vld [tilespmem:s0+$0xB0]  }
0x36b: {  	v8 =	vld [tilespmem:s2+$0x40];
	v2 =	vmul.f32 v2, v3;
	v0 =	vadd.f32 $0.0e+00, v0  }
0x36c: {  	v3 =	vld [tilespmem:s0+$0xC0]  }
0x36d: {  	v0 =	vadd.f32 v2, v0;
	v2 =	vmul.f32 v5, v6;
	v5 =	vld [tilespmem:s0+$0xD0]  }
0x36e: {  	v6 =	vld [tilespmem:s2+$0x50]  }
0x36f: {  	v1 =	vmul.f32 v1, v7;
	v7 =	vld [tilespmem:s2+$0x60];
	v0 =	vadd.f32 v2, v0  }
0x370: {  	v2 =	vld [tilespmem:s0+$0xE0]  }
0x371: {  	v0 =	vadd.f32 v1, v0;
	v1 =	vmul.f32 v3, v8;
	v3 =	vld [tilespmem:s0+$0xF0]  }
0x372: {  	v8 =	vld [tilespmem:s2+$0x70]  }
0x373: {  	v0 =	vadd.f32 v1, v0;
	v1 =	vmul.f32 v5, v6;
	_ =	sdelay $0x1  }
0x374: {  	v0 =	vadd.f32 v1, v0;
	v1 =	vmul.f32 v2, v7;
	_ =	sdelay $0x1  }
0x375: {  	v11 =	vld [tilespmem:s0+$0xFFFFFF90];
	v0 =	vadd.f32 v1, v0;
	v1 =	vmul.f32 v3, v8  }
0x376: {  	v12 =	vld [tilespmem:s0+$0x10]  }
0x377: {  	v17 =	vld [tilespmem:s0+$0xFFFFFF20];
	v0 =	vadd.f32 v1, v0  }
0x378: {  	v18 =	vld [tilespmem:s0+$0xFFFFFFA0]  }
0x379: {  	v19 =	vld [tilespmem:s0+$0x20];
	v1 =	vperm.xlane v0, v4  }
0x37a: {  	v24 =	vld [tilespmem:s0+$0xFFFFFF30]  }
0x37b: {  	v25 =	vld [tilespmem:s0+$0xFFFFFFB0];
	v0 =	vadd.f32 v0, v1  }
0x37c: {  	v26 =	vld [tilespmem:s0+$0x30]  }
0x37d: {  	v30 =	vld [tilespmem:s0+$0xFFFFFF40];
	v0 =	vmul.f32 $2.500000000e-01, v0  }
0x37e: {  	v31 =	vld [tilespmem:s0+$0xFFFFFFC0]  }
0x37f: {  	v32 =	vld [tilespmem:s0+$0x40];
	v0 =	vmax.f32 v0, $-5.000000000e+00  }
0x380: {  	v36 =	vld [tilespmem:s0+$0xFFFFFF50];
	v0 =	vmin.f32 v0, $5.000000000e+00  }
0x381: {  	v37 =	vld [tilespmem:s0+$0xFFFFFFD0];
	v0 =	vmul.f32 $1.442695020e+00, v0  }
0x382: {  	s13 =	simm.s32 $0x0;
	v38 =	vld [tilespmem:s0+$0x50]  }
0x383: {  	s16 =	sand.u32 $0x7, s1;
	v42 =	vld [tilespmem:s0+$0xFFFFFF60];
	s2 =	sand.u32 $0x200, s13;
	(erf) = vpow2.f32 v0  }
0x384: {  	v43 =	vld [tilespmem:s0+$0xFFFFFFE0];
	s14 =	sadd.s32 s2, s3;
	s2 =	sshll.u32 s16, $0x7  }
0x385: {  	v44 =	vld [tilespmem:s0+$0x60];
	s17 =	sadd.s32 $0x0, s2  }
0x386: {  	s4 =	simm.s32 $0x80;
	v48 =	vld [tilespmem:s0+$0xFFFFFF70];
	s2 =	sadd.s32 $0x180, s17  }
0x387: {  	s6 =	simm.s32 $0x100;
	s5 =	sand.u32 $0x280, s4;
	v49 =	vld [tilespmem:s0+$0xFFFFFFF0];
	s7 =	sor.u32 $0x400, s2  }
0x388: {  	s15 =	sand.u32 $0x300, s6;
	s5 =	sadd.s32 s5, s3;
	v14 =	vld [tilespmem:s7+$0x18B80]  }
0x389: {  	s6 =	sadd.s32 s15, s3;
	v9 =	vld [tilespmem:s5+$0x10]  }
0x38a: {  	v10 =	vld [tilespmem:s6+$0x10]  }
0x38b: {  	v15 =	vld [tilespmem:s5+$0x20]  }
0x38c: {  	v16 =	vld [tilespmem:s6+$0x20];
	v23 =	vpop (erf)  }
0x38d: {  	v21 =	vld [tilespmem:s5+$0x30];
	v14 =	vmul.f32 v23, v14  }
0x38e: {  	s29 =	simm.s32 $0x1C880;
	v22 =	vld [tilespmem:s6+$0x30]  }
0x38f: {  	v28 =	vld [tilespmem:s5+$0x40];
	s18 =	sor.u32 $0x410, s2;
	[tilespmem:s29+$0x80] =	vst v14  }
0x390: {  	v14 =	vld [tilespmem:s18+$0x18B80]  }
0x391: {  	v29 =	vld [tilespmem:s6+$0x40]  }
0x392: {  	v34 =	vld [tilespmem:s5+$0x50]  }
0x393: {  	v35 =	vld [tilespmem:s6+$0x50]  }
0x394: {  	v40 =	vld [tilespmem:s5+$0x60]  }
0x395: {  	v41 =	vld [tilespmem:s6+$0x60];
	v14 =	vmul.f32 v23, v14  }
0x396: {  	v46 =	vld [tilespmem:s5+$0x70]  }
0x397: {  	v47 =	vld [tilespmem:s6+$0x70];
	s19 =	sor.u32 $0x420, s2;
	[tilespmem:s29+$0x90] =	vst v14  }
0x398: {  	v14 =	vld [tilespmem:s19+$0x18B80]  }
0x399: {  	v5 =	vld [tilespmem:s6+$0x0]  }
0x39a: {  	v6 =	vld [tilespmem:s0+$0xFFFFFF80]  }
0x39b: {  	v13 =	vld [tilespmem:s14+$0x20]  }
0x39c: {  	v20 =	vld [tilespmem:s14+$0x30]  }
0x39d: {  	v2 =	vld [tilespmem:s0+$0xFFFFFF00];
	v14 =	vmul.f32 v23, v14  }
0x39e: {  	v7 =	vld [tilespmem:s0+$0x0]  }
0x39f: {  	s20 =	sor.u32 $0x430, s2;
	v3 =	vld [tilespmem:s5+$0x0];
	[tilespmem:s29+$0xA0] =	vst v14  }
0x3a0: {  	v14 =	vld [tilespmem:s20+$0x18B80]  }
0x3a1: {  	v1 =	vld [tilespmem:s14+$0x0]  }
0x3a2: {  	v8 =	vld [tilespmem:s14+$0x10]  }
0x3a3: {  	v0 =	vld [tilespmem:s0+$0xFFFFFF10]  }
0x3a4: {  	v27 =	vld [tilespmem:s14+$0x40]  }
0x3a5: {  	s22 =	simm.s32 $0x400;
	v33 =	vld [tilespmem:s14+$0x50];
	v14 =	vmul.f32 v23, v14  }
0x3a6: {  	s24 =	simm.s32 $0x380;
	s4 =	sand.u32 $0x3800, s22;
	v1 =	vmul.f32 v2, v1;
	v2 =	vld [tilespmem:s0+$0x70];
	s0 =	simm.s32 $0x1B680  }
0x3a7: {  	s4 =	sadd.s32 $0x18B80, s4;
	s21 =	sor.u32 $0x440, s2;
	s5 =	sand.u32 $0x380, s24;
	v5 =	vmul.f32 v7, v5;
	v7 =	vld [tilespmem:s0+$0x80];
	[tilespmem:s29+$0xB0] =	vst v14  }
0x3a8: {  	s5 =	sadd.s32 s5, s4;
	v3 =	vmul.f32 v6, v3;
	v1 =	vadd.f32 $0.0e+00, v1;
	v0 =	vmul.f32 v0, v8;
	v14 =	vld [tilespmem:s21+$0x18B80]  }
0x3a9: {  	v5 =	vadd.f32 $0.0e+00, v5;
	v8 =	vmul.f32 v11, v9;
	v9 =	vld [tilespmem:s5+$0x0]  }
0x3aa: {  	v39 =	vld [tilespmem:s14+$0x60];
	v3 =	vadd.f32 $0.0e+00, v3;
	v0 =	vadd.f32 v0, v1;
	v1 =	vmul.f32 v12, v10  }
0x3ab: {  	v11 =	vld [tilespmem:s0+$0x90];
	v10 =	vmul.f32 v17, v13  }
0x3ac: {  	v3 =	vadd.f32 v8, v3;
	v12 =	vld [tilespmem:s5+$0x10];
	v1 =	vadd.f32 v1, v5;
	v5 =	vmul.f32 v19, v16  }
0x3ad: {  	v8 =	vmul.f32 v18, v15;
	v0 =	vadd.f32 v10, v0;
	v10 =	vld [tilespmem:s0+$0xA0];
	v14 =	vmul.f32 v14, v23  }
0x3ae: {  	v1 =	vadd.f32 v5, v1;
	v5 =	vmul.f32 v7, v9;
	v7 =	vld [tilespmem:s0+$0xB0]  }
0x3af: {  	v13 =	vmul.f32 v25, v21;
	v3 =	vadd.f32 v8, v3;
	v8 =	vmul.f32 v24, v20;
	[tilespmem:s29+$0xC0] =	vst v14;
	v14 =	vld [tilespmem:s5+$0x20]  }
0x3b0: {  	s23 =	sor.u32 $0x450, s2;
	v9 =	vld [tilespmem:s5+$0x30]  }
0x3b1: {  	v0 =	vadd.f32 v8, v0;
	v8 =	vmul.f32 v26, v22;
	v3 =	vadd.f32 v13, v3;
	v6 =	vld [tilespmem:s23+$0x18B80]  }
0x3b2: {  	v16 =	vld [tilespmem:s5+$0x40];
	v13 =	vmul.f32 v30, v27;
	v11 =	vmul.f32 v11, v12;
	v5 =	vadd.f32 $0.0e+00, v5  }
0x3b3: {  	v15 =	vmul.f32 v32, v29;
	v12 =	vld [tilespmem:s0+$0xC0];
	v1 =	vadd.f32 v8, v1;
	v8 =	vmul.f32 v31, v28  }
0x3b4: {  	v0 =	vadd.f32 v13, v0;
	v13 =	vld [tilespmem:s5+$0x50];
	v5 =	vadd.f32 v11, v5;
	v10 =	vmul.f32 v10, v14  }
0x3b5: {  	v11 =	vld [tilespmem:s0+$0xD0];
	v3 =	vadd.f32 v8, v3;
	v1 =	vadd.f32 v15, v1;
	v8 =	vmul.f32 v36, v33  }
0x3b6: {  	v45 =	vld [tilespmem:s14+$0x70];
	v7 =	vmul.f32 v7, v9;
	v6 =	vmul.f32 v6, v23;
	v5 =	vadd.f32 v10, v5  }
0x3b7: {  	v9 =	vld [tilespmem:s0+$0xE0];
	v0 =	vadd.f32 v8, v0;
	v8 =	vmul.f32 v38, v35;
	[tilespmem:$0x1FF00] =	vst v23;
	v14 =	vmul.f32 v37, v34  }
0x3b8: {  	s25 =	sor.u32 $0x460, s2;
	[tilespmem:s29+$0xD0] =	vst v6;
	v5 =	vadd.f32 v7, v5;
	v7 =	vmul.f32 v12, v16  }
0x3b9: {  	v1 =	vadd.f32 v8, v1;
	v3 =	vadd.f32 v14, v3;
	v14 =	vld [tilespmem:s25+$0x18B80]  }
0x3ba: {  	v5 =	vadd.f32 v7, v5;
	v7 =	vmul.f32 v11, v13;
	v11 =	vmul.f32 v44, v41;
	_ =	sdelay $0x1  }
0x3bb: {  	v2 =	vmul.f32 v2, v47;
	v1 =	vadd.f32 v11, v1  }
0x3bc: {  	v15 =	vmul.f32 v42, v39;
	v10 =	vld [tilespmem:s5+$0x60]  }
0x3bd: {  	v8 =	vmul.f32 v43, v40;
	v6 =	vld [tilespmem:s5+$0x70];
	v1 =	vadd.f32 v2, v1;
	v2 =	vmul.f32 v14, v23  }
0x3be: {  	p1 =	por $0x0, $0x0;
	s5 =	simm.s32 $0x1;
	v12 =	vld [tilespmem:s0+$0xF0]  }
0x3bf: {  	s1 =	sand.u32 $0x3, s1;
	s2 =	sor.u32 $0x470, s2;
	v0 =	vadd.f32 v15, v0;
	v3 =	vadd.f32 v8, v3;
	v8 =	vmul.f32 v48, v45;
	s5 =	simm.s32 @!p1 $0x0;
	[tilespmem:s29+$0xE0] =	vst v2  }
0x3c0: {  	s1 =	sshll.u32 s1, $0x8;
	s8 =	sadd.s32 $0x80, s17;
	s26 =	sshll.u32 s5, $0x9;
	v13 =	vmul.f32 v49, v46;
	v2 =	vld [tilespmem:s2+$0x18B80]  }
0x3c1: {  	s1 =	sadd.s32 $0x0, s1;
	s5 =	sor.u32 $0x400, s8;
	v0 =	vadd.f32 v8, v0;
	s10 =	sadd.s32 $0x0, s26;
	v5 =	vadd.f32 v7, v5;
	v7 =	vmul.f32 v9, v10  }
0x3c2: {  	s9 =	sadd.s32 $0x100, s1;
	v15 =	vld [tilespmem:s5+$0x18B80];
	s7 =	sor.u32 $0x400, s10;
	v3 =	vadd.f32 v13, v3  }
0x3c3: {  	s11 =	simm.s32 $0x200;
	s6 =	sor.u32 $0x400, s9;
	v8 =	vperm.xlane v0, v4;
	v6 =	vmul.f32 v12, v6;
	v12 =	vld [tilespmem:s7+$0x18B80];
	v5 =	vadd.f32 v7, v5  }
0x3c4: {  	s12 =	simm.s32 $0x280;
	s1 =	sand.u32 $0x200, s11;
	v7 =	vld [tilespmem:s6+$0x18B80];
	v9 =	vperm.xlane v3, v4  }
0x3c5: {  	s15 =	sadd.s32 s1, s4;
	s13 =	sand.u32 $0x280, s12;
	s14 =	simm.s32 $0x300;
	v5 =	vadd.f32 v6, v5;
	v6 =	vadd.f32 v0, v8;
	v8 =	vperm.xlane v1, v4;
	v0 =	vld [tilespmem:s0+$0xFFFFFF00];
	[tilespmem:$0x1FF10] =	vst v2  }
0x3c6: {  	s16 =	sand.u32 $0x300, s14;
	v3 =	vadd.f32 v3, v9;
	s2 =	sadd.s32 s13, s4;
	v2 =	vld [tilespmem:s15+$0x0]  }
0x3c7: {  	s3 =	sadd.s32 s16, s4;
	v9 =	vperm.xlane v5, v4;
	v8 =	vadd.f32 v1, v8;
	v1 =	vld [tilespmem:s2+$0x0]  }
0x3c8: {  	v10 =	vmul.f32 $2.500000000e-01, v3;
	v3 =	vld [tilespmem:s3+$0x0]  }
0x3c9: {  	v5 =	vadd.f32 v5, v9;
	v9 =	vmul.f32 $2.500000000e-01, v8;
	v8 =	vld [tilespmem:s0+$0xFFFFFF80]  }
0x3ca: {  	v18 =	vld [tilespmem:s0+$0x0]  }
0x3cb: {  	v6 =	vmul.f32 $2.500000000e-01, v6;
	v11 =	vld [tilespmem:s15+$0x10]  }
0x3cc: {  	v38 =	vld [tilespmem:s0+$0xFFFFFF10]  }
0x3cd: {  	v6 =	vmax.f32 v6, $-5.000000000e+00;
	v28 =	vld [tilespmem:s0+$0xFFFFFF90]  }
0x3ce: {  	v10 =	vmax.f32 v10, $-5.000000000e+00;
	v6 =	vmin.f32 v6, $5.000000000e+00;
	v5 =	vmul.f32 $2.500000000e-01, v5;
	v30 =	vld [tilespmem:s0+$0x10]  }
0x3cf: {  	v10 =	vmin.f32 v10, $5.000000000e+00;
	v6 =	vmul.f32 $1.442695020e+00, v6;
	v9 =	vmax.f32 v9, $-5.000000000e+00;
	v32 =	vld [tilespmem:s15+$0x20]  }
0x3d0: {  	v10 =	vmul.f32 $1.442695020e+00, v10;
	v9 =	vmin.f32 v9, $5.000000000e+00;
	v31 =	vld [tilespmem:s2+$0x20];
	v5 =	vmax.f32 v5, $-5.000000000e+00  }
0x3d1: {  	v22 =	vld [tilespmem:s3+$0x20];
	v13 =	vmul.f32 $1.442695020e+00, v9;
	(erf) = vpow2.f32 v6;
	v5 =	vmin.f32 v5, $5.000000000e+00  }
0x3d2: {  	v52 =	vld [tilespmem:s0+$0xFFFFFF20];
	(erf) = vpow2.f32 v10;
	v5 =	vmul.f32 $1.442695020e+00, v5  }
0x3d3: {  	s17 =	simm.s32 $0x4;
	v50 =	vld [tilespmem:s0+$0xFFFFFFA0];
	(erf) = vpow2.f32 v13  }
0x3d4: {  	s1 =	sand.u32 $0x7, s17;
	v44 =	vld [tilespmem:s0+$0x20];
	(erf) = vpow2.f32 v5  }
0x3d5: {  	s1 =	sshll.u32 s1, $0x7;
	v39 =	vld [tilespmem:s15+$0x30]  }
0x3d6: {  	s18 =	sadd.s32 $0x400, s1;
	v43 =	vld [tilespmem:s2+$0x30]  }
0x3d7: {  	s1 =	sadd.s32 $0x180, s18;
	v40 =	vld [tilespmem:s3+$0x30]  }
0x3d8: {  	s19 =	sor.u32 $0x400, s1;
	v53 =	vld [tilespmem:s0+$0xFFFFFF30]  }
0x3d9: {  	v6 =	vld [tilespmem:s19+$0x18B80]  }
0x3da: {  	v54 =	vld [tilespmem:s0+$0xFFFFFFB0];
	v14 =	vpop (erf)  }
0x3db: {  	v55 =	vld [tilespmem:s0+$0x30];
	v13 =	vpop (erf)  }
0x3dc: {  	v48 =	vld [tilespmem:s15+$0x40];
	v5 =	vpop (erf)  }
0x3dd: {  	v36 =	vld [tilespmem:s2+$0x40];
	v16 =	vpop (erf)  }
0x3de: {  	v33 =	vld [tilespmem:s3+$0x40];
	v6 =	vmul.f32 v16, v6  }
0x3df: {  	s24 =	simm.s32 $0x1CA80;
	v56 =	vld [tilespmem:s0+$0xFFFFFF40]  }
0x3e0: {  	s20 =	sor.u32 $0x410, s1;
	v45 =	vld [tilespmem:s0+$0xFFFFFFC0];
	[tilespmem:s24+$0x80] =	vst v6  }
0x3e1: {  	v6 =	vld [tilespmem:s20+$0x18B80]  }
0x3e2: {  	v51 =	vld [tilespmem:s0+$0x40]  }
0x3e3: {  	v49 =	vld [tilespmem:s15+$0x50]  }
0x3e4: {  	v37 =	vld [tilespmem:s2+$0x50]  }
0x3e5: {  	v20 =	vld [tilespmem:s3+$0x50]  }
0x3e6: {  	v57 =	vld [tilespmem:s0+$0xFFFFFF50];
	v6 =	vmul.f32 v16, v6  }
0x3e7: {  	v46 =	vld [tilespmem:s0+$0xFFFFFFD0]  }
0x3e8: {  	s21 =	sor.u32 $0x420, s1;
	v34 =	vld [tilespmem:s0+$0x50];
	[tilespmem:s24+$0x90] =	vst v6  }
0x3e9: {  	v6 =	vld [tilespmem:s21+$0x18B80]  }
0x3ea: {  	v35 =	vld [tilespmem:s15+$0x60]  }
0x3eb: {  	v19 =	vld [tilespmem:s2+$0x60]  }
0x3ec: {  	v41 =	vld [tilespmem:s0+$0xFFFFFF60]  }
0x3ed: {  	v24 =	vld [tilespmem:s0+$0xFFFFFFE0]  }
0x3ee: {  	v47 =	vld [tilespmem:s0+$0xFFFFFF70];
	v6 =	vmul.f32 v16, v6  }
0x3ef: {  	v42 =	vld [tilespmem:s0+$0xFFFFFFF0];
	v15 =	vmul.f32 v13, v15  }
0x3f0: {  	s22 =	sor.u32 $0x430, s1;
	v59 =	vld [tilespmem:s0+$0x70];
	[tilespmem:s24+$0xA0] =	vst v6  }
0x3f1: {  	s26 =	sor.u32 $0x410, s8;
	[tilespmem:s29+$0xFFFFFF80] =	vst v15;
	v17 =	vld [tilespmem:s22+$0x18B80]  }
0x3f2: {  	v26 =	vld [tilespmem:s26+$0x18B80]  }
0x3f3: {  	v9 =	vld [tilespmem:s2+$0x10]  }
0x3f4: {  	v10 =	vld [tilespmem:s3+$0x10]  }
0x3f5: {  	v25 =	vmul.f32 v14, v12;
	v12 =	vld [tilespmem:s0+$0x60]  }
0x3f6: {  	s7 =	simm.s32 $0x2;
	v27 =	vmul.f32 v5, v7;
	v7 =	vld [tilespmem:s3+$0x70];
	v21 =	vmul.f32 v16, v17  }
0x3f7: {  	s25 =	sor.u32 $0x410, s10;
	[tilespmem:s29+$0xFFFFFF00] =	vst v25;
	v26 =	vmul.f32 v13, v26;
	v6 =	vld [tilespmem:s3+$0x60];
	s3 =	sand.u32 $0x3, s7  }
0x3f8: {  	s23 =	sor.u32 $0x440, s1;
	v15 =	vld [tilespmem:s25+$0x18B80];
	s3 =	sshll.u32 s3, $0x8;
	[tilespmem:s24+$0xB0] =	vst v21  }
0x3f9: {  	s13 =	sor.u32 $0x420, s8;
	[tilespmem:s29+$0xFFFFFF90] =	vst v26;
	s3 =	sadd.s32 $0x400, s3;
	v25 =	vld [tilespmem:s23+$0x18B80]  }
0x3fa: {  	v26 =	vld [tilespmem:s13+$0x18B80];
	s13 =	sadd.s32 $0x100, s3  }
0x3fb: {  	v17 =	vld [tilespmem:s15+$0x70];
	s15 =	sor.u32 $0x400, s13  }
0x3fc: {  	s17 =	sadd.s32 $0x80, s18;
	v23 =	vld [tilespmem:s15+$0x18B80]  }
0x3fd: {  	p1 =	por !p1, !p1;
	s6 =	sor.u32 $0x410, s9;
	[tilespmem:s29+$0x0] =	vst v27;
	v15 =	vmul.f32 v14, v15;
	v21 =	vld [tilespmem:s2+$0x70];
	s2 =	simm.s32 $0x1  }
0x3fe: {  	s14 =	sor.u32 $0x400, s17;
	v0 =	vmul.f32 v0, v2;
	v27 =	vld [tilespmem:s6+$0x18B80];
	s2 =	simm.s32 @!p1 $0x0;
	v25 =	vmul.f32 v25, v16  }
0x3ff: {  	s12 =	sor.u32 $0x420, s10;
	[tilespmem:s29+$0xFFFFFF10] =	vst v15;
	v15 =	vld [tilespmem:s14+$0x18B80];
	s2 =	sshll.u32 s2, $0x9  }
0x400: {  	s11 =	sor.u32 $0x450, s1;
	v2 =	vmul.f32 v18, v3;
	v3 =	vmul.f32 v38, v11;
	v0 =	vadd.f32 $0.0e+00, v0;
	v58 =	vld [tilespmem:s12+$0x18B80];
	s18 =	sadd.s32 $0x400, s2;
	[tilespmem:s24+$0xC0] =	vst v25  }
0x401: {  	v1 =	vmul.f32 v8, v1;
	s2 =	sor.u32 $0x400, s18;
	v63 =	vld [tilespmem:s11+$0x18B80];
	[tilespmem:$0x1FEB0] =	vst v23  }
0x402: {  	v9 =	vmul.f32 v28, v9;
	v0 =	vadd.f32 v3, v0;
	v3 =	vmul.f32 v30, v10;
	s26 =	simm.s32 $0x1B880;
	v29 =	vld [tilespmem:s2+$0x18B80]  }
0x403: {  	v1 =	vadd.f32 $0.0e+00, v1;
	v10 =	vmul.f32 v52, v32;
	v27 =	vmul.f32 v5, v27;
	s21 =	simm.s32 $0x800;
	v8 =	vld [tilespmem:s26+$0x80]  }
0x404: {  	v2 =	vadd.f32 $0.0e+00, v2;
	s25 =	sand.u32 $0x3800, s21;
	s23 =	simm.s32 $0x580;
	v18 =	vld [tilespmem:s26+$0x90]  }
0x405: {  	s16 =	sor.u32 $0x420, s9;
	v1 =	vadd.f32 v9, v1;
	v9 =	vmul.f32 v50, v31;
	v0 =	vadd.f32 v10, v0;
	s4 =	sadd.s32 $0x18B80, s25;
	[tilespmem:s29+$0x10] =	vst v27;
	s2 =	sand.u32 $0x380, s23;
	v10 =	vld [tilespmem:s26+$0xA0]  }
0x406: {  	v2 =	vadd.f32 v3, v2;
	v3 =	vmul.f32 v44, v22;
	v27 =	vmul.f32 v14, v58;
	v58 =	vld [tilespmem:s16+$0x18B80];
	s2 =	sadd.s32 s2, s4  }
0x407: {  	v1 =	vadd.f32 v9, v1;
	v9 =	vmul.f32 v53, v39;
	v11 =	vld [tilespmem:s2+$0x0]  }
0x408: {  	v22 =	vmul.f32 v54, v43;
	v2 =	vadd.f32 v3, v2;
	v3 =	vmul.f32 v55, v40;
	v38 =	vld [tilespmem:s2+$0x10]  }
0x409: {  	v0 =	vadd.f32 v9, v0;
	v9 =	vmul.f32 v56, v48;
	v44 =	vld [tilespmem:s2+$0x20];
	v60 =	vmul.f32 v63, v16  }
0x40a: {  	v50 =	vmul.f32 v45, v36;
	v1 =	vadd.f32 v22, v1;
	v22 =	vld [tilespmem:s2+$0x30]  }
0x40b: {  	s19 =	sor.u32 $0x460, s1;
	v2 =	vadd.f32 v3, v2;
	v0 =	vadd.f32 v9, v0;
	v9 =	vmul.f32 v51, v33;
	v51 =	vld [tilespmem:s2+$0x40];
	[tilespmem:s24+$0xD0] =	vst v60  }
0x40c: {  	v61 =	vld [tilespmem:s19+$0x18B80];
	v8 =	vmul.f32 v8, v11  }
0x40d: {  	v1 =	vadd.f32 v50, v1;
	v2 =	vadd.f32 v9, v2;
	v9 =	vmul.f32 v46, v37;
	v11 =	vld [tilespmem:s26+$0xB0]  }
0x40e: {  	v20 =	vmul.f32 v34, v20;
	v53 =	vld [tilespmem:s2+$0x50];
	v3 =	vadd.f32 $0.0e+00, v8;
	v8 =	vmul.f32 v18, v38  }
0x40f: {  	v1 =	vadd.f32 v9, v1;
	v9 =	vmul.f32 v5, v58;
	v18 =	vld [tilespmem:s26+$0xC0]  }
0x410: {  	v2 =	vadd.f32 v20, v2;
	v20 =	vld [tilespmem:s2+$0x70];
	v3 =	vadd.f32 v8, v3;
	v8 =	vmul.f32 v10, v44  }
0x411: {  	[tilespmem:s29+$0x20] =	vst v9;
	v10 =	vld [tilespmem:s26+$0xD0];
	v9 =	vmul.f32 v61, v16  }
0x412: {  	v3 =	vadd.f32 v8, v3;
	v8 =	vmul.f32 v11, v22;
	v11 =	vld [tilespmem:s26+$0xE0]  }
0x413: {  	s1 =	sor.u32 $0x470, s1;
	v19 =	vmul.f32 v24, v19;
	v52 =	vmul.f32 v57, v49;
	v22 =	vld [tilespmem:s2+$0x60];
	[tilespmem:s24+$0xE0] =	vst v9  }
0x414: {  	v6 =	vmul.f32 v12, v6;
	v3 =	vadd.f32 v8, v3;
	v8 =	vmul.f32 v18, v51;
	v12 =	vld [tilespmem:s1+$0x18B80]  }
0x415: {  	v54 =	vmul.f32 v41, v35;
	v0 =	vadd.f32 v52, v0;
	v60 =	vmul.f32 v13, v26;
	v18 =	vld [tilespmem:s26+$0xF0]  }
0x416: {  	s20 =	sor.u32 $0x430, s10;
	v28 =	vld [tilespmem:s26+$0xFFFFFF00];
	[tilespmem:s29+$0xFFFFFF20] =	vst v27;
	v3 =	vadd.f32 v8, v3;
	v8 =	vmul.f32 v10, v53  }
0x417: {  	s6 =	simm.s32 $0x400;
	v0 =	vadd.f32 v54, v0;
	v1 =	vadd.f32 v19, v1;
	s22 =	sor.u32 $0x430, s8;
	v26 =	vld [tilespmem:s20+$0x18B80];
	[tilespmem:s29+$0xFFFFFFA0] =	vst v60;
	v10 =	vmul.f32 v47, v17  }
0x418: {  	s5 =	sor.u32 $0x430, s9;
	s7 =	simm.s32 $0x480;
	v27 =	vld [tilespmem:s22+$0x18B80];
	s2 =	sand.u32 $0x200, s6;
	v9 =	vmul.f32 v42, v21;
	v3 =	vadd.f32 v8, v3;
	v8 =	vmul.f32 v11, v22  }
0x419: {  	s12 =	simm.s32 $0x500;
	v2 =	vadd.f32 v6, v2;
	v6 =	vmul.f32 v59, v7;
	s11 =	sand.u32 $0x280, s7;
	v30 =	vld [tilespmem:s5+$0x18B80];
	s2 =	sadd.s32 s2, s4;
	v0 =	vadd.f32 v10, v0;
	[tilespmem:$0x1FF20] =	vst v12  }
0x41a: {  	s14 =	sand.u32 $0x300, s12;
	s3 =	sadd.s32 s11, s4;
	v1 =	vadd.f32 v9, v1;
	v7 =	vmul.f32 v18, v20;
	v24 =	vld [tilespmem:s2+$0x0];
	v3 =	vadd.f32 v8, v3  }
0x41b: {  	v2 =	vadd.f32 v6, v2;
	s4 =	sadd.s32 s14, s4;
	v25 =	vld [tilespmem:s3+$0x0];
	v8 =	vperm.xlane v0, v4  }
0x41c: {  	v6 =	vperm.xlane v1, v4;
	v31 =	vld [tilespmem:s4+$0x0];
	v3 =	vadd.f32 v7, v3  }
0x41d: {  	v32 =	vld [tilespmem:s26+$0xFFFFFF80];
	v0 =	vadd.f32 v0, v8;
	v7 =	vperm.xlane v2, v4  }
0x41e: {  	v1 =	vadd.f32 v1, v6;
	v34 =	vld [tilespmem:s26+$0x0];
	v6 =	vperm.xlane v3, v4  }
0x41f: {  	v33 =	vld [tilespmem:s2+$0x10];
	v0 =	vmul.f32 $2.500000000e-01, v0;
	v2 =	vadd.f32 v2, v7  }
0x420: {  	v36 =	vld [tilespmem:s3+$0x10];
	v1 =	vmul.f32 $2.500000000e-01, v1;
	v3 =	vadd.f32 v3, v6  }
0x421: {  	v35 =	vld [tilespmem:s4+$0x10];
	v0 =	vmax.f32 v0, $-5.000000000e+00;
	v2 =	vmul.f32 $2.500000000e-01, v2  }
0x422: {  	v41 =	vld [tilespmem:s26+$0xFFFFFF10];
	v1 =	vmax.f32 v1, $-5.000000000e+00;
	v0 =	vmin.f32 v0, $5.000000000e+00;
	v3 =	vmul.f32 $2.500000000e-01, v3  }
0x423: {  	v44 =	vld [tilespmem:s26+$0xFFFFFF90];
	v1 =	vmin.f32 v1, $5.000000000e+00;
	v0 =	vmul.f32 $1.442695020e+00, v0;
	v2 =	vmax.f32 v2, $-5.000000000e+00  }
0x424: {  	v50 =	vld [tilespmem:s26+$0x10];
	v1 =	vmul.f32 $1.442695020e+00, v1;
	v2 =	vmin.f32 v2, $5.000000000e+00;
	v3 =	vmax.f32 v3, $-5.000000000e+00  }
0x425: {  	v45 =	vld [tilespmem:s2+$0x20];
	v2 =	vmul.f32 $1.442695020e+00, v2;
	(erf) = vpow2.f32 v0;
	v0 =	vmin.f32 v3, $5.000000000e+00  }
0x426: {  	v46 =	vld [tilespmem:s3+$0x20];
	(erf) = vpow2.f32 v1;
	v0 =	vmul.f32 $1.442695020e+00, v0  }
0x427: {  	s15 =	simm.s32 $0x8;
	v47 =	vld [tilespmem:s4+$0x20];
	(erf) = vpow2.f32 v2  }
0x428: {  	s1 =	sand.u32 $0x7, s15;
	v21 =	vld [tilespmem:s26+$0xFFFFFF20];
	(erf) = vpow2.f32 v0  }
0x429: {  	s1 =	sshll.u32 s1, $0x7;
	v57 =	vld [tilespmem:s26+$0xFFFFFFA0]  }
0x42a: {  	s16 =	sadd.s32 $0x800, s1;
	v58 =	vld [tilespmem:s26+$0x20]  }
0x42b: {  	s1 =	sadd.s32 $0x180, s16;
	v23 =	vld [tilespmem:s2+$0x30]  }
0x42c: {  	s19 =	sor.u32 $0x400, s1;
	v59 =	vld [tilespmem:s3+$0x30]  }
0x42d: {  	v1 =	vld [tilespmem:s19+$0x18B80]  }
0x42e: {  	v53 =	vld [tilespmem:s4+$0x30];
	v8 =	vpop (erf)  }
0x42f: {  	v17 =	vld [tilespmem:s26+$0x30];
	v7 =	vpop (erf)  }
0x430: {  	v56 =	vld [tilespmem:s2+$0x40];
	v6 =	vpop (erf)  }
0x431: {  	v60 =	vld [tilespmem:s3+$0x40];
	v19 =	vpop (erf)  }
0x432: {  	v61 =	vld [tilespmem:s4+$0x40];
	v1 =	vmul.f32 v19, v1  }
0x433: {  	s25 =	simm.s32 $0x1CC80;
	v18 =	vld [tilespmem:s26+$0xFFFFFF40]  }
0x434: {  	s20 =	sor.u32 $0x410, s1;
	v10 =	vld [tilespmem:s26+$0xFFFFFFC0];
	[tilespmem:s25+$0x80] =	vst v1  }
0x435: {  	v9 =	vld [tilespmem:s20+$0x18B80]  }
0x436: {  	v12 =	vld [tilespmem:s26+$0x40]  }
0x437: {  	v22 =	vld [tilespmem:s2+$0x50]  }
0x438: {  	v54 =	vld [tilespmem:s3+$0x50]  }
0x439: {  	v52 =	vld [tilespmem:s4+$0x50]  }
0x43a: {  	v62 =	vld [tilespmem:s26+$0xFFFFFFD0];
	v11 =	vmul.f32 v19, v9  }
0x43b: {  	v20 =	vld [tilespmem:s26+$0x50]  }
0x43c: {  	s21 =	sor.u32 $0x420, s1;
	v63 =	vld [tilespmem:s2+$0x60];
	[tilespmem:s25+$0x90] =	vst v11  }
0x43d: {  	v55 =	vld [tilespmem:s21+$0x18B80]  }
0x43e: {  	v51 =	vld [tilespmem:s3+$0x60]  }
0x43f: {  	v38 =	vld [tilespmem:s4+$0x60]  }
0x440: {  	v39 =	vld [tilespmem:s26+$0x60]  }
0x441: {  	v42 =	vld [tilespmem:s2+$0x70]  }
0x442: {  	v40 =	vld [tilespmem:s3+$0x70];
	v37 =	vmul.f32 v19, v55  }
0x443: {  	v48 =	vld [tilespmem:s26+$0xFFFFFF70]  }
0x444: {  	s22 =	sor.u32 $0x430, s1;
	v49 =	vld [tilespmem:s26+$0xFFFFFFF0];
	[tilespmem:s25+$0xA0] =	vst v37  }
0x445: {  	v43 =	vld [tilespmem:s22+$0x18B80]  }
0x446: {  	s2 =	sadd.s32 $0x80, s16;
	v3 =	vld [tilespmem:s26+$0xFFFFFFB0]  }
0x447: {  	s23 =	sor.u32 $0x400, s2;
	v2 =	vld [tilespmem:s26+$0xFFFFFF30]  }
0x448: {  	v1 =	vld [tilespmem:s23+$0x18B80]  }
0x449: {  	v9 =	vld [tilespmem:s26+$0xFFFFFF50]  }
0x44a: {  	v11 =	vld [tilespmem:s26+$0xFFFFFF60];
	v0 =	vmul.f32 v19, v43  }
0x44b: {  	v55 =	vld [tilespmem:s26+$0xFFFFFFE0]  }
0x44c: {  	v29 =	vmul.f32 v8, v29;
	v37 =	vld [tilespmem:s4+$0x70];
	[tilespmem:s25+$0xB0] =	vst v0  }
0x44d: {  	v43 =	vld [tilespmem:s26+$0x70];
	[tilespmem:$0x1FED0] =	vst v1  }
0x44e: {  	[tilespmem:s24+$0xFFFFFF00] =	vst v29  }
0x44f: {  	v1 =	vld [tilespmem:$0x1FEB0];
	_ =	sdelay $0x3  }
0x450: {  	s26 =	sor.u32 $0x440, s1;
	v0 =	vmul.f32 v7, v15  }
0x451: {  	s4 =	sor.u32 $0x410, s18;
	v29 =	vld [tilespmem:s26+$0x18B80];
	v15 =	vmul.f32 v6, v1  }
0x452: {  	s5 =	sor.u32 $0x410, s17;
	s6 =	simm.s32 $0x4;
	[tilespmem:s24+$0xFFFFFF80] =	vst v0;
	v0 =	vmul.f32 v14, v26;
	v26 =	vld [tilespmem:s4+$0x18B80]  }
0x453: {  	s4 =	sand.u32 $0x3, s6;
	[tilespmem:s24+$0x0] =	vst v15;
	v15 =	vmul.f32 v13, v27;
	v27 =	vld [tilespmem:s5+$0x18B80]  }
0x454: {  	s4 =	sshll.u32 s4, $0x8;
	[tilespmem:s29+$0xFFFFFF30] =	vst v0;
	v0 =	vmul.f32 v5, v30  }
0x455: {  	s14 =	sadd.s32 $0x800, s4  }
0x456: {  	s3 =	sadd.s32 $0x100, s14;
	[tilespmem:s29+$0x30] =	vst v0;
	v0 =	vmul.f32 v29, v19  }
0x457: {  	s16 =	sor.u32 $0x400, s3  }
0x458: {  	[tilespmem:s25+$0xC0] =	vst v0;
	v0 =	vmul.f32 v7, v27;
	v27 =	vld [tilespmem:s16+$0x18B80]  }
0x459: {  	s11 =	sor.u32 $0x440, s10  }
0x45a: {  	s15 =	sor.u32 $0x440, s9;
	[tilespmem:s29+$0xFFFFFFB0] =	vst v15;
	v15 =	vld [tilespmem:s11+$0x18B80]  }
0x45b: {  	s7 =	sor.u32 $0x410, s13;
	v1 =	vld [tilespmem:s15+$0x18B80]  }
0x45c: {  	s12 =	sor.u32 $0x440, s8;
	v30 =	vld [tilespmem:s7+$0x18B80]  }
0x45d: {  	s19 =	sor.u32 $0x450, s1;
	v29 =	vld [tilespmem:s12+$0x18B80];
	[tilespmem:$0x1FEE0] =	vst v27  }
0x45e: {  	v27 =	vld [tilespmem:s19+$0x18B80]  }
0x45f: {  	[tilespmem:s24+$0xFFFFFF90] =	vst v0;
	v0 =	vmul.f32 v15, v14  }
0x460: {  	p1 =	por !p1, !p1;
	v26 =	vmul.f32 v8, v26;
	s5 =	simm.s32 $0x1  }
0x461: {  	s5 =	simm.s32 @!p1 $0x0;
	[tilespmem:s29+$0xFFFFFF40] =	vst v0;
	v0 =	vmul.f32 v1, v5  }
0x462: {  	s5 =	sshll.u32 s5, $0x9;
	[tilespmem:s24+$0xFFFFFF10] =	vst v26;
	v26 =	vmul.f32 v6, v30  }
0x463: {  	s20 =	sor.u32 $0x420, s18;
	s4 =	sadd.s32 $0x800, s5;
	[tilespmem:s29+$0x40] =	vst v0;
	v0 =	vmul.f32 v27, v19  }
0x464: {  	s11 =	sor.u32 $0x400, s4;
	v15 =	vld [tilespmem:s20+$0x18B80];
	[tilespmem:s24+$0x10] =	vst v26  }
0x465: {  	s22 =	sor.u32 $0x420, s13;
	v26 =	vmul.f32 v29, v13;
	[tilespmem:s25+$0xD0] =	vst v0;
	v0 =	vld [tilespmem:s11+$0x18B80]  }
0x466: {  	s21 =	sor.u32 $0x420, s17;
	v1 =	vld [tilespmem:s22+$0x18B80]  }
0x467: {  	s26 =	sor.u32 $0x450, s8;
	v29 =	vld [tilespmem:s21+$0x18B80];
	[tilespmem:s29+$0xFFFFFFC0] =	vst v26  }
0x468: {  	s23 =	sor.u32 $0x450, s10;
	v27 =	vld [tilespmem:s26+$0x18B80]  }
0x469: {  	s7 =	sor.u32 $0x450, s9;
	v26 =	vld [tilespmem:s23+$0x18B80];
	v15 =	vmul.f32 v8, v15  }
0x46a: {  	v30 =	vld [tilespmem:s7+$0x18B80];
	[tilespmem:$0x1FEC0] =	vst v0  }
0x46b: {  	[tilespmem:s24+$0xFFFFFF20] =	vst v15;
	v15 =	vmul.f32 v6, v1;
	_ =	sdelay $0x1  }
0x46c: {  	[tilespmem:s24+$0x20] =	vst v15;
	v15 =	vmul.f32 v27, v13;
	_ =	sdelay $0x1  }
0x46d: {  	s20 =	sor.u32 $0x460, s8;
	[tilespmem:s29+$0xFFFFFFD0] =	vst v15  }
0x46e: {  	s12 =	sor.u32 $0x460, s1;
	v29 =	vmul.f32 v7, v29;
	v15 =	vld [tilespmem:s20+$0x18B80]  }
0x46f: {  	s14 =	sor.u32 $0x430, s18;
	v26 =	vmul.f32 v26, v14;
	v0 =	vld [tilespmem:s12+$0x18B80]  }
0x470: {  	s15 =	sor.u32 $0x430, s17;
	v30 =	vmul.f32 v30, v5;
	[tilespmem:s24+$0xFFFFFFA0] =	vst v29;
	v1 =	vld [tilespmem:s14+$0x18B80]  }
0x471: {  	s19 =	sor.u32 $0x460, s10;
	[tilespmem:s29+$0xFFFFFF50] =	vst v26;
	v29 =	vld [tilespmem:s15+$0x18B80]  }
0x472: {  	s16 =	sor.u32 $0x430, s13;
	[tilespmem:s29+$0x50] =	vst v30;
	v27 =	vld [tilespmem:s19+$0x18B80]  }
0x473: {  	s21 =	sor.u32 $0x460, s9;
	v26 =	vld [tilespmem:s16+$0x18B80];
	[tilespmem:$0x1FEF0] =	vst v15  }
0x474: {  	v15 =	vld [tilespmem:s21+$0x18B80];
	_ =	sdelay $0x3  }
0x475: {  	s26 =	simm.s32 $0xC00;
	v0 =	vmul.f32 v0, v19  }
0x476: {  	s0 =	simm.s32 $0x780;
	s22 =	sand.u32 $0x3800, s26;
	[tilespmem:$0x1FF30] =	vst v15  }
0x477: {  	s30 =	simm.s32 $0x1BA80;
	s23 =	sadd.s32 $0x18B80, s22;
	s11 =	sand.u32 $0x380, s0;
	[tilespmem:s25+$0xE0] =	vst v0;
	v0 =	vmul.f32 v28, v24  }
0x478: {  	s12 =	sadd.s32 s11, s23;
	v24 =	vmul.f32 v32, v25;
	v25 =	vmul.f32 v34, v31;
	v30 =	vld [tilespmem:s30+$0x80]  }
0x479: {  	v31 =	vmul.f32 v41, v33;
	v32 =	vmul.f32 v44, v36;
	v36 =	vld [tilespmem:s12+$0x0];
	v0 =	vadd.f32 $0.0e+00, v0  }
0x47a: {  	v21 =	vmul.f32 v21, v45;
	v18 =	vmul.f32 v18, v56;
	v44 =	vld [tilespmem:s30+$0x90];
	v24 =	vadd.f32 $0.0e+00, v24  }
0x47b: {  	v41 =	vmul.f32 v50, v35;
	v45 =	vld [tilespmem:s12+$0x10];
	v25 =	vadd.f32 $0.0e+00, v25;
	v0 =	vadd.f32 v31, v0  }
0x47c: {  	v2 =	vmul.f32 v2, v23;
	v50 =	vmul.f32 v57, v46;
	v57 =	vld [tilespmem:s30+$0xA0];
	v24 =	vadd.f32 v32, v24  }
0x47d: {  	v23 =	vld [tilespmem:s12+$0x20];
	v25 =	vadd.f32 v41, v25;
	v0 =	vadd.f32 v21, v0;
	v21 =	vmul.f32 v58, v47  }
0x47e: {  	v3 =	vmul.f32 v3, v59;
	v30 =	vmul.f32 v30, v36;
	v24 =	vadd.f32 v50, v24;
	v58 =	vld [tilespmem:s30+$0xB0]  }
0x47f: {  	v21 =	vadd.f32 v21, v25;
	v0 =	vadd.f32 v2, v0;
	v2 =	vmul.f32 v17, v53;
	v17 =	vld [tilespmem:s12+$0x30]  }
0x480: {  	v59 =	vld [tilespmem:s30+$0xC0];
	v3 =	vadd.f32 v3, v24;
	v24 =	vadd.f32 $0.0e+00, v30;
	v25 =	vmul.f32 v44, v45  }
0x481: {  	v10 =	vmul.f32 v10, v60;
	v12 =	vmul.f32 v12, v61;
	v2 =	vadd.f32 v2, v21;
	v21 =	vld [tilespmem:s12+$0x40]  }
0x482: {  	v9 =	vmul.f32 v9, v22;
	v23 =	vmul.f32 v57, v23;
	v24 =	vadd.f32 v25, v24;
	v25 =	vld [tilespmem:s30+$0xD0]  }
0x483: {  	v22 =	vmul.f32 v62, v54;
	v0 =	vadd.f32 v18, v0;
	v3 =	vadd.f32 v10, v3;
	v10 =	vld [tilespmem:s12+$0x50]  }
0x484: {  	v18 =	vld [tilespmem:s30+$0xE0];
	v2 =	vadd.f32 v12, v2;
	v12 =	vadd.f32 v23, v24;
	v17 =	vmul.f32 v58, v17  }
0x485: {  	v11 =	vmul.f32 v11, v63;
	v0 =	vadd.f32 v9, v0;
	v9 =	vmul.f32 v20, v52;
	v20 =	vld [tilespmem:s12+$0x60]  }
0x486: {  	v3 =	vadd.f32 v22, v3;
	v22 =	vld [tilespmem:s12+$0x70];
	v12 =	vadd.f32 v17, v12;
	v17 =	vmul.f32 v59, v21  }
0x487: {  	v2 =	vadd.f32 v9, v2;
	v9 =	vmul.f32 v55, v51;
	v21 =	vld [tilespmem:s30+$0xF0]  }
0x488: {  	v0 =	vadd.f32 v11, v0;
	v10 =	vmul.f32 v25, v10;
	v11 =	vadd.f32 v17, v12  }
0x489: {  	v3 =	vadd.f32 v9, v3;
	v9 =	vmul.f32 v48, v42;
	v12 =	vmul.f32 v39, v38  }
0x48a: {  	v17 =	vmul.f32 v49, v40;
	v10 =	vadd.f32 v10, v11;
	v11 =	vmul.f32 v18, v20  }
0x48b: {  	s14 =	simm.s32 $0x600;
	v15 =	vld [tilespmem:s30+$0xFFFFFF00];
	v0 =	vadd.f32 v9, v0;
	v9 =	vmul.f32 v43, v37;
	v2 =	vadd.f32 v12, v2  }
0x48c: {  	s15 =	simm.s32 $0x680;
	s5 =	sand.u32 $0x200, s14;
	v61 =	vld [tilespmem:s30+$0xFFFFFF90];
	v3 =	vadd.f32 v17, v3;
	v10 =	vadd.f32 v11, v10;
	v11 =	vmul.f32 v21, v22  }
0x48d: {  	s11 =	simm.s32 $0x700;
	s7 =	sand.u32 $0x280, s15;
	s5 =	sadd.s32 s5, s23;
	v62 =	vld [tilespmem:s30+$0x10];
	v12 =	vperm.xlane v0, v4;
	v2 =	vadd.f32 v9, v2  }
0x48e: {  	s19 =	sand.u32 $0x300, s11;
	s16 =	sadd.s32 s7, s23;
	v33 =	vld [tilespmem:s5+$0x20];
	v17 =	vperm.xlane v3, v4;
	v10 =	vadd.f32 v11, v10  }
0x48f: {  	s6 =	sadd.s32 s19, s23;
	v34 =	vld [tilespmem:s16+$0x20];
	v0 =	vadd.f32 v0, v12;
	v11 =	vperm.xlane v2, v4  }
0x490: {  	v35 =	vld [tilespmem:s6+$0x20];
	v3 =	vadd.f32 v3, v17;
	v12 =	vperm.xlane v10, v4  }
0x491: {  	v63 =	vld [tilespmem:s30+$0xFFFFFF20];
	v0 =	vmul.f32 $2.500000000e-01, v0;
	v2 =	vadd.f32 v2, v11  }
0x492: {  	v46 =	vld [tilespmem:s30+$0xFFFFFF40];
	v3 =	vmul.f32 $2.500000000e-01, v3;
	v10 =	vadd.f32 v10, v12  }
0x493: {  	v54 =	vld [tilespmem:s30+$0x50];
	v0 =	vmax.f32 v0, $-5.000000000e+00;
	v2 =	vmul.f32 $2.500000000e-01, v2  }
0x494: {  	v56 =	vld [tilespmem:s16+$0x60];
	v0 =	vmin.f32 v0, $5.000000000e+00;
	v3 =	vmax.f32 v3, $-5.000000000e+00;
	v10 =	vmul.f32 $2.500000000e-01, v10  }
0x495: {  	s1 =	sor.u32 $0x470, s1;
	v60 =	vld [tilespmem:s30+$0xFFFFFF60];
	v0 =	vmul.f32 $1.442695020e+00, v0;
	v3 =	vmin.f32 v3, $5.000000000e+00;
	v2 =	vmax.f32 v2, $-5.000000000e+00  }
0x496: {  	v28 =	vld [tilespmem:s1+$0x18B80];
	v3 =	vmul.f32 $1.442695020e+00, v3;
	v2 =	vmin.f32 v2, $5.000000000e+00;
	v10 =	vmax.f32 v10, $-5.000000000e+00  }
0x497: {  	v41 =	vld [tilespmem:s30+$0x30];
	(erf) = vpow2.f32 v0;
	v2 =	vmul.f32 $1.442695020e+00, v2;
	v10 =	vmin.f32 v10, $5.000000000e+00  }
0x498: {  	v57 =	vld [tilespmem:s6+$0x60];
	(erf) = vpow2.f32 v3;
	v10 =	vmul.f32 $1.442695020e+00, v10  }
0x499: {  	s14 =	simm.s32 $0xC;
	v47 =	vld [tilespmem:s30+$0xFFFFFFC0];
	(erf) = vpow2.f32 v2  }
0x49a: {  	s20 =	sand.u32 $0x7, s14;
	v50 =	vld [tilespmem:s16+$0x50];
	(erf) = vpow2.f32 v10  }
0x49b: {  	s7 =	sshll.u32 s20, $0x7;
	v30 =	vld [tilespmem:s30+$0xFFFFFF10]  }
0x49c: {  	s7 =	sadd.s32 $0xC00, s7;
	v44 =	vld [tilespmem:s16+$0x40]  }
0x49d: {  	s15 =	sadd.s32 $0x180, s7;
	v45 =	vld [tilespmem:s6+$0x40]  }
0x49e: {  	s21 =	sor.u32 $0x400, s15;
	v53 =	vld [tilespmem:s30+$0xFFFFFFD0]  }
0x49f: {  	v59 =	vld [tilespmem:s21+$0x18B80]  }
0x4a0: {  	v23 =	vld [tilespmem:s5+$0x0];
	v11 =	vpop (erf)  }
0x4a1: {  	v24 =	vld [tilespmem:s16+$0x0];
	v10 =	vpop (erf)  }
0x4a2: {  	v52 =	vld [tilespmem:s30+$0xFFFFFF50];
	v12 =	vpop (erf)  }
0x4a3: {  	v51 =	vld [tilespmem:s6+$0x50];
	v17 =	vpop (erf)  }
0x4a4: {  	v55 =	vld [tilespmem:s5+$0x60];
	v42 =	vmul.f32 v17, v59  }
0x4a5: {  	v25 =	vld [tilespmem:s6+$0x0];
	s21 =	simm.s32 $0x1CE80  }
0x4a6: {  	s22 =	sor.u32 $0x410, s15;
	v48 =	vld [tilespmem:s30+$0x40];
	[tilespmem:s21+$0x80] =	vst v42  }
0x4a7: {  	v42 =	vld [tilespmem:s22+$0x18B80]  }
0x4a8: {  	v38 =	vld [tilespmem:s6+$0x30]  }
0x4a9: {  	v39 =	vld [tilespmem:s30+$0xFFFFFF30]  }
0x4aa: {  	v18 =	vld [tilespmem:s30+$0xFFFFFF80]  }
0x4ab: {  	v40 =	vld [tilespmem:s30+$0xFFFFFFB0]  }
0x4ac: {  	v21 =	vld [tilespmem:s16+$0x10];
	v42 =	vmul.f32 v17, v42  }
0x4ad: {  	v49 =	vld [tilespmem:s5+$0x50]  }
0x4ae: {  	s23 =	sor.u32 $0x420, s15;
	v0 =	vld [tilespmem:s30+$0xFFFFFFA0];
	[tilespmem:s21+$0x90] =	vst v42  }
0x4af: {  	v18 =	vmul.f32 v18, v24;
	v42 =	vld [tilespmem:s23+$0x18B80]  }
0x4b0: {  	v37 =	vld [tilespmem:s16+$0x30]  }
0x4b1: {  	v20 =	vld [tilespmem:s30+$0x0];
	v21 =	vmul.f32 v61, v21;
	v18 =	vadd.f32 $0.0e+00, v18  }
0x4b2: {  	v9 =	vld [tilespmem:s5+$0x10]  }
0x4b3: {  	v22 =	vld [tilespmem:s6+$0x10];
	v18 =	vadd.f32 v21, v18;
	v0 =	vmul.f32 v0, v34  }
0x4b4: {  	v15 =	vmul.f32 v15, v23;
	v23 =	vld [tilespmem:s30+$0xFFFFFFE0];
	v24 =	vmul.f32 v17, v42  }
0x4b5: {  	v3 =	vld [tilespmem:s30+$0x20];
	v0 =	vadd.f32 v0, v18;
	v18 =	vmul.f32 v40, v37  }
0x4b6: {  	v20 =	vmul.f32 v20, v25;
	v2 =	vld [tilespmem:s5+$0x30];
	[tilespmem:s21+$0xA0] =	vst v24  }
0x4b7: {  	v15 =	vadd.f32 $0.0e+00, v15;
	v9 =	vmul.f32 v30, v9;
	v0 =	vadd.f32 v18, v0;
	v18 =	vld [tilespmem:$0x1FEC0]  }
0x4b8: {  	v43 =	vld [tilespmem:s5+$0x40];
	v20 =	vadd.f32 $0.0e+00, v20;
	v22 =	vmul.f32 v62, v22  }
0x4b9: {  	v25 =	vld [tilespmem:s30+$0x60];
	v9 =	vadd.f32 v9, v15;
	v15 =	vmul.f32 v63, v33  }
0x4ba: {  	v61 =	vld [tilespmem:s5+$0x70];
	v20 =	vadd.f32 v22, v20  }
0x4bb: {  	v62 =	vld [tilespmem:s16+$0x70];
	v9 =	vadd.f32 v15, v9;
	v3 =	vmul.f32 v3, v35;
	v2 =	vmul.f32 v39, v2  }
0x4bc: {  	v63 =	vld [tilespmem:s6+$0x70];
	s6 =	sor.u32 $0x430, s15;
	v18 =	vmul.f32 v11, v18  }
0x4bd: {  	s5 =	simm.s32 $0x6;
	v3 =	vadd.f32 v3, v20;
	v2 =	vadd.f32 v2, v9;
	v9 =	vmul.f32 v41, v38;
	v21 =	vld [tilespmem:s6+$0x18B80]  }
0x4be: {  	v15 =	vld [tilespmem:s30+$0xFFFFFF70];
	s1 =	sand.u32 $0x3, s5;
	s5 =	sadd.s32 $0x80, s7;
	[tilespmem:s25+$0xFFFFFF00] =	vst v18  }
0x4bf: {  	s12 =	sor.u32 $0x400, s5;
	v3 =	vadd.f32 v9, v3;
	v9 =	vmul.f32 v47, v44;
	v18 =	vld [tilespmem:$0x1FED0]  }
0x4c0: {  	p1 =	por !p1, !p1;
	s1 =	sshll.u32 s1, $0x8;
	v22 =	vld [tilespmem:s12+$0x18B80];
	s6 =	simm.s32 $0x1  }
0x4c1: {  	s1 =	sadd.s32 $0xC00, s1;
	v0 =	vadd.f32 v9, v0;
	v9 =	vmul.f32 v52, v49;
	v24 =	vmul.f32 v46, v43;
	s6 =	simm.s32 @!p1 $0x0;
	v52 =	vld [tilespmem:$0x1FEE0]  }
0x4c2: {  	v40 =	vld [tilespmem:s30+$0xFFFFFFF0];
	s11 =	sshll.u32 s6, $0x9;
	s6 =	sadd.s32 $0x100, s1;
	v21 =	vmul.f32 v17, v21  }
0x4c3: {  	v1 =	vmul.f32 v8, v1;
	v42 =	vld [tilespmem:s30+$0x70];
	v2 =	vadd.f32 v24, v2;
	s16 =	sor.u32 $0x400, s6  }
0x4c4: {  	s20 =	sor.u32 $0x410, s4;
	v20 =	vld [tilespmem:s16+$0x18B80];
	[tilespmem:s21+$0xB0] =	vst v21;
	v18 =	vmul.f32 v10, v18  }
0x4c5: {  	s22 =	sor.u32 $0x440, s15;
	v2 =	vadd.f32 v9, v2;
	v9 =	vmul.f32 v7, v29;
	v21 =	vld [tilespmem:s20+$0x18B80];
	[tilespmem:s24+$0xFFFFFF30] =	vst v1  }
0x4c6: {  	s23 =	sor.u32 $0x410, s2;
	s7 =	sadd.s32 $0xC00, s11;
	v36 =	vmul.f32 v12, v52;
	[tilespmem:s25+$0xFFFFFF80] =	vst v18;
	v18 =	vmul.f32 v53, v50;
	v53 =	vld [tilespmem:s22+$0x18B80]  }
0x4c7: {  	s19 =	sor.u32 $0x400, s7;
	v1 =	vmul.f32 v6, v26;
	[tilespmem:s24+$0xFFFFFFB0] =	vst v9;
	v59 =	vld [tilespmem:s23+$0x18B80]  }
0x4c8: {  	s12 =	sor.u32 $0x410, s3;
	v24 =	vld [tilespmem:s19+$0x18B80];
	v9 =	vmul.f32 v27, v14;
	[tilespmem:s25+$0x0] =	vst v36;
	v0 =	vadd.f32 v18, v0;
	v18 =	vmul.f32 v60, v55  }
0x4c9: {  	s16 =	sor.u32 $0x440, s18;
	[tilespmem:s24+$0x30] =	vst v1;
	v26 =	vld [tilespmem:s12+$0x18B80]  }
0x4ca: {  	v27 =	vld [tilespmem:s16+$0x18B80];
	[tilespmem:s29+$0xFFFFFF60] =	vst v9;
	s22 =	sor.u32 $0x470, s10;
	v1 =	vadd.f32 v18, v2;
	v2 =	vmul.f32 v15, v61;
	v15 =	vmul.f32 v11, v21  }
0x4cb: {  	v23 =	vmul.f32 v23, v56;
	s19 =	sor.u32 $0x440, s17;
	v60 =	vld [tilespmem:s22+$0x18B80];
	v21 =	vmul.f32 v53, v17  }
0x4cc: {  	s20 =	sor.u32 $0x440, s13;
	v18 =	vld [tilespmem:s19+$0x18B80];
	v1 =	vadd.f32 v2, v1;
	[tilespmem:s25+$0xFFFFFF10] =	vst v15;
	v2 =	vmul.f32 v10, v59  }
0x4cd: {  	v48 =	vmul.f32 v48, v45;
	s23 =	sor.u32 $0x420, s4;
	v0 =	vadd.f32 v23, v0;
	v23 =	vld [tilespmem:s20+$0x18B80];
	[tilespmem:s21+$0xC0] =	vst v21  }
0x4ce: {  	s11 =	sor.u32 $0x470, s8;
	s8 =	sor.u32 $0x450, s15;
	s19 =	sor.u32 $0x460, s13;
	v15 =	vld [tilespmem:s23+$0x18B80];
	v21 =	vmul.f32 v12, v26;
	[tilespmem:s25+$0xFFFFFF90] =	vst v2  }
0x4cf: {  	v54 =	vmul.f32 v54, v51;
	v3 =	vadd.f32 v48, v3;
	v2 =	vld [tilespmem:s8+$0x18B80];
	[dreg:$0x1b] =	wrdreg s19  }
0x4d0: {  	[tilespmem:s25+$0x10] =	vst v21  }
0x4d1: {  	v3 =	vadd.f32 v54, v3;
	v9 =	vmul.f32 v25, v57;
	v21 =	vld [tilespmem:$0x1FEF0]  }
0x4d2: {  	v25 =	vmul.f32 v40, v62  }
0x4d3: {  	v3 =	vadd.f32 v9, v3;
	v9 =	vmul.f32 v42, v63;
	v26 =	vmul.f32 v27, v8  }
0x4d4: {  	s12 =	sor.u32 $0x420, s2;
	v0 =	vadd.f32 v25, v0;
	v25 =	vperm.xlane v1, v4  }
0x4d5: {  	v3 =	vadd.f32 v9, v3;
	s20 =	sor.u32 $0x420, s3;
	s23 =	sor.u32 $0x460, s17;
	v18 =	vmul.f32 v18, v7;
	v9 =	vld [tilespmem:s12+$0x18B80];
	[tilespmem:s24+$0xFFFFFF40] =	vst v26  }
0x4d6: {  	v1 =	vadd.f32 v1, v25;
	v25 =	vld [tilespmem:s20+$0x18B80];
	[smem:$0x7C4] =	sst s23;
	v21 =	vmul.f32 v21, v13  }
0x4d7: {  	[tilespmem:s24+$0xFFFFFFC0] =	vst v18  }
0x4d8: {  	[tilespmem:s29+$0xFFFFFFE0] =	vst v21  }
0x4d9: {  	v21 =	vld [tilespmem:$0x1FF00]  }
0x4da: {  	s16 =	sor.u32 $0x450, s18;
	v62 =	vld [tilespmem:$0x1FF10]  }
0x4db: {  	s22 =	sor.u32 $0x450, s17;
	s12 =	sor.u32 $0x440, s4;
	v26 =	vld [tilespmem:s16+$0x18B80]  }
0x4dc: {  	v23 =	vmul.f32 v23, v6;
	s16 =	sor.u32 $0x450, s4;
	v61 =	vld [tilespmem:s22+$0x18B80];
	[dreg:$0x10] =	wrdreg s12  }
0x4dd: {  	v27 =	vperm.xlane v0, v4;
	[dreg:$0x9] =	wrdreg s16  }
0x4de: {  	s31 =	sor.u32 $0x460, s18;
	s28 =	sor.u32 $0x470, s18;
	s18 =	sor.u32 $0x440, s3;
	[tilespmem:s24+$0x40] =	vst v23  }
0x4df: {  	s10 =	sor.u32 $0x450, s13;
	v0 =	vadd.f32 v0, v27;
	s20 =	sor.u32 $0x450, s3;
	v27 =	vld [tilespmem:s11+$0x18B80];
	[dreg:$0x14] =	wrdreg s18;
	v21 =	vmul.f32 v62, v21  }
0x4e0: {  	v18 =	vperm.xlane v3, v4;
	v63 =	vld [tilespmem:s10+$0x18B80];
	[dreg:$0xa] =	wrdreg s20  }
0x4e1: {  	[tilespmem:s29+$0xF0] =	vst v21  }
0x4e2: {  	v3 =	vadd.f32 v3, v18;
	v18 =	vld [tilespmem:$0x1FF20]  }
0x4e3: {  	s22 =	sor.u32 $0x440, s2  }
0x4e4: {  	s23 =	sor.u32 $0x450, s2;
	[dreg:$0x18] =	wrdreg s22  }
0x4e5: {  	s11 =	sor.u32 $0x460, s2;
	[dreg:$0xf] =	wrdreg s23  }
0x4e6: {  	s16 =	sor.u32 $0x410, s7;
	[dreg:$0x7] =	wrdreg s11  }
0x4e7: {  	s20 =	sor.u32 $0x420, s7;
	[smem:$0x7C5] =	sst s16;
	v16 =	vmul.f32 v18, v16  }
0x4e8: {  	[smem:$0x7C6] =	sst s20  }
0x4e9: {  	[tilespmem:s24+$0xF0] =	vst v16  }
0x4ea: {  	s22 =	sor.u32 $0x430, s7;
	v16 =	vld [tilespmem:$0x1FF30]  }
0x4eb: {  	s23 =	sor.u32 $0x440, s7;
	[dreg:$0x1f] =	wrdreg s22  }
0x4ec: {  	s11 =	sor.u32 $0x450, s7;
	v18 =	vmul.f32 v28, v19;
	[dreg:$0x1a] =	wrdreg s23  }
0x4ed: {  	[dreg:$0x12] =	wrdreg s11  }
0x4ee: {  	s16 =	sor.u32 $0x460, s7;
	[tilespmem:s25+$0xF0] =	vst v18  }
0x4ef: {  	s20 =	sor.u32 $0x470, s7;
	[smem:$0x7C7] =	sst s16;
	v16 =	vmul.f32 v16, v5  }
0x4f0: {  	s9 =	sor.u32 $0x470, s9;
	v1 =	vmul.f32 $2.500000000e-01, v1;
	v0 =	vmul.f32 $2.500000000e-01, v0;
	[dreg:$0x4] =	wrdreg s20  }
0x4f1: {  	s1 =	sor.u32 $0x470, s3;
	s13 =	sor.u32 $0x470, s13;
	s22 =	sor.u32 $0x410, s6;
	[tilespmem:s29+$0x60] =	vst v16  }
0x4f2: {  	s17 =	sor.u32 $0x470, s17;
	v2 =	vmul.f32 v2, v17;
	v1 =	vmax.f32 v1, $-5.000000000e+00;
	v0 =	vmax.f32 v0, $-5.000000000e+00;
	s7 =	sor.u32 $0x420, s6;
	[smem:$0x7C8] =	sst s22  }
0x4f3: {  	s8 =	sor.u32 $0x430, s4;
	s19 =	sor.u32 $0x470, s4;
	v1 =	vmin.f32 v1, $5.000000000e+00;
	v0 =	vmin.f32 v0, $5.000000000e+00;
	v3 =	vmul.f32 $2.500000000e-01, v3;
	[smem:$0x7C9] =	sst s7  }
0x4f4: {  	p1 =	por !p1, !p1;
	v1 =	vmul.f32 $1.442695020e+00, v1;
	s12 =	sor.u32 $0x460, s4;
	v19 =	vld [tilespmem:s9+$0x18B80];
	[tilespmem:s21+$0xD0] =	vst v2;
	s9 =	sor.u32 $0x440, s6  }
0x4f5: {  	v0 =	vmul.f32 $1.442695020e+00, v0;
	v3 =	vmax.f32 v3, $-5.000000000e+00;
	s11 =	sor.u32 $0x460, s15;
	s16 =	sor.u32 $0x460, s6;
	v16 =	vmul.f32 v11, v15;
	[dreg:$0x1d] =	wrdreg s9  }
0x4f6: {  	(erf) = vpow2.f32 v1;
	v1 =	vmul.f32 v10, v9;
	s4 =	sor.u32 $0x430, s3;
	v3 =	vmin.f32 v3, $5.000000000e+00;
	s18 =	sor.u32 $0x460, s3;
	v15 =	vld [tilespmem:s11+$0x18B80];
	[dreg:$0xd] =	wrdreg s16  }
0x4f7: {  	s3 =	sor.u32 $0x430, s2;
	v3 =	vmul.f32 $1.442695020e+00, v3;
	s10 =	sor.u32 $0x430, s6;
	s23 =	sor.u32 $0x470, s2;
	[tilespmem:s25+$0xFFFFFF20] =	vst v16  }
0x4f8: {  	(erf) = vpow2.f32 v0;
	v0 =	vmul.f32 v12, v25;
	s2 =	sor.u32 $0x470, s6;
	s20 =	sor.u32 $0x440, s5;
	s7 =	sor.u32 $0x410, s5;
	[tilespmem:s25+$0xFFFFFFA0] =	vst v1  }
0x4f9: {  	v23 =	vmul.f32 v61, v7;
	s22 =	sor.u32 $0x420, s5;
	v2 =	vmul.f32 v26, v8;
	s9 =	sor.u32 $0x450, s6;
	v18 =	vld [tilespmem:s8+$0x18B80];
	[smem:$0x7CA] =	sst s20  }
0x4fa: {  	(erf) = vpow2.f32 v3;
	v21 =	vmul.f32 v60, v14;
	s6 =	sor.u32 $0x430, s5;
	s11 =	sor.u32 $0x460, s5;
	s16 =	simm.s32 $0xC;
	v16 =	vld [tilespmem:s3+$0x18B80];
	[tilespmem:s25+$0x20] =	vst v0  }
0x4fb: {  	v9 =	vmul.f32 v63, v6;
	s8 =	sor.u32 $0x450, s5;
	s20 =	simm.s32 $0x8;
	s3 =	sor.u32 $0x470, s5;
	v0 =	vmul.f32 v27, v13;
	[tilespmem:s24+$0xFFFFFF50] =	vst v2;
	v14 =	vld [tilespmem:s4+$0x18B80]  }
.LBB2_13:
0x4fc: {  	[smem:$0x7B2] =	sst s19  }
0x4fd: {  	[smem:$0x7B7] =	sst s8  }
0x4fe: {  	[smem:$0x7BB] =	sst s9  }
0x4ff: {  	[smem:$0x7C2] =	sst s10  }
0x500: {  	[smem:$0x7BE] =	sst s1  }
0x501: {  	[smem:$0x7B9] =	sst s3  }
0x502: {  	[smem:$0x7BF] =	sst s2  }
0x503: {  	s19 =	sld [smem:$0x7C4]  }
0x504: {  	s2 =	simm.s32 $0x1;
	s10 =	sand.u32 $0x3, s20;
	v13 =	vpop (erf);
	s8 =	rddreg [dreg:$0x1b];
	[tilespmem:s24+$0x50] =	vst v9;
	v1 =	vld [tilespmem:s31+$0x18B80]  }
0x505: {  	v3 =	vmul.f32 v15, v17;
	s1 =	sld [smem:$0x7C7];
	s0 =	sadd.s32 $0x200, s0;
	s26 =	sadd.s32 $0x400, s26;
	[tilespmem:s24+$0xFFFFFFD0] =	vst v23;
	v9 =	vpop (erf);
	v23 =	vld [tilespmem:s8+$0x18B80]  }
0x506: {  	s30 =	sadd.s32 $0x200, s30;
	s2 =	simm.s32 @!p1 $0x0;
	s3 =	sshll.u32 s10, $0x8;
	[tilespmem:s29+$0xFFFFFF70] =	vst v21;
	v22 =	vmul.f32 v9, v22;
	v2 =	vmul.f32 v19, v5;
	v15 =	vld [tilespmem:s19+$0x18B80]  }
0x507: {  	s9 =	sand.u32 $0x3800, s26;
	s10 =	sor.u32 $0x470, s15;
	s4 =	smov.u32 s12;
	[tilespmem:s21+$0xE0] =	vst v3;
	v5 =	vmov v6;
	v6 =	vmov v12;
	v19 =	vmul.f32 v13, v24;
	v21 =	vld [tilespmem:s30+$0xFFFFFF00];
	v12 =	vpop (erf)  }
0x508: {  	v3 =	vmul.f32 v10, v16;
	s12 =	sand.u32 $0x380, s0;
	s5 =	smov.u32 s1;
	s1 =	sadd.s32 $0x18B80, s9;
	v16 =	vmul.f32 v12, v20;
	v20 =	vld [tilespmem:s30+$0x80]  }
0x509: {  	[smem:$0x7B8] =	sst s4;
	s4 =	sshll.u32 s2, $0x9;
	s2 =	sadd.s32 s12, s1;
	[tilespmem:s21+$0xFFFFFF00] =	vst v19;
	v19 =	vld [tilespmem:s10+$0x18B80]  }
0x50a: {  	[tilespmem:s21+$0xFFFFFF80] =	vst v22;
	v22 =	vld [tilespmem:s2+$0x0]  }
0x50b: {  	v18 =	vmul.f32 v11, v18;
	[tilespmem:s25+$0xFFFFFFB0] =	vst v3;
	v3 =	vld [tilespmem:s30+$0xA0]  }
0x50c: {  	v14 =	vmul.f32 v6, v14;
	[tilespmem:s21+$0x0] =	vst v16;
	v16 =	vld [tilespmem:s30+$0x90]  }
0x50d: {  	[tilespmem:s25+$0xFFFFFF30] =	vst v18;
	v1 =	vmul.f32 v1, v8;
	v18 =	vmul.f32 v23, v5;
	v23 =	vld [tilespmem:s2+$0x10]  }
0x50e: {  	[tilespmem:s25+$0x30] =	vst v14;
	v14 =	vld [tilespmem:s2+$0x20];
	v17 =	vmul.f32 v19, v17  }
0x50f: {  	[tilespmem:s24+$0xFFFFFF60] =	vst v1;
	v19 =	vld [tilespmem:s30+$0xB0]  }
0x510: {  	v15 =	vmul.f32 v15, v7;
	v1 =	vmul.f32 v20, v22;
	v22 =	vld [tilespmem:s30+$0xFFFFFF20];
	[tilespmem:s21+$0xF0] =	vst v17  }
0x511: {  	[tilespmem:s24+$0x60] =	vst v18;
	v17 =	vld [tilespmem:s2+$0x30]  }
0x512: {  	[tilespmem:s24+$0xFFFFFFE0] =	vst v15;
	v1 =	vadd.f32 $0.0e+00, v1;
	v15 =	vmul.f32 v16, v23;
	v16 =	vld [tilespmem:s30+$0xC0]  }
0x513: {  	[tilespmem:s29+$0x70] =	vst v2;
	v18 =	vld [tilespmem:s2+$0x40]  }
0x514: {  	[tilespmem:s29+$0xFFFFFFF0] =	vst v0;
	v2 =	vld [tilespmem:s2+$0x50];
	v0 =	vadd.f32 v15, v1;
	v1 =	vmul.f32 v3, v14  }
0x515: {  	v3 =	vld [tilespmem:s30+$0xD0]  }
0x516: {  	v14 =	vld [tilespmem:s30+$0xE0];
	v0 =	vadd.f32 v1, v0;
	v1 =	vmul.f32 v19, v17  }
0x517: {  	v15 =	vld [tilespmem:s2+$0x60]  }
0x518: {  	s15 =	sadd.s32 $0xFFFFFE80, s0;
	v17 =	vld [tilespmem:s2+$0x70];
	v0 =	vadd.f32 v1, v0;
	v1 =	vmul.f32 v16, v18  }
0x519: {  	s19 =	sadd.s32 $0xFFFFFF00, s0;
	s10 =	sand.u32 $0x200, s15;
	v16 =	vld [tilespmem:s30+$0xF0]  }
0x51a: {  	[smem:$0x7BD] =	sst s5;
	s12 =	sand.u32 $0x280, s19;
	s5 =	sadd.s32 s10, s1;
	v20 =	vld [tilespmem:s30+$0xFFFFFF90];
	v0 =	vadd.f32 v1, v0;
	v1 =	vmul.f32 v3, v2  }
0x51b: {  	s15 =	sadd.s32 $0xFFFFFF80, s0;
	s9 =	sadd.s32 s12, s1;
	v18 =	vld [tilespmem:s5+$0x0]  }
0x51c: {  	s19 =	sand.u32 $0x300, s15;
	v2 =	vld [tilespmem:s9+$0x0];
	v0 =	vadd.f32 v1, v0;
	v1 =	vmul.f32 v14, v15  }
0x51d: {  	s4 =	sadd.s32 s4, s26;
	s19 =	sadd.s32 s19, s1;
	v14 =	vld [tilespmem:s30+$0xFFFFFF80]  }
0x51e: {  	s12 =	sor.u32 $0x410, s4;
	v3 =	vld [tilespmem:s19+$0x0];
	v0 =	vadd.f32 v1, v0;
	v1 =	vmul.f32 v16, v17  }
0x51f: {  	s10 =	sor.u32 $0x400, s4;
	[smem:$0x7AE] =	sst s12;
	v15 =	vld [tilespmem:s30+$0x0]  }
0x520: {  	s3 =	sadd.s32 s26, s3;
	s12 =	sor.u32 $0x430, s4;
	[smem:$0x7AD] =	sst s10;
	v19 =	vld [tilespmem:s30+$0xFFFFFF10];
	v0 =	vadd.f32 v1, v0  }
0x521: {  	s1 =	sadd.s32 $0x100, s3;
	s10 =	sor.u32 $0x420, s4;
	[smem:$0x7C1] =	sst s12;
	v16 =	vmul.f32 v21, v18;
	v17 =	vld [tilespmem:s5+$0x10]  }
0x522: {  	s15 =	sor.u32 $0x420, s1;
	[smem:$0x7B4] =	sst s10;
	v18 =	vld [tilespmem:s9+$0x10];
	v2 =	vmul.f32 v14, v2;
	v14 =	vperm.xlane v0, v4  }
0x523: {  	s10 =	sor.u32 $0x440, s4;
	[smem:$0x7B5] =	sst s15;
	v1 =	vadd.f32 $0.0e+00, v16;
	v16 =	vld [tilespmem:s19+$0x10]  }
0x524: {  	s12 =	sor.u32 $0x440, s1;
	[smem:$0x7B0] =	sst s10;
	v3 =	vmul.f32 v15, v3;
	v15 =	vld [tilespmem:s30+$0x10];
	v0 =	vadd.f32 v0, v14  }
0x525: {  	s15 =	sor.u32 $0x430, s1;
	[smem:$0x7B1] =	sst s12;
	v21 =	vld [tilespmem:s9+$0x20]  }
0x526: {  	s10 =	sor.u32 $0x450, s4;
	[smem:$0x7C3] =	sst s15;
	v17 =	vmul.f32 v19, v17;
	v19 =	vld [tilespmem:s19+$0x20];
	v0 =	vmul.f32 $2.500000000e-01, v0  }
0x527: {  	s12 =	sor.u32 $0x460, s4;
	s4 =	sor.u32 $0x470, s4;
	[smem:$0x7B6] =	sst s10;
	v14 =	vld [tilespmem:s5+$0x20]  }
0x528: {  	[smem:$0x7B3] =	sst s4;
	v1 =	vadd.f32 v17, v1;
	v17 =	vld [tilespmem:s30+$0xFFFFFFA0];
	v0 =	vmax.f32 v0, $-5.000000000e+00  }
0x529: {  	s15 =	sor.u32 $0x450, s1;
	s4 =	rddreg [dreg:$0xd];
	v15 =	vmul.f32 v15, v16;
	v16 =	vld [tilespmem:s30+$0x20];
	v0 =	vmin.f32 v0, $5.000000000e+00  }
0x52a: {  	s14 =	sadd.s32 $0x4, s14;
	[smem:$0x7BC] =	sst s15;
	s10 =	smov.u32 s4;
	v2 =	vadd.f32 $0.0e+00, v2;
	v18 =	vmul.f32 v20, v18;
	v0 =	vmul.f32 $1.442695020e+00, v0  }
0x52b: {  	s15 =	smov.u32 s18;
	[smem:$0x7BA] =	sst s10;
	s10 =	sand.u32 $0x7, s14;
	v3 =	vadd.f32 $0.0e+00, v3;
	v20 =	vld [tilespmem:s30+$0xFFFFFF30]  }
0x52c: {  	[dreg:$0x1b] =	wrdreg s15;
	s2 =	sshll.u32 s10, $0x7;
	v2 =	vadd.f32 v18, v2;
	v18 =	vld [tilespmem:s5+$0x30];
	(erf) = vpow2.f32 v0  }
0x52d: {  	s15 =	rddreg [dreg:$0x7];
	s2 =	sadd.s32 s2, s26;
	v3 =	vadd.f32 v15, v3;
	v15 =	vld [tilespmem:s9+$0x30];
	v17 =	vmul.f32 v17, v21  }
0x52e: {  	s18 =	smov.u32 s15;
	s15 =	sadd.s32 $0x180, s2;
	v16 =	vmul.f32 v16, v19;
	v0 =	vmul.f32 v22, v14;
	v14 =	vld [tilespmem:s19+$0x30]  }
0x52f: {  	s4 =	smov.u32 s11;
	s11 =	sor.u32 $0x400, s15;
	v2 =	vadd.f32 v17, v2;
	v17 =	vld [tilespmem:s30+$0x30]  }
0x530: {  	v3 =	vadd.f32 v16, v3;
	v16 =	vld [tilespmem:s11+$0x18B80]  }
0x531: {  	v0 =	vadd.f32 v0, v1;
	v1 =	vld [tilespmem:s30+$0xFFFFFFB0];
	_ =	sdelay $0x1  }
0x532: {  	v18 =	vmul.f32 v20, v18;
	v20 =	vld [tilespmem:s9+$0x40]  }
0x533: {  	s8 =	sor.u32 $0x400, s1;
	s3 =	sor.u32 $0x410, s1;
	v19 =	vld [tilespmem:s5+$0x40]  }
0x534: {  	[smem:$0x7AF] =	sst s3;
	s3 =	sor.u32 $0x460, s1;
	s1 =	sor.u32 $0x470, s1;
	v0 =	vadd.f32 v18, v0;
	v18 =	vld [tilespmem:s30+$0xFFFFFF40];
	v14 =	vmul.f32 v17, v14;
	v17 =	vpop (erf)  }
0x535: {  	[smem:$0x7C0] =	sst s1;
	s1 =	smov.u32 s28;
	s28 =	smov.u32 s24;
	v1 =	vmul.f32 v1, v15;
	v15 =	vld [tilespmem:s19+$0x40];
	v16 =	vmul.f32 v17, v16  }
0x536: {  	s24 =	smov.u32 s25;
	s25 =	smov.u32 s21;
	s21 =	sadd.s32 $0x200, s21;
	v3 =	vadd.f32 v14, v3;
	v14 =	vld [tilespmem:s30+$0x40]  }
0x537: {  	s31 =	smov.u32 s23;
	s23 =	smov.u32 s17;
	s17 =	sor.u32 $0x410, s15;
	v1 =	vadd.f32 v1, v2;
	v2 =	vld [tilespmem:s30+$0xFFFFFFC0];
	[tilespmem:s21+$0x80] =	vst v16  }
0x538: {  	v16 =	vld [tilespmem:s17+$0x18B80]  }
0x539: {  	v23 =	vld [tilespmem:s9+$0x70];
	v18 =	vmul.f32 v18, v19  }
0x53a: {  	v21 =	vld [tilespmem:s5+$0x50]  }
0x53b: {  	v0 =	vadd.f32 v18, v0;
	v18 =	vld [tilespmem:s30+$0xFFFFFF50]  }
0x53c: {  	v19 =	vld [tilespmem:s9+$0x50];
	v14 =	vmul.f32 v14, v15  }
0x53d: {  	v2 =	vmul.f32 v2, v20;
	v20 =	vld [tilespmem:s19+$0x50];
	v15 =	vmul.f32 v17, v16  }
0x53e: {  	v3 =	vadd.f32 v14, v3;
	v14 =	vld [tilespmem:s30+$0x50]  }
0x53f: {  	s17 =	sor.u32 $0x420, s15;
	v1 =	vadd.f32 v2, v1;
	v2 =	vld [tilespmem:s30+$0xFFFFFFD0];
	[tilespmem:s21+$0x90] =	vst v15  }
0x540: {  	v15 =	vmul.f32 v18, v21;
	v18 =	vld [tilespmem:s17+$0x18B80]  }
0x541: {  	v16 =	vld [tilespmem:s5+$0x60]  }
0x542: {  	v0 =	vadd.f32 v15, v0;
	v15 =	vld [tilespmem:s30+$0xFFFFFF60]  }
0x543: {  	[smem:$0x7C7] =	sst s12;
	s12 =	smov.u32 s3;
	v22 =	vld [tilespmem:s9+$0x60]  }
0x544: {  	[dreg:$0xd] =	wrdreg s12;
	v14 =	vmul.f32 v14, v20;
	v20 =	vld [tilespmem:s8+$0x18B80]  }
0x545: {  	[dreg:$0x7] =	wrdreg s4;
	v21 =	vld [tilespmem:s5+$0x70];
	v18 =	vmul.f32 v17, v18  }
0x546: {  	[smem:$0x7C4] =	sst s18;
	v2 =	vmul.f32 v2, v19;
	v19 =	vld [tilespmem:s19+$0x60]  }
0x547: {  	s8 =	sld [smem:$0x7AD];
	v15 =	vmul.f32 v15, v16;
	v16 =	vld [tilespmem:s19+$0x70];
	s19 =	sor.u32 $0x430, s15;
	[tilespmem:s21+$0xA0] =	vst v18  }
0x548: {  	s5 =	sld [smem:$0x7AF];
	v18 =	vld [tilespmem:s19+$0x18B80]  }
0x549: {  	s17 =	sld [smem:$0x7AE];
	v1 =	vadd.f32 v2, v1;
	v2 =	vld [tilespmem:s30+$0xFFFFFFE0]  }
0x54a: {  	s9 =	sld [smem:$0x7C5];
	v24 =	vld [tilespmem:s8+$0x18B80]  }
0x54b: {  	s8 =	smov.u32 s5;
	s5 =	sld [smem:$0x7B0];
	v0 =	vadd.f32 v15, v0;
	v15 =	vld [tilespmem:s30+$0xFFFFFF70]  }
0x54c: {  	s19 =	smov.u32 s17;
	s17 =	rddreg [dreg:$0x1a]  }
0x54d: {  	[smem:$0x7C5] =	sst s19;
	v18 =	vmul.f32 v17, v18  }
0x54e: {  	v3 =	vadd.f32 v14, v3;
	v14 =	vld [tilespmem:s30+$0x60];
	v2 =	vmul.f32 v2, v22;
	s19 =	smov.u32 s17;
	s17 =	sld [smem:$0x7CA]  }
0x54f: {  	s18 =	sadd.s32 $0x80, s2;
	[tilespmem:s21+$0xB0] =	vst v18;
	v18 =	vld [tilespmem:s9+$0x18B80];
	s9 =	rddreg [dreg:$0x10]  }
0x550: {  	s4 =	sor.u32 $0x400, s18;
	v1 =	vadd.f32 v2, v1;
	v2 =	vld [tilespmem:s30+$0xFFFFFFF0];
	v15 =	vmul.f32 v15, v21;
	[dreg:$0x10] =	wrdreg s19  }
0x551: {  	v22 =	vld [tilespmem:s4+$0x18B80];
	s4 =	sor.u32 $0x440, s15;
	s19 =	smov.u32 s17;
	s17 =	sld [smem:$0x7B1]  }
0x552: {  	v0 =	vadd.f32 v15, v0;
	v15 =	vld [tilespmem:s4+$0x18B80];
	s4 =	sld [smem:$0x7C8]  }
0x553: {  	v14 =	vmul.f32 v14, v19;
	[smem:$0x7C8] =	sst s8  }
0x554: {  	v21 =	vld [tilespmem:s9+$0x18B80];
	s9 =	rddreg [dreg:$0x18]  }
0x555: {  	v3 =	vadd.f32 v14, v3;
	v14 =	vld [tilespmem:s30+$0x70];
	v2 =	vmul.f32 v2, v23;
	[dreg:$0x18] =	wrdreg s19  }
0x556: {  	s2 =	sor.u32 $0x410, s18;
	s8 =	smov.u32 s5;
	s5 =	rddreg [dreg:$0x14]  }
0x557: {  	v1 =	vadd.f32 v2, v1;
	v2 =	vld [tilespmem:s7+$0x18B80];
	s7 =	smov.u32 s2;
	s2 =	sld [smem:$0x7B2]  }
0x558: {  	[dreg:$0x1a] =	wrdreg s8  }
0x559: {  	s8 =	rddreg [dreg:$0x1d]  }
0x55a: {  	v14 =	vmul.f32 v14, v16;
	v23 =	vld [tilespmem:s9+$0x18B80];
	s9 =	smov.u32 s8;
	s19 =	smov.u32 s17;
	s17 =	sld [smem:$0x7C6]  }
0x55b: {  	s29 =	sor.u32 $0x440, s18;
	[dreg:$0x14] =	wrdreg s9  }
0x55c: {  	v3 =	vadd.f32 v14, v3;
	v14 =	vld [tilespmem:s4+$0x18B80];
	s4 =	smov.u32 s29;
	[dreg:$0x1d] =	wrdreg s19  }
0x55d: {  	v16 =	vperm.xlane v0, v4;
	v19 =	vperm.xlane v1, v4;
	s29 =	smov.u32 s28;
	s28 =	smov.u32 s2;
	s2 =	sld [smem:$0x7BC]  }
0x55e: {  	v18 =	vmul.f32 v13, v18;
	[smem:$0x7CA] =	sst s4  }
0x55f: {  	v0 =	vadd.f32 v0, v16;
	v16 =	vperm.xlane v3, v4;
	v1 =	vadd.f32 v1, v19;
	v19 =	vld [tilespmem:s5+$0x18B80];
	s5 =	sld [smem:$0x7B3]  }
0x560: {  	s4 =	rddreg [dreg:$0x4];
	v15 =	vmul.f32 v15, v17;
	[tilespmem:s25+$0xFFFFFF10] =	vst v18  }
0x561: {  	v3 =	vadd.f32 v3, v16;
	v16 =	vld [tilespmem:s1+$0x18B80];
	s1 =	sld [smem:$0x7B4]  }
0x562: {  	s8 =	smov.u32 s5;
	[tilespmem:s21+$0xC0] =	vst v15;
	v15 =	vld [tilespmem:s17+$0x18B80];
	s17 =	rddreg [dreg:$0x9]  }
0x563: {  	[dreg:$0x4] =	wrdreg s8  }
0x564: {  	s9 =	sor.u32 $0x450, s15;
	s8 =	sld [smem:$0x7C9]  }
0x565: {  	v18 =	vld [tilespmem:s9+$0x18B80];
	s9 =	sld [smem:$0x7B5]  }
0x566: {  	v2 =	vmul.f32 v9, v2;
	s5 =	smov.u32 s1;
	s1 =	rddreg [dreg:$0x12]  }
0x567: {  	[smem:$0x7C6] =	sst s5  }
0x568: {  	s12 =	smov.u32 s13;
	s13 =	sor.u32 $0x420, s18;
	v0 =	vmul.f32 $2.500000000e-01, v0;
	[tilespmem:s25+$0xFFFFFF90] =	vst v2;
	s5 =	sld [smem:$0x7B6]  }
0x569: {  	v2 =	vmul.f32 v21, v11;
	v14 =	vmul.f32 v12, v14;
	v21 =	vld [tilespmem:s22+$0x18B80];
	s22 =	smov.u32 s13;
	s13 =	smov.u32 s9;
	s9 =	rddreg [dreg:$0xf]  }
0x56a: {  	s19 =	smov.u32 s4;
	v0 =	vmax.f32 v0, $-5.000000000e+00;
	s4 =	smov.u32 s1;
	[smem:$0x7C9] =	sst s13  }
0x56b: {  	v0 =	vmin.f32 v0, $5.000000000e+00;
	[tilespmem:s25+$0x10] =	vst v14;
	v14 =	vmul.f32 v23, v10;
	[dreg:$0x9] =	wrdreg s4  }
0x56c: {  	v0 =	vmul.f32 $1.442695020e+00, v0;
	s13 =	sld [smem:$0x7B7]  }
0x56d: {  	v1 =	vmul.f32 $2.500000000e-01, v1;
	[tilespmem:s24+$0xFFFFFFC0] =	vst v14;
	v14 =	vmul.f32 v19, v6;
	s4 =	sld [smem:$0x7B9]  }
0x56e: {  	s10 =	sor.u32 $0x430, s18;
	v3 =	vmul.f32 $2.500000000e-01, v3;
	(erf) = vpow2.f32 v0;
	v0 =	vld [tilespmem:s9+$0x18B80];
	s9 =	sld [smem:$0x7BB]  }
0x56f: {  	s3 =	sor.u32 $0x450, s18;
	v1 =	vmax.f32 v1, $-5.000000000e+00;
	v23 =	vld [tilespmem:s8+$0x18B80];
	s8 =	smov.u32 s5;
	[tilespmem:s24+$0x40] =	vst v14;
	s5 =	rddreg [dreg:$0xa]  }
0x570: {  	s11 =	sor.u32 $0x460, s18;
	v1 =	vmin.f32 v1, $5.000000000e+00;
	v3 =	vmax.f32 v3, $-5.000000000e+00;
	[tilespmem:s24+$0xFFFFFF40] =	vst v2;
	v25 =	vld [tilespmem:s5+$0x18B80];
	s5 =	sld [smem:$0x7BE]  }
0x571: {  	v1 =	vmul.f32 $1.442695020e+00, v1;
	v2 =	vmin.f32 v3, $5.000000000e+00;
	v3 =	vld [tilespmem:s17+$0x18B80];
	[dreg:$0x12] =	wrdreg s8;
	s17 =	smov.u32 s13;
	s13 =	smov.u32 s9  }
0x572: {  	s18 =	sor.u32 $0x470, s18;
	v2 =	vmul.f32 $1.442695020e+00, v2;
	v18 =	vmul.f32 v18, v17;
	s8 =	smov.u32 s3;
	[dreg:$0xa] =	wrdreg s13  }
0x573: {  	(erf) = vpow2.f32 v1;
	v1 =	vld [tilespmem:s23+$0x18B80];
	s23 =	smov.u32 s4;
	s13 =	smov.u32 s5;
	s5 =	sld [smem:$0x7C0]  }
0x574: {  	(erf) = vpow2.f32 v2;
	v2 =	vmul.f32 v13, v15;
	s3 =	smov.u32 s18;
	s18 =	sld [smem:$0x7BA];
	[tilespmem:s21+$0xD0] =	vst v18;
	s4 =	sor.u32 $0x460, s15  }
0x575: {  	v15 =	vld [tilespmem:s4+$0x18B80];
	s4 =	sld [smem:$0x7BF]  }
0x576: {  	v14 =	vmul.f32 v9, v21;
	[tilespmem:s25+$0xFFFFFF20] =	vst v2;
	s9 =	smov.u32 s2;
	s2 =	smov.u32 s5;
	s5 =	rddreg [dreg:$0x1f]  }
0x577: {  	s16 =	sadd.s32 $0x4, s16;
	v18 =	vld [tilespmem:s5+$0x18B80];
	s5 =	sld [smem:$0x7C1]  }
0x578: {  	p2 =	slt.u32 s16, $0x24;
	v19 =	vld [tilespmem:s12+$0x18B80];
	s12 =	sld [smem:$0x7BD];
	[tilespmem:s25+$0xFFFFFFA0] =	vst v14  }
.Ltmp6:
0x579: {  	v21 =	vmul.f32 v16, v8;
	v16 =	vld [tilespmem:s6+$0x18B80];
	s6 =	smov.u32 s10;
	s10 =	sld [smem:$0x7C2];
	(pc) =	sbr.rel @p2 .LBB2_13-.Ltmp6, $4  }
0x57a: {  	v26 =	vmul.f32 v12, v23;
	s1 =	smov.u32 s4;
	s4 =	smov.u32 s5;
	s5 =	sld [smem:$0x7C3]  }
0x57b: {  	v2 =	vmul.f32 v3, v11;
	[dreg:$0xf] =	wrdreg s17  }
0x57c: {  	s20 =	sadd.s32 $0x2, s20;
	v8 =	vmov v11;
	v11 =	vmov v13;
	s17 =	smov.u32 s31;
	s31 =	sld [smem:$0x7B8];
	v23 =	vmul.f32 v0, v10;
	[tilespmem:s25+$0x20] =	vst v26  }
0x57d: {  	p1 =	por !p1, !p1;
	v0 =	vmul.f32 v1, v7;
	v7 =	vmovc v10;
	v10 =	vmov v9;
	v14 =	vld [tilespmem:s10+$0x18B80];
	v9 =	vmul.f32 v25, v6;
	[tilespmem:s24+$0xFFFFFF50] =	vst v2;
	[dreg:$0x1f] =	wrdreg s4;
	s10 =	smov.u32 s5  }
0x57e: {  	v1 =	vpop (erf)  }
0x57f: {  	v13 =	vmul.f32 v1, v24  }
0x580: {  	v2 =	vpop (erf)  }
0x581: {  	v22 =	vmul.f32 v2, v22;
	v3 =	vpop (erf);
	[tilespmem:s21+$0xFFFFFF00] =	vst v13  }
0x582: {  	v45 =	vmul.f32 v3, v20;
	s0 =	sld [smem:$0x7C5]  }
0x583: {  	[tilespmem:s21+$0xFFFFFF80] =	vst v22  }
0x584: {  	[tilespmem:s21+$0x0] =	vst v45  }
0x585: {  	s5 =	sld [smem:$0x7C8];
	v46 =	vld [tilespmem:s0+$0x18B80];
	_ =	sdelay $0x1  }
0x586: {  	v22 =	vld [tilespmem:s7+$0x18B80]  }
0x587: {  	v13 =	vld [tilespmem:s5+$0x18B80];
	_ =	sdelay $0x1  }
0x588: {  	v20 =	vmul.f32 v1, v46;
	_ =	sdelay $0x1  }
0x589: {  	v22 =	vmul.f32 v2, v22;
	[tilespmem:s21+$0xFFFFFF10] =	vst v20  }
0x58a: {  	v13 =	vmul.f32 v3, v13;
	s7 =	sld [smem:$0x7C6]  }
0x58b: {  	[tilespmem:s21+$0xFFFFFF90] =	vst v22  }
0x58c: {  	[tilespmem:s21+$0x10] =	vst v13  }
0x58d: {  	s14 =	sld [smem:$0x7C9];
	v20 =	vld [tilespmem:s7+$0x18B80]  }
0x58e: {  	v22 =	vld [tilespmem:s22+$0x18B80];
	_ =	sdelay $0x1  }
0x58f: {  	v13 =	vld [tilespmem:s14+$0x18B80]  }
0x590: {  	v5 =	vmul.f32 v19, v5;
	[tilespmem:s29+$0xFFFFFF70] =	vst v21  }
0x591: {  	[tilespmem:s29+$0xFFFFFFF0] =	vst v0;
	v47 =	vmul.f32 v1, v20  }
0x592: {  	[tilespmem:s29+$0x70] =	vst v5;
	v5 =	vmul.f32 v2, v22  }
0x593: {  	[tilespmem:s21+$0xFFFFFF20] =	vst v47  }
0x594: {  	v13 =	vmul.f32 v3, v13;
	s16 =	rddreg [dreg:$0x1f];
	[tilespmem:s21+$0xFFFFFFA0] =	vst v5  }
0x595: {  	v18 =	vmul.f32 v11, v18;
	[tilespmem:s24+$0xFFFFFFD0] =	vst v23;
	v0 =	vld [tilespmem:s16+$0x18B80]  }
0x596: {  	v5 =	vld [tilespmem:s6+$0x18B80];
	[tilespmem:s21+$0x20] =	vst v13  }
0x597: {  	v16 =	vmul.f32 v10, v16;
	[tilespmem:s25+$0xFFFFFF30] =	vst v18;
	v13 =	vld [tilespmem:s10+$0x18B80]  }
0x598: {  	v14 =	vmul.f32 v12, v14;
	s20 =	rddreg [dreg:$0x10]  }
0x599: {  	[tilespmem:s25+$0xFFFFFFB0] =	vst v16;
	v18 =	vld [tilespmem:s20+$0x18B80]  }
0x59a: {  	s22 =	rddreg [dreg:$0x18];
	[tilespmem:s25+$0x30] =	vst v14;
	v0 =	vmul.f32 v1, v0  }
0x59b: {  	v16 =	vld [tilespmem:s22+$0x18B80];
	s26 =	rddreg [dreg:$0x14];
	[tilespmem:s24+$0x50] =	vst v9;
	v5 =	vmul.f32 v2, v5  }
0x59c: {  	v14 =	vld [tilespmem:s26+$0x18B80];
	v13 =	vmul.f32 v3, v13;
	[tilespmem:s21+$0xFFFFFF30] =	vst v0  }
0x59d: {  	v15 =	vmul.f32 v15, v17;
	v48 =	vld [tilespmem:s31+$0x18B80];
	s29 =	rddreg [dreg:$0x1a];
	[tilespmem:s21+$0xFFFFFFB0] =	vst v5  }
0x59e: {  	v18 =	vmul.f32 v18, v11;
	v0 =	vld [tilespmem:s29+$0x18B80];
	s30 =	sld [smem:$0x7CA];
	[tilespmem:s21+$0x30] =	vst v13  }
0x59f: {  	s31 =	rddreg [dreg:$0x1d];
	[tilespmem:s21+$0xE0] =	vst v15  }
0x5a0: {  	v49 =	vmul.f32 v16, v10;
	v13 =	vld [tilespmem:s31+$0x18B80];
	s4 =	sld [smem:$0x7C4];
	[tilespmem:s25+$0xFFFFFF40] =	vst v18  }
0x5a1: {  	v14 =	vmul.f32 v14, v12;
	v5 =	vld [tilespmem:s30+$0x18B80];
	s5 =	rddreg [dreg:$0x9]  }
0x5a2: {  	v9 =	vmul.f32 v48, v8;
	[tilespmem:s25+$0xFFFFFFC0] =	vst v49;
	v18 =	vld [tilespmem:s5+$0x18B80]  }
0x5a3: {  	s6 =	rddreg [dreg:$0xf];
	[tilespmem:s25+$0x40] =	vst v14;
	v50 =	vld [tilespmem:s4+$0x18B80];
	v0 =	vmul.f32 v0, v1  }
0x5a4: {  	v15 =	vld [tilespmem:s6+$0x18B80];
	s7 =	rddreg [dreg:$0xa];
	[tilespmem:s24+$0xFFFFFF60] =	vst v9  }
0x5a5: {  	v14 =	vld [tilespmem:s7+$0x18B80];
	s10 =	rddreg [dreg:$0x1b];
	[tilespmem:s21+$0xFFFFFF40] =	vst v0;
	v52 =	vmul.f32 v13, v3  }
0x5a6: {  	v51 =	vld [tilespmem:s10+$0x18B80];
	v5 =	vmul.f32 v5, v2;
	s14 =	rddreg [dreg:$0x12]  }
0x5a7: {  	v53 =	vld [tilespmem:s14+$0x18B80];
	v18 =	vmul.f32 v18, v11;
	[tilespmem:s21+$0x40] =	vst v52  }
0x5a8: {  	v16 =	vmul.f32 v50, v7;
	[tilespmem:s21+$0xFFFFFFC0] =	vst v5  }
0x5a9: {  	v15 =	vmul.f32 v15, v10;
	[tilespmem:s25+$0xFFFFFF50] =	vst v18  }
0x5aa: {  	v14 =	vmul.f32 v14, v12;
	[tilespmem:s24+$0xFFFFFFE0] =	vst v16  }
0x5ab: {  	v0 =	vld [tilespmem:s9+$0x18B80];
	v9 =	vmul.f32 v51, v6;
	[tilespmem:s25+$0xFFFFFFD0] =	vst v15  }
0x5ac: {  	v5 =	vld [tilespmem:s8+$0x18B80];
	s16 =	rddreg [dreg:$0x7];
	[tilespmem:s25+$0x50] =	vst v14;
	v13 =	vmul.f32 v53, v1  }
0x5ad: {  	v54 =	vld [tilespmem:s28+$0x18B80];
	[tilespmem:s24+$0x60] =	vst v9  }
0x5ae: {  	v18 =	vld [tilespmem:s12+$0x18B80];
	[tilespmem:s21+$0xFFFFFF50] =	vst v13  }
0x5af: {  	v55 =	vld [tilespmem:s17+$0x18B80];
	s20 =	sld [smem:$0x7C7]  }
0x5b0: {  	v14 =	vld [tilespmem:s18+$0x18B80];
	v0 =	vmul.f32 v0, v3  }
0x5b1: {  	v15 =	vld [tilespmem:s16+$0x18B80];
	v5 =	vmul.f32 v5, v2  }
0x5b2: {  	v56 =	vmul.f32 v54, v8;
	[tilespmem:s21+$0x50] =	vst v0;
	v13 =	vld [tilespmem:s20+$0x18B80]  }
0x5b3: {  	v57 =	vmul.f32 v18, v11;
	[tilespmem:s21+$0xFFFFFFD0] =	vst v5  }
0x5b4: {  	v7 =	vmul.f32 v55, v7;
	v5 =	vld [tilespmem:s11+$0x18B80];
	s22 =	rddreg [dreg:$0xd];
	[tilespmem:s24+$0xFFFFFF70] =	vst v56  }
0x5b5: {  	v14 =	vmul.f32 v14, v12;
	[tilespmem:s25+$0xFFFFFF60] =	vst v57;
	v0 =	vld [tilespmem:s22+$0x18B80]  }
0x5b6: {  	v59 =	vld [tilespmem:s13+$0x18B80];
	v58 =	vmul.f32 v15, v10;
	[tilespmem:s24+$0xFFFFFFF0] =	vst v7  }
0x5b7: {  	v16 =	vld [tilespmem:s19+$0x18B80];
	[tilespmem:s25+$0x60] =	vst v14;
	v60 =	vmul.f32 v13, v1  }
0x5b8: {  	[tilespmem:s25+$0xFFFFFFE0] =	vst v58;
	v61 =	vld [tilespmem:s1+$0x18B80]  }
0x5b9: {  	v8 =	vld [tilespmem:s23+$0x18B80];
	s23 =	sor.u32 $0x470, s15;
	v5 =	vmul.f32 v5, v2;
	[tilespmem:s21+$0xFFFFFF60] =	vst v60  }
0x5ba: {  	v7 =	vld [tilespmem:s23+$0x18B80];
	v0 =	vmul.f32 v0, v3;
	s26 =	rddreg [dreg:$0x4]  }
0x5bb: {  	v6 =	vmul.f32 v59, v6;
	[tilespmem:s21+$0xFFFFFFE0] =	vst v5;
	v9 =	vld [tilespmem:s26+$0x18B80]  }
0x5bc: {  	v62 =	vmul.f32 v16, v11;
	[tilespmem:s21+$0x60] =	vst v0;
	v5 =	vld [tilespmem:s3+$0x18B80]  }
0x5bd: {  	v63 =	vmul.f32 v61, v12;
	[tilespmem:s24+$0x70] =	vst v6;
	v0 =	vld [tilespmem:s2+$0x18B80]  }
0x5be: {  	v6 =	vmul.f32 v8, v10;
	[tilespmem:s25+$0xFFFFFF70] =	vst v62  }
0x5bf: {  	v7 =	vmul.f32 v7, v17;
	[tilespmem:s25+$0x70] =	vst v63  }
0x5c0: {  	[tilespmem:s25+$0xFFFFFFF0] =	vst v6;
	v1 =	vmul.f32 v9, v1  }
0x5c1: {  	[tilespmem:s21+$0xF0] =	vst v7;
	v2 =	vmul.f32 v5, v2  }
0x5c2: {  	v0 =	vmul.f32 v0, v3;
	[tilespmem:s21+$0xFFFFFF70] =	vst v1  }
0x5c3: {  	[tilespmem:s21+$0xFFFFFFF0] =	vst v2  }
0x5c4: {  	[tilespmem:s21+$0x70] =	vst v0  }
0x5c5: {  	s31 =	sld [smem:$0x7E2];
	_ =	sdelay $0x2  }
0x5c6: {  	s3 =	sadd.s32 $0x1, s31  }
0x5c7: {  	p1 =	sne.s32 s3, $0x7D  }
.Ltmp7:
0x5c8: {  	_ = 	snop;
	(pc) =	sbr.rel @p1 .LBB2_6-.Ltmp7, $4  }
0x5c9: {  	_ = 	snop  }
0x5ca: {  	s29 =	simm.s32 $0x18B00  }
0x5cb: {  	s30 =	simm.s32 $0x1C780;
	s5 =	simm.s32 $0x28;
	s28 =	rddreg [dreg:$0x2]  }
0x5cc: {  	[spmem:s28] =	stream.indirect.scatter.add.f32 [tilespmem:s30], [sflag:$0x6], $0x80, s29, s5, $0xb8;
	[tilespmem:$0x1DB80] =	vst v63  }
0x5cd: {  	s0 =	simm.s32 $0x3  }
0x5ce: {  	_ =	swait.ge [sflag:s0], $0x1400  }
0x5cf: {  	[sflag:s0] =	ssyncset.done $0x0  }
0x5d0: {  	s23 =	simm.s32 $0x6;
	[sflag:s0] =	ssyncadd.s32 $0xFFFFEC00  }
0x5d1: {  	_ =	swait.ge [sflag:s23], $0x1400  }
0x5d2: {  	[sflag:s23] =	ssyncset.done $0x0  }
0x5d3: {  	[sflag:s23] =	ssyncadd.s32 $0xFFFFEC00  }
0x5d4: {  	[bflag:$0x0] =	sbarrier.arrive $0xFFFF  }
0x5d5: {  	s1 =	sld [smem:$0x7F5]  }
0x5d6: {  	s10 =	stileid.u32;
	s2 =	sld [smem:$0x7FA]  }
0x5d7: {  	s24 =	sshll.u32 s10, $0x6  }
0x5d8: {  	s3 =	simm.s32 $0x7;
	s0 =	sor.u32 $0x1C07, s24  }
0x5d9: {  	[hbm:s1], [sflag:s0] =	dma.local [spmem:s2], $0xC80  }
0x5da: {  	_ =	swait.ge [sflag:s3], $0xC80  }
0x5db: {  	s25 =	sld [smem:$0x7F6]  }
0x5dc: {  	s26 =	sld [smem:$0x7FB]  }
0x5dd: {  	[sflag:s3] =	ssyncset.done $0x0  }
0x5de: {  	[sflag:s3] =	ssyncadd.s32 $0xFFFFF380  }
0x5df: {  	[hbm:s25], [sflag:s0] =	dma.local [spmem:s26], $0xC80  }
0x5e0: {  	_ =	swait.ge [sflag:s3], $0xC80  }
0x5e1: {  	s28 =	sld [smem:$0x7F7]  }
0x5e2: {  	s29 =	sld [smem:$0x7FC]  }
0x5e3: {  	[sflag:s3] =	ssyncset.done $0x0  }
0x5e4: {  	[sflag:s3] =	ssyncadd.s32 $0xFFFFF380  }
0x5e5: {  	[hbm:s28], [sflag:s0] =	dma.local [spmem:s29], $0xC80  }
0x5e6: {  	_ =	swait.ge [sflag:s3], $0xC80  }
0x5e7: {  	s1 =	sld [smem:$0x7F8]  }
0x5e8: {  	s2 =	sld [smem:$0x7FD]  }
0x5e9: {  	[sflag:s3] =	ssyncset.done $0x0  }
0x5ea: {  	[sflag:s3] =	ssyncadd.s32 $0xFFFFF380  }
0x5eb: {  	[hbm:s1], [sflag:s0] =	dma.local @!p0 [spmem:s2], $0xC80  }
0x5ec: {  	s0 =	simm.s32 @!p0 $0x7  }
0x5ed: {  	_ =	swait.ge @!p0 [sflag:s0], $0xC80  }
0x5ee: {  	s30 =	sld [smem:$0x7EA]  }
0x5ef: {  	s31 =	sld [smem:$0x7F4];
	_ =	sdelay $0x1  }
0x5f0: {  	s2 =	sadd.s32 $0x1, s30  }
0x5f1: {  	p1 =	sne.s32 s2, s31  }
.Ltmp8:
0x5f2: {  	_ = 	snop;
	(pc) =	sbr.rel @p1 .LBB2_1-.Ltmp8, $3  }
0x5f3: {  	_ =	sdelay $0x1  }
0x5f4: {  	[sflag:s0] =	ssyncset.done @!p0 $0x0  }
0x5f5: {  	v6 =	vimm.f32 $0.0e+00;
	s1 =	simm.s32 $0x0;
	[sflag:s0] =	ssyncadd.s32 @!p0 $0xFFFFF380  }
0x5f6: {  	_ =	sfence.sel $0x180000  }
0x5f7: {  	[bflag:$0x0] =	sbarrier.arrive $0xFFFF  }
0x5f8: {  	_ =	strace $0x90000047  }
0x5f9: {  	[bflag:$0x2] =	sbarrier.arrive $0xFFFF  }
0x5fa: {  	p0 =	sne.s32 s10, $0x0;
	s0 =	rddreg [dreg:$0x3]  }
0x5fb: {  	s0 =	sadd.s32 @!p0 $0x100000, s0  }
0x5fc: {  	[sflag:s0] =	ssyncadd.tile.s32 @!p0 $0x1;
	_ =	shalt  }
.Lfunc_end2:
_tile_overlayer_lowered:
.L_overlay_start_2:
0x5fd: {  	(tag) =	ssettag $0x2  }
0x5fe: {  	s0 =	rddreg [dreg:$0x0];
	s2 =	stileid.u32  }
0x5ff: {  	s1 =	rddreg [dreg:$0x1];
	p0 =	sne.s32 s2, $0x0  }
0x600: {  	s3 =	rddreg [dreg:$0x2];
	[bflag:$0x3] =	sbarrier.arrive $0xFFFF;
	s2 =	simm.s32 @!p0 $0x1C07  }
0x601: {  	[timem:s3], [sflag:s2] =	dma.local @!p0 [hbm:s0], s1  }
0x602: {  	s0 =	simm.s32 @!p0 $0x7  }
0x603: {  	_ =	swait.ge @!p0 [sflag:s0], s1  }
0x604: {  	s1 =	ssub.s32 @!p0 $0x0, s1;
	[sflag:s0] =	ssyncset.done @!p0 $0x0  }
0x605: {  	[sflag:s0] =	ssyncadd.s32 @!p0 s1  }
0x606: {  	[bflag:$0x3] =	sbarrier.arrive $0xFFFF  }
0x607: {  	_ =	shalt  }

</sc_bundles>
